<compile_context>
chip_gen: v7x
topology: tpu7x:2x2x1
jax: 0.10.2.dev20260603
libtpu: 0.0.44.dev20260713+nightly
codegen_flags: <defaults>
</compile_context>

<pallas_src>
import functools

import jax
import jax.numpy as jnp
from jax import lax
from jax.experimental import pallas as pl
from jax.experimental.pallas import tpu as pltpu
from jax.experimental.pallas import tpu_sc as plsc

N = 10000
D_IN, D_HID, D_OUT = 128, 64, 16
E = 320000
NC, NS, L = 2, 16, 16
NW = NC * NS
CH = 128
CPT = 80
EPAD = NW * CPT * CH
PADV = N
NROWS = 10240
RPS = NROWS // NS
NSTG = 10016

_mesh = plsc.VectorSubcoreMesh(core_axis_name="c", subcore_axis_name="s")
_f32 = jnp.float32
_sc_params = pltpu.CompilerParams(use_tc_tiling_on_sc=False)



@functools.partial(
    pl.kernel,
    out_type=jax.ShapeDtypeStruct((NC, NROWS, L), _f32),
    mesh=_mesh,
    scratch_types=[
        pltpu.VMEM((CPT, CH), jnp.int32),
        pltpu.VMEM((CH, L), _f32),
        pltpu.VMEM((CH, L), _f32),
        pltpu.VMEM_SHARED((NROWS, L), _f32),
        pltpu.SemaphoreType.DMA,
    ],
    compiler_params=_sc_params,
)
def _sc_hist(edge_hbm, out_hbm, dstv, ones, zbuf, hist_sh, sem):
    cid = lax.axis_index("c")
    sid = lax.axis_index("s")
    wid = cid * NS + sid

    @pl.loop(0, CH)
    def _(i):
        ones.at[i][...] = jnp.full((L,), 1.0, _f32)
        zbuf.at[i][...] = jnp.zeros((L,), _f32)

    @pl.loop(0, RPS // CH)
    def _(k):
        pltpu.sync_copy(zbuf, hist_sh.at[pl.ds(sid * RPS + k * CH, CH)])

    pltpu.sync_copy(edge_hbm.at[1, wid], dstv)
    plsc.subcore_barrier()

    NF = 16

    def fire(base):
        @pl.loop(0, NF)
        def _(i):
            pltpu.async_copy(ones, hist_sh.at[dstv.at[base + i]], sem,
                             add=True)

    def drain():
        @pl.loop(0, NF)
        def _(i):
            pltpu.make_async_copy(ones, hist_sh.at[dstv.at[0]], sem).wait()

    fire(0)

    @pl.loop(0, CPT - NF, step=NF)
    def _(j):
        fire(j + NF)
        drain()

    drain()
    plsc.subcore_barrier()
    pltpu.sync_copy(hist_sh.at[pl.ds(sid * RPS, RPS)],
                    out_hbm.at[cid, pl.ds(sid * RPS, RPS)])


def _make_sc_agg(d_feat, grp):
    assert CPT % (2 * grp) == 0
    n_bufs = 2 * grp
    scratch = (
        [pltpu.VMEM((CPT, CH), jnp.int32)]
        + [pltpu.VMEM((CH, d_feat), _f32) for _ in range(n_bufs)]
        + [pltpu.VMEM((grp, CH), jnp.int32),
           pltpu.VMEM((grp, CH), jnp.int32),
           pltpu.VMEM_SHARED((NROWS, d_feat), _f32),
           pltpu.VMEM_SHARED((NSTG, d_feat), _f32),
           pltpu.SemaphoreType.DMA,
           pltpu.SemaphoreType.DMA,
           pltpu.SemaphoreType.DMA,
           pltpu.SemaphoreType.DMA,
           pltpu.SemaphoreType.DMA,
           pltpu.SemaphoreType.DMA]
    )

    @functools.partial(
        pl.kernel,
        out_type=jax.ShapeDtypeStruct((NC, NROWS, 128), _f32),
        mesh=_mesh,
        scratch_types=scratch,
        compiler_params=_sc_params,
    )
    def _sc_agg(g_hbm, edge_hbm, out_hbm, srcv, *rest):
        buf_a = rest[:grp]
        buf_b = rest[grp:n_bufs]
        (dvb_a, dvb_b, acc_sh, g_sh, sem_ga, sem_gb, sem_sa, sem_sb,
         sem_ia, sem_ib) = rest[n_bufs:n_bufs + 10]
        sem_i = {id(dvb_a): sem_ia, id(dvb_b): sem_ib}
        zbuf = buf_a[0]

        cid = lax.axis_index("c")
        sid = lax.axis_index("s")
        wid = cid * NS + sid

        def fire_gathers(bufs, dvb, sem, base):
            for i in range(grp):
                pltpu.async_copy(g_sh.at[srcv.at[base + i]], bufs[i], sem)
            pltpu.async_copy(edge_hbm.at[1, wid, pl.ds(base, grp)], dvb,
                             sem_i[id(dvb)])

        def drain_gathers(bufs, dvb, sem):
            for i in range(grp):
                pltpu.make_async_copy(g_sh.at[srcv.at[0]], bufs[i],
                                      sem).wait()
            pltpu.make_async_copy(edge_hbm.at[1, wid, pl.ds(0, grp)], dvb,
                                  sem_i[id(dvb)]).wait()

        def fire_scatters(bufs, dvb, sem):
            for i in range(grp):
                pltpu.async_copy(bufs[i], acc_sh.at[dvb.at[i]], sem,
                                 add=True)

        def drain_scatters(bufs, dvb, sem):
            for i in range(grp):
                pltpu.make_async_copy(bufs[i], acc_sh.at[dvb.at[0]],
                                      sem).wait()

        @pl.loop(0, CH)
        def _(i):
            @pl.loop(0, d_feat, step=L)
            def _(c):
                zbuf.at[i, pl.ds(c, L)][...] = jnp.zeros((L,), _f32)

        @pl.loop(0, RPS // CH)
        def _(k):
            pltpu.sync_copy(zbuf, acc_sh.at[pl.ds(sid * RPS + k * CH, CH)])

        pltpu.sync_copy(edge_hbm.at[0, wid], srcv)
        rps_g = N // NS
        pltpu.sync_copy(
            g_hbm.at[pl.ds(sid * rps_g, rps_g), pl.ds(0, d_feat)],
            g_sh.at[pl.ds(sid * rps_g, rps_g)])
        plsc.subcore_barrier()

        fire_gathers(buf_a, dvb_a, sem_ga, 0)

        @pl.loop(0, CPT, step=2 * grp)
        def _(j):
            drain_gathers(buf_a, dvb_a, sem_ga)
            fire_scatters(buf_a, dvb_a, sem_sa)

            @pl.when(j > 0)
            def _():
                drain_scatters(buf_b, dvb_b, sem_sb)

            fire_gathers(buf_b, dvb_b, sem_gb, j + grp)
            drain_gathers(buf_b, dvb_b, sem_gb)
            fire_scatters(buf_b, dvb_b, sem_sb)
            drain_scatters(buf_a, dvb_a, sem_sa)

            @pl.when(j + 2 * grp < CPT)
            def _():
                fire_gathers(buf_a, dvb_a, sem_ga, j + 2 * grp)

        drain_scatters(buf_b, dvb_b, sem_sb)
        plsc.subcore_barrier()
        pltpu.sync_copy(acc_sh.at[pl.ds(sid * RPS, RPS)],
                        out_hbm.at[cid, pl.ds(sid * RPS, RPS),
                                   pl.ds(0, d_feat)])

    return _sc_agg


_sc_agg1 = _make_sc_agg(D_HID, 2)
_sc_agg2 = _make_sc_agg(D_OUT, 8)



def _mm1_body(x_ref, w_ref, o_ref):
    o_ref[...] = jnp.dot(x_ref[...], w_ref[...],
                         preferred_element_type=_f32)


def _dis(hist_ref):
    deg = hist_ref[0, 0:N, 0:1] + hist_ref[1, 0:N, 0:1] + 1.0
    return lax.rsqrt(deg)


def _scale_body(hist_ref, h_ref, g_ref):
    g_ref[:, 0:D_HID] = _dis(hist_ref) * h_ref[...]


def _mid_body(hist_ref, acc_ref, h1_ref, b1_ref, w2_ref, h2_ref, g2_ref):
    dis = _dis(hist_ref)
    s = acc_ref[0, 0:N, 0:D_HID] + acc_ref[1, 0:N, 0:D_HID]
    out1 = jnp.maximum(dis * s + (dis * dis) * h1_ref[...] + b1_ref[...], 0.0)
    h2 = jnp.dot(out1, w2_ref[...], preferred_element_type=_f32)
    h2_ref[...] = h2
    g2_ref[:, 0:D_OUT] = dis * h2


def _out_body(hist_ref, acc_ref, h2_ref, b2_ref, o_ref):
    dis = _dis(hist_ref)
    s = acc_ref[0, 0:N, 0:D_OUT] + acc_ref[1, 0:N, 0:D_OUT]
    o_ref[...] = dis * s + (dis * dis) * h2_ref[...] + b2_ref[...]



def kernel(x, edge_index, W1, b1, W2, b2):
    ei = jnp.pad(edge_index.astype(jnp.int32), ((0, 0), (0, EPAD - E)),
                 constant_values=PADV)
    edge4 = ei.reshape(2, NW, CPT, CH)

    hist = _sc_hist(edge4)

    h1 = pl.pallas_call(
        _mm1_body,
        out_shape=jax.ShapeDtypeStruct((N, D_HID), _f32),
    )(x, W1)

    g1 = pl.pallas_call(
        _scale_body,
        out_shape=jax.ShapeDtypeStruct((N, 128), _f32),
    )(hist, h1)

    acc1 = _sc_agg1(g1, edge4)

    h2, g2 = pl.pallas_call(
        _mid_body,
        out_shape=[jax.ShapeDtypeStruct((N, D_OUT), _f32),
                   jax.ShapeDtypeStruct((N, 128), _f32)],
    )(hist, acc1, h1, b1.reshape(1, D_HID), W2)

    acc2 = _sc_agg2(g2, edge4)

    out = pl.pallas_call(
        _out_body,
        out_shape=jax.ShapeDtypeStruct((N, D_OUT), _f32),
    )(hist, acc2, h2, b2.reshape(1, D_OUT))

    return out

# --- scband reference (transcript-rebuilt; emitter-appended) ---
"""Pipeline reference for scband-gnn-13821204758889 (READ-ONLY COPY).

The authoritative reference and input builder live on the scoring server;
editing this copy changes nothing except your own understanding.
"""

import jax, jax.numpy as jnp
import numpy as np

N_NODES = 10000
D_IN, D_HID, D_OUT = 128, 64, 16


def setup_inputs(seed: int = 0) -> dict:
    key = jax.random.key(seed)
    k1, k2, k3, k4 = jax.random.split(key, 4)
    x = jax.random.normal(k1, (N_NODES, D_IN), dtype=jnp.float32)
    edge_index = jax.random.randint(k2, (2, 320000), 0, N_NODES, dtype=jnp.int64)
    # Xavier-uniform initialized GCN layer weights (PyG GCNConv: lin weight [out,in] -> use [in,out] here)
    def xavier(k, fan_in, fan_out):
        a = float(np.sqrt(6.0 / (fan_in + fan_out)))
        return jax.random.uniform(k, (fan_in, fan_out), dtype=jnp.float32, minval=-a, maxval=a)
    W1 = xavier(k3, D_IN, D_HID)
    b1 = jnp.zeros((D_HID,), dtype=jnp.float32)
    W2 = xavier(k4, D_HID, D_OUT)
    b2 = jnp.zeros((D_OUT,), dtype=jnp.float32)
    return {"x": x, "edge_index": edge_index, "W1": W1, "b1": b1, "W2": W2, "b2": b2}


def _gcn_conv(x, edge_index, W, b, num_nodes):
    # Add self-loops (PyG GCNConv default)
    loops = jnp.arange(num_nodes, dtype=edge_index.dtype)
    src = jnp.concatenate([edge_index[0], loops])
    dst = jnp.concatenate([edge_index[1], loops])
    # Symmetric normalization: deg computed over destination nodes (with self-loops)
    ones = jnp.ones(dst.shape[0], dtype=jnp.float32)
    deg = jnp.zeros((num_nodes,), dtype=jnp.float32).at[dst].add(ones)
    deg_inv_sqrt = jnp.where(deg > 0, jax.lax.rsqrt(jnp.maximum(deg, 1e-12)), 0.0)
    norm = deg_inv_sqrt[src] * deg_inv_sqrt[dst]
    h = x @ W
    msgs = h[src] * norm[:, None]
    out = jnp.zeros((num_nodes, h.shape[1]), dtype=h.dtype).at[dst].add(msgs)
    return out + b


def reference(x, edge_index, W1, b1, W2, b2):
    h = _gcn_conv(x, edge_index, W1, b1, N_NODES)
    h = jax.nn.relu(h)
    # dropout p=0.1 is identity in eval mode
    out = _gcn_conv(h, edge_index, W2, b2, N_NODES)
    return out

if __name__ == "__main__":
    import jax
    _d = setup_inputs()
    print(jax.jit(kernel)(*tuple(_d.values())))

</pallas_src>

<mosaic_0001>
#map = affine_map<(d0, d1) -> (0, 0)>
#map1 = affine_map<(d0, d1) -> (0, 0, 0, 0)>
#map2 = affine_map<(d0, d1) -> (0, 0, 0)>
module attributes {stable_mosaic.version = 14 : i64} {
  func.func @_sc_agg(%arg0: i32, %arg1: i32, %arg2: memref<10000x128xf32, #tpu.memory_space<hbm>>, %arg3: memref<2x32x80x128xi32, #tpu.memory_space<hbm>>, %arg4: memref<2x10240x128xf32, #tpu.memory_space<hbm>>, %arg5: memref<80x128xi32, #tpu.memory_space<vmem>>, %arg6: memref<128x64xf32, #tpu.memory_space<vmem>>, %arg7: memref<128x64xf32, #tpu.memory_space<vmem>>, %arg8: memref<128x64xf32, #tpu.memory_space<vmem>>, %arg9: memref<128x64xf32, #tpu.memory_space<vmem>>, %arg10: memref<2x128xi32, #tpu.memory_space<vmem>>, %arg11: memref<2x128xi32, #tpu.memory_space<vmem>>, %arg12: memref<10240x64xf32, #tpu.memory_space<vmem_shared>>, %arg13: memref<10016x64xf32, #tpu.memory_space<vmem_shared>>, %arg14: memref<!tpu.dma_semaphore, #tpu.memory_space<semaphore_mem>>, %arg15: memref<!tpu.dma_semaphore, #tpu.memory_space<semaphore_mem>>, %arg16: memref<!tpu.dma_semaphore, #tpu.memory_space<semaphore_mem>>, %arg17: memref<!tpu.dma_semaphore, #tpu.memory_space<semaphore_mem>>, %arg18: memref<!tpu.dma_semaphore, #tpu.memory_space<semaphore_mem>>, %arg19: memref<!tpu.dma_semaphore, #tpu.memory_space<semaphore_mem>>) attributes {dimension_semantics = [#tpu.dimension_semantics<core_parallel>, #tpu.dimension_semantics<subcore_parallel>], iteration_bounds = array<i64: 2, 16>, scalar_prefetch = 0 : i64, scratch_operands = 15 : i64, tpu.core_type = #tpu.core_type<sc_vector_subcore>, window_params = [{transform_indices = #map}, {transform_indices = #map1}, {transform_indices = #map2}]} {
    %mul3A = arith.constant 16 : i32
    %mul3A_0 = arith.muli %arg0, %mul3A : i32
    %add3A = arith.addi %mul3A_0, %arg1 : i32
    %scan3A = arith.constant 0 : i32
    %scan3A_1 = arith.constant 128 : i32
    %scan3A_2 = arith.addi %scan3A, %scan3A_1 : i32
    %scan3A_3 = arith.constant 1 : i32
    scf.for %scan3A_59 = %scan3A to %scan3A_2 step %scan3A_3  : i32 {
      %mul3A_60 = arith.constant 1 : i32
      %mul3A_61 = arith.muli %scan3A_59, %mul3A_60 : i32
      %add3A_62 = arith.constant 0 : i32
      %add3A_63 = arith.addi %add3A_62, %mul3A_61 : i32
      %scan3A_64 = arith.constant 0 : i32
      %scan3A_65 = arith.constant 4 : i32
      %scan3A_66 = arith.addi %scan3A_64, %scan3A_65 : i32
      %scan3A_67 = arith.constant 1 : i32
      scf.for %scan3A_69 = %scan3A_64 to %scan3A_66 step %scan3A_67  : i32 {
        %mul3A_70 = arith.constant 16 : i32
        %mul3A_71 = arith.muli %scan3A_69, %mul3A_70 : i32
        %add3A_72 = arith.constant 0 : i32
        %add3A_73 = arith.addi %add3A_72, %mul3A_71 : i32
        %broadcast_in_dim3A = arith.constant 0.000000e+00 : f32
        %broadcast_in_dim3A_74 = vector.broadcast %broadcast_in_dim3A : f32 to vector<16xf32>
        %swap3A = arith.index_cast %add3A_63 : i32 to index
        %swap3A_75 = arith.index_cast %add3A_73 : i32 to index
        %swap3A_76 = tpu.vector_load %arg6[%swap3A, %swap3A_75] {strides = array<i32>} : memref<128x64xf32, #tpu.memory_space<vmem>>, vector<1x16xf32>,
        %swap3A_77 = vector.shape_cast %swap3A_76 : vector<1x16xf32> to vector<16xf32>
        %swap3A_78 = vector.shape_cast %broadcast_in_dim3A_74 : vector<16xf32> to vector<1x16xf32>
        tpu.vector_store %arg6[%swap3A, %swap3A_75], %swap3A_78 {strides = array<i32>} : memref<128x64xf32, #tpu.memory_space<vmem>>, vector<1x16xf32>,
      }
      %scan3A_68 = arith.constant 4 : i32
    }
    %scan3A_4 = arith.constant 128 : i32
    %scan3A_5 = arith.constant 0 : i32
    %scan3A_6 = arith.constant 5 : i32
    %scan3A_7 = arith.addi %scan3A_5, %scan3A_6 : i32
    %scan3A_8 = arith.constant 1 : i32
    scf.for %scan3A_59 = %scan3A_5 to %scan3A_7 step %scan3A_8  : i32 {
      %mul3A_60 = arith.constant 1 : i32
      %mul3A_61 = arith.muli %scan3A_59, %mul3A_60 : i32
      %add3A_62 = arith.constant 0 : i32
      %add3A_63 = arith.addi %add3A_62, %mul3A_61 : i32
      %mul3A_64 = arith.constant 640 : i32
      %mul3A_65 = arith.muli %arg1, %mul3A_64 : i32
      %mul3A_66 = arith.constant 128 : i32
      %mul3A_67 = arith.muli %add3A_63, %mul3A_66 : i32
      %add3A_68 = arith.addi %mul3A_65, %mul3A_67 : i32
      "tpu.region"() ({
        %run_scoped3A_69 = tpu.sem_alloc : memref<!tpu.dma_semaphore, #tpu.memory_space<semaphore_mem>>
        %dma_start3A_70 = arith.constant 0 : i32
        %dma_start3A_71 = tpu.memref_slice %arg12[%add3A_68, %dma_start3A_70] : memref<10240x64xf32, #tpu.memory_space<vmem_shared>> -> memref<128x64xf32, #tpu.memory_space<vmem_shared>>
        %dma_start3A_72 = arith.constant 0 : i32
        %dma_start3A_73 = tpu.memref_slice %arg12[%add3A_68, %dma_start3A_72] : memref<10240x64xf32, #tpu.memory_space<vmem_shared>> -> memref<128x64xf32, #tpu.memory_space<vmem_shared>>
        tpu.enqueue_dma source(%arg6 : memref<128x64xf32, #tpu.memory_space<vmem>>) target(%dma_start3A_73 : memref<128x64xf32, #tpu.memory_space<vmem_shared>>) target_semaphore(%run_scoped3A_69 : memref<!tpu.dma_semaphore, #tpu.memory_space<semaphore_mem>>)
        %dma_wait3A_74 = arith.constant 0 : i32
        %dma_wait3A_75 = tpu.memref_slice %arg12[%add3A_68, %dma_wait3A_74] : memref<10240x64xf32, #tpu.memory_space<vmem_shared>> -> memref<128x64xf32, #tpu.memory_space<vmem_shared>>
        %dma_wait3A_76 = arith.constant 0 : i32
        %dma_wait3A_77 = tpu.memref_slice %arg12[%add3A_68, %dma_wait3A_76] : memref<10240x64xf32, #tpu.memory_space<vmem_shared>> -> memref<128x64xf32, #tpu.memory_space<vmem_shared>>
        tpu.wait_dma2 semaphore(%run_scoped3A_69 : memref<!tpu.dma_semaphore, #tpu.memory_space<semaphore_mem>>) src(%arg6 : memref<128x64xf32, #tpu.memory_space<vmem>>) dst(%dma_wait3A_77 : memref<128x64xf32, #tpu.memory_space<vmem_shared>>)
        tpu.yield
      }) : () -> ()
    }
    %scan3A_9 = arith.constant 5 : i32
    %run_scoped3A = arith.constant 0 : i32
    "tpu.region"() ({
      %run_scoped3A_59 = tpu.sem_alloc : memref<!tpu.dma_semaphore, #tpu.memory_space<semaphore_mem>>
      %dma_start3A_60 = arith.constant 0 : i32
      %dma_start3A_61 = arith.constant 0 : i32
      %dma_start3A_62 = tpu.memref_slice %arg3[%run_scoped3A, %add3A, %dma_start3A_60, %dma_start3A_61] : memref<2x32x80x128xi32, #tpu.memory_space<hbm>> -> memref<1x1x80x128xi32, #tpu.memory_space<hbm>>
      %dma_start3A_63 = tpu.memref_squeeze %dma_start3A_62 : memref<1x1x80x128xi32, #tpu.memory_space<hbm>> -> memref<80x128xi32, #tpu.memory_space<hbm>>
      %dma_start3A_64 = arith.constant 0 : i32
      %dma_start3A_65 = arith.constant 0 : i32
      %dma_start3A_66 = tpu.memref_slice %arg3[%run_scoped3A, %add3A, %dma_start3A_64, %dma_start3A_65] : memref<2x32x80x128xi32, #tpu.memory_space<hbm>> -> memref<1x1x80x128xi32, #tpu.memory_space<hbm>>
      %dma_start3A_67 = tpu.memref_squeeze %dma_start3A_66 : memref<1x1x80x128xi32, #tpu.memory_space<hbm>> -> memref<80x128xi32, #tpu.memory_space<hbm>>
      tpu.enqueue_dma source(%dma_start3A_67 : memref<80x128xi32, #tpu.memory_space<hbm>>) target(%arg5 : memref<80x128xi32, #tpu.memory_space<vmem>>) target_semaphore(%run_scoped3A_59 : memref<!tpu.dma_semaphore, #tpu.memory_space<semaphore_mem>>)
      %dma_wait3A_68 = arith.constant 0 : i32
      %dma_wait3A_69 = arith.constant 0 : i32
      %dma_wait3A_70 = tpu.memref_slice %arg3[%run_scoped3A, %add3A, %dma_wait3A_68, %dma_wait3A_69] : memref<2x32x80x128xi32, #tpu.memory_space<hbm>> -> memref<1x1x80x128xi32, #tpu.memory_space<hbm>>
      %dma_wait3A_71 = tpu.memref_squeeze %dma_wait3A_70 : memref<1x1x80x128xi32, #tpu.memory_space<hbm>> -> memref<80x128xi32, #tpu.memory_space<hbm>>
      %dma_wait3A_72 = arith.constant 0 : i32
      %dma_wait3A_73 = arith.constant 0 : i32
      %dma_wait3A_74 = tpu.memref_slice %arg3[%run_scoped3A, %add3A, %dma_wait3A_72, %dma_wait3A_73] : memref<2x32x80x128xi32, #tpu.memory_space<hbm>> -> memref<1x1x80x128xi32, #tpu.memory_space<hbm>>
      %dma_wait3A_75 = tpu.memref_squeeze %dma_wait3A_74 : memref<1x1x80x128xi32, #tpu.memory_space<hbm>> -> memref<80x128xi32, #tpu.memory_space<hbm>>
      tpu.wait_dma2 semaphore(%run_scoped3A_59 : memref<!tpu.dma_semaphore, #tpu.memory_space<semaphore_mem>>) src(%dma_wait3A_75 : memref<80x128xi32, #tpu.memory_space<hbm>>) dst(%arg5 : memref<80x128xi32, #tpu.memory_space<vmem>>)
      tpu.yield
    }) : () -> ()
    %mul3A_10 = arith.constant 625 : i32
    %mul3A_11 = arith.muli %arg1, %mul3A_10 : i32
    %mul3A_12 = arith.constant 625 : i32
    %mul3A_13 = arith.muli %arg1, %mul3A_12 : i32
    "tpu.region"() ({
      %run_scoped3A_59 = tpu.sem_alloc : memref<!tpu.dma_semaphore, #tpu.memory_space<semaphore_mem>>
      %dma_start3A_60 = arith.constant 0 : i32
      %dma_start3A_61 = tpu.memref_slice %arg13[%mul3A_13, %dma_start3A_60] : memref<10016x64xf32, #tpu.memory_space<vmem_shared>> -> memref<625x64xf32, #tpu.memory_space<vmem_shared>>
      %dma_start3A_62 = arith.constant 0 : i32
      %dma_start3A_63 = tpu.memref_slice %arg2[%mul3A_11, %dma_start3A_62] : memref<10000x128xf32, #tpu.memory_space<hbm>> -> memref<625x64xf32, #tpu.memory_space<hbm>>
      tpu.enqueue_dma source(%dma_start3A_63 : memref<625x64xf32, #tpu.memory_space<hbm>>) target(%dma_start3A_61 : memref<625x64xf32, #tpu.memory_space<vmem_shared>>) target_semaphore(%run_scoped3A_59 : memref<!tpu.dma_semaphore, #tpu.memory_space<semaphore_mem>>)
      %dma_wait3A_64 = arith.constant 0 : i32
      %dma_wait3A_65 = tpu.memref_slice %arg13[%mul3A_13, %dma_wait3A_64] : memref<10016x64xf32, #tpu.memory_space<vmem_shared>> -> memref<625x64xf32, #tpu.memory_space<vmem_shared>>
      %dma_wait3A_66 = arith.constant 0 : i32
      %dma_wait3A_67 = tpu.memref_slice %arg2[%mul3A_11, %dma_wait3A_66] : memref<10000x128xf32, #tpu.memory_space<hbm>> -> memref<625x64xf32, #tpu.memory_space<hbm>>
      tpu.wait_dma2 semaphore(%run_scoped3A_59 : memref<!tpu.dma_semaphore, #tpu.memory_space<semaphore_mem>>) src(%dma_wait3A_67 : memref<625x64xf32, #tpu.memory_space<hbm>>) dst(%dma_wait3A_65 : memref<625x64xf32, #tpu.memory_space<vmem_shared>>)
      tpu.yield
    }) : () -> ()
    %barrier3A = arith.constant 0 : index
    tpu.barrier barrier_id(%barrier3A)
    %dma_start3A = arith.constant 0 : i32
    %dma_start3A_14 = arith.constant 0 : i32
    %dma_start3A_15 = tpu.memref_slice %arg5[%dma_start3A, %dma_start3A_14] : memref<80x128xi32, #tpu.memory_space<vmem>> -> memref<1x128xi32, #tpu.memory_space<vmem>>
    %dma_start3A_16 = tpu.memref_squeeze %dma_start3A_15 : memref<1x128xi32, #tpu.memory_space<vmem>> -> memref<128xi32, #tpu.memory_space<vmem>>
    %dma_start3A_17 = arith.constant 0 : i32
    %dma_start3A_18 = arith.constant 0 : i32
    %dma_start3A_19 = tpu.memref_slice %arg13[%dma_start3A_17, %dma_start3A_18] : memref<10016x64xf32, #tpu.memory_space<vmem_shared>> -> memref<10016x64xf32, #tpu.memory_space<vmem_shared>>
    tpu.enqueue_indirect_dma source(%dma_start3A_19 : memref<10016x64xf32, #tpu.memory_space<vmem_shared>>) target(%arg6 : memref<128x64xf32, #tpu.memory_space<vmem>>) offsets(%dma_start3A_16 : memref<128xi32, #tpu.memory_space<vmem>>) semaphore(%arg14 : memref<!tpu.dma_semaphore, #tpu.memory_space<semaphore_mem>>)
    %dma_start3A_20 = arith.constant 1 : i32
    %dma_start3A_21 = arith.constant 0 : i32
    %dma_start3A_22 = tpu.memref_slice %arg5[%dma_start3A_20, %dma_start3A_21] : memref<80x128xi32, #tpu.memory_space<vmem>> -> memref<1x128xi32, #tpu.memory_space<vmem>>
    %dma_start3A_23 = tpu.memref_squeeze %dma_start3A_22 : memref<1x128xi32, #tpu.memory_space<vmem>> -> memref<128xi32, #tpu.memory_space<vmem>>
    %dma_start3A_24 = arith.constant 0 : i32
    %dma_start3A_25 = arith.constant 0 : i32
    %dma_start3A_26 = tpu.memref_slice %arg13[%dma_start3A_24, %dma_start3A_25] : memref<10016x64xf32, #tpu.memory_space<vmem_shared>> -> memref<10016x64xf32, #tpu.memory_space<vmem_shared>>
    tpu.enqueue_indirect_dma source(%dma_start3A_26 : memref<10016x64xf32, #tpu.memory_space<vmem_shared>>) target(%arg7 : memref<128x64xf32, #tpu.memory_space<vmem>>) offsets(%dma_start3A_23 : memref<128xi32, #tpu.memory_space<vmem>>) semaphore(%arg14 : memref<!tpu.dma_semaphore, #tpu.memory_space<semaphore_mem>>)
    %dma_start3A_27 = arith.constant 1 : i32
    %dma_start3A_28 = arith.constant 0 : i32
    %dma_start3A_29 = arith.constant 0 : i32
    %dma_start3A_30 = tpu.memref_slice %arg3[%dma_start3A_27, %add3A, %dma_start3A_28, %dma_start3A_29] : memref<2x32x80x128xi32, #tpu.memory_space<hbm>> -> memref<1x1x2x128xi32, #tpu.memory_space<hbm>>
    %dma_start3A_31 = tpu.memref_squeeze %dma_start3A_30 : memref<1x1x2x128xi32, #tpu.memory_space<hbm>> -> memref<2x128xi32, #tpu.memory_space<hbm>>
    %dma_start3A_32 = arith.constant 0 : i32
    %dma_start3A_33 = arith.constant 0 : i32
    %dma_start3A_34 = tpu.memref_slice %arg3[%dma_start3A_27, %add3A, %dma_start3A_32, %dma_start3A_33] : memref<2x32x80x128xi32, #tpu.memory_space<hbm>> -> memref<1x1x2x128xi32, #tpu.memory_space<hbm>>
    %dma_start3A_35 = tpu.memref_squeeze %dma_start3A_34 : memref<1x1x2x128xi32, #tpu.memory_space<hbm>> -> memref<2x128xi32, #tpu.memory_space<hbm>>
    tpu.enqueue_dma source(%dma_start3A_35 : memref<2x128xi32, #tpu.memory_space<hbm>>) target(%arg10 : memref<2x128xi32, #tpu.memory_space<vmem>>) target_semaphore(%arg18 : memref<!tpu.dma_semaphore, #tpu.memory_space<semaphore_mem>>)
    %scan3A_36 = arith.constant 0 : i32
    %scan3A_37 = arith.constant 20 : i32
    %scan3A_38 = arith.addi %scan3A_36, %scan3A_37 : i32
    %scan3A_39 = arith.constant 1 : i32
    scf.for %scan3A_59 = %scan3A_36 to %scan3A_38 step %scan3A_39  : i32 {
      %mul3A_60 = arith.constant 4 : i32
      %mul3A_61 = arith.muli %scan3A_59, %mul3A_60 : i32
      %add3A_62 = arith.constant 0 : i32
      %add3A_63 = arith.addi %add3A_62, %mul3A_61 : i32
      %dma_wait3A_64 = arith.constant 0 : i32
      %dma_wait3A_65 = arith.constant 0 : i32
      %dma_wait3A_66 = tpu.memref_slice %arg5[%dma_wait3A_64, %dma_wait3A_65] : memref<80x128xi32, #tpu.memory_space<vmem>> -> memref<1x128xi32, #tpu.memory_space<vmem>>
      %dma_wait3A_67 = tpu.memref_squeeze %dma_wait3A_66 : memref<1x128xi32, #tpu.memory_space<vmem>> -> memref<128xi32, #tpu.memory_space<vmem>>
      %dma_wait3A_68 = arith.constant 0 : i32
      %dma_wait3A_69 = arith.constant 0 : i32
      %dma_wait3A_70 = tpu.memref_slice %arg13[%dma_wait3A_68, %dma_wait3A_69] : memref<10016x64xf32, #tpu.memory_space<vmem_shared>> -> memref<10016x64xf32, #tpu.memory_space<vmem_shared>>
      tpu.wait_indirect_dma semaphore(%arg14 : memref<!tpu.dma_semaphore, #tpu.memory_space<semaphore_mem>>) src(%dma_wait3A_70 : memref<10016x64xf32, #tpu.memory_space<vmem_shared>>) dst(%arg6 : memref<128x64xf32, #tpu.memory_space<vmem>>)
      %dma_wait3A_71 = arith.constant 0 : i32
      %dma_wait3A_72 = arith.constant 0 : i32
      %dma_wait3A_73 = tpu.memref_slice %arg5[%dma_wait3A_71, %dma_wait3A_72] : memref<80x128xi32, #tpu.memory_space<vmem>> -> memref<1x128xi32, #tpu.memory_space<vmem>>
      %dma_wait3A_74 = tpu.memref_squeeze %dma_wait3A_73 : memref<1x128xi32, #tpu.memory_space<vmem>> -> memref<128xi32, #tpu.memory_space<vmem>>
      %dma_wait3A_75 = arith.constant 0 : i32
      %dma_wait3A_76 = arith.constant 0 : i32
      %dma_wait3A_77 = tpu.memref_slice %arg13[%dma_wait3A_75, %dma_wait3A_76] : memref<10016x64xf32, #tpu.memory_space<vmem_shared>> -> memref<10016x64xf32, #tpu.memory_space<vmem_shared>>
      tpu.wait_indirect_dma semaphore(%arg14 : memref<!tpu.dma_semaphore, #tpu.memory_space<semaphore_mem>>) src(%dma_wait3A_77 : memref<10016x64xf32, #tpu.memory_space<vmem_shared>>) dst(%arg7 : memref<128x64xf32, #tpu.memory_space<vmem>>)
      %dma_wait3A_78 = arith.constant 1 : i32
      %dma_wait3A_79 = arith.constant 0 : i32
      %dma_wait3A_80 = arith.constant 0 : i32
      %dma_wait3A_81 = tpu.memref_slice %arg3[%dma_wait3A_78, %add3A, %dma_wait3A_79, %dma_wait3A_80] : memref<2x32x80x128xi32, #tpu.memory_space<hbm>> -> memref<1x1x2x128xi32, #tpu.memory_space<hbm>>
      %dma_wait3A_82 = tpu.memref_squeeze %dma_wait3A_81 : memref<1x1x2x128xi32, #tpu.memory_space<hbm>> -> memref<2x128xi32, #tpu.memory_space<hbm>>
      %dma_wait3A_83 = arith.constant 0 : i32
      %dma_wait3A_84 = arith.constant 0 : i32
      %dma_wait3A_85 = tpu.memref_slice %arg3[%dma_wait3A_78, %add3A, %dma_wait3A_83, %dma_wait3A_84] : memref<2x32x80x128xi32, #tpu.memory_space<hbm>> -> memref<1x1x2x128xi32, #tpu.memory_space<hbm>>
      %dma_wait3A_86 = tpu.memref_squeeze %dma_wait3A_85 : memref<1x1x2x128xi32, #tpu.memory_space<hbm>> -> memref<2x128xi32, #tpu.memory_space<hbm>>
      tpu.wait_dma2 semaphore(%arg18 : memref<!tpu.dma_semaphore, #tpu.memory_space<semaphore_mem>>) src(%dma_wait3A_86 : memref<2x128xi32, #tpu.memory_space<hbm>>) dst(%arg10 : memref<2x128xi32, #tpu.memory_space<vmem>>)
      %dma_start3A_87 = arith.constant 0 : i32
      %dma_start3A_88 = arith.constant 0 : i32
      %dma_start3A_89 = tpu.memref_slice %arg10[%dma_start3A_87, %dma_start3A_88] : memref<2x128xi32, #tpu.memory_space<vmem>> -> memref<1x128xi32, #tpu.memory_space<vmem>>
      %dma_start3A_90 = tpu.memref_squeeze %dma_start3A_89 : memref<1x128xi32, #tpu.memory_space<vmem>> -> memref<128xi32, #tpu.memory_space<vmem>>
      %dma_start3A_91 = arith.constant 0 : i32
      %dma_start3A_92 = arith.constant 0 : i32
      %dma_start3A_93 = tpu.memref_slice %arg12[%dma_start3A_91, %dma_start3A_92] : memref<10240x64xf32, #tpu.memory_space<vmem_shared>> -> memref<10240x64xf32, #tpu.memory_space<vmem_shared>>
      tpu.enqueue_indirect_dma source(%arg6 : memref<128x64xf32, #tpu.memory_space<vmem>>) target(%dma_start3A_93 : memref<10240x64xf32, #tpu.memory_space<vmem_shared>>) offsets(%dma_start3A_90 : memref<128xi32, #tpu.memory_space<vmem>>) semaphore(%arg16 : memref<!tpu.dma_semaphore, #tpu.memory_space<semaphore_mem>>) {add = true}
      %dma_start3A_94 = arith.constant 1 : i32
      %dma_start3A_95 = arith.constant 0 : i32
      %dma_start3A_96 = tpu.memref_slice %arg10[%dma_start3A_94, %dma_start3A_95] : memref<2x128xi32, #tpu.memory_space<vmem>> -> memref<1x128xi32, #tpu.memory_space<vmem>>
      %dma_start3A_97 = tpu.memref_squeeze %dma_start3A_96 : memref<1x128xi32, #tpu.memory_space<vmem>> -> memref<128xi32, #tpu.memory_space<vmem>>
      %dma_start3A_98 = arith.constant 0 : i32
      %dma_start3A_99 = arith.constant 0 : i32
      %dma_start3A_100 = tpu.memref_slice %arg12[%dma_start3A_98, %dma_start3A_99] : memref<10240x64xf32, #tpu.memory_space<vmem_shared>> -> memref<10240x64xf32, #tpu.memory_space<vmem_shared>>
      tpu.enqueue_indirect_dma source(%arg7 : memref<128x64xf32, #tpu.memory_space<vmem>>) target(%dma_start3A_100 : memref<10240x64xf32, #tpu.memory_space<vmem_shared>>) offsets(%dma_start3A_97 : memref<128xi32, #tpu.memory_space<vmem>>) semaphore(%arg16 : memref<!tpu.dma_semaphore, #tpu.memory_space<semaphore_mem>>) {add = true}
      %gt3A = arith.constant 0 : i32
      %gt3A_101 = arith.cmpi sgt, %add3A_63, %gt3A : i32
      %convert_element_type3A = arith.extui %gt3A_101 : i1 to i32
      %cond3A = arith.constant 0 : i32
      %cond3A_102 = arith.cmpi ne, %convert_element_type3A, %cond3A : i32
      scf.if %cond3A_102 {
        %dma_wait3A_185 = arith.constant 0 : i32
        %dma_wait3A_186 = arith.constant 0 : i32
        %dma_wait3A_187 = tpu.memref_slice %arg11[%dma_wait3A_185, %dma_wait3A_186] : memref<2x128xi32, #tpu.memory_space<vmem>> -> memref<1x128xi32, #tpu.memory_space<vmem>>
        %dma_wait3A_188 = tpu.memref_squeeze %dma_wait3A_187 : memref<1x128xi32, #tpu.memory_space<vmem>> -> memref<128xi32, #tpu.memory_space<vmem>>
        %dma_wait3A_189 = arith.constant 0 : i32
        %dma_wait3A_190 = arith.constant 0 : i32
        %dma_wait3A_191 = tpu.memref_slice %arg12[%dma_wait3A_189, %dma_wait3A_190] : memref<10240x64xf32, #tpu.memory_space<vmem_shared>> -> memref<10240x64xf32, #tpu.memory_space<vmem_shared>>
        tpu.wait_indirect_dma semaphore(%arg17 : memref<!tpu.dma_semaphore, #tpu.memory_space<semaphore_mem>>) src(%arg8 : memref<128x64xf32, #tpu.memory_space<vmem>>) dst(%dma_wait3A_191 : memref<10240x64xf32, #tpu.memory_space<vmem_shared>>)
        %dma_wait3A_192 = arith.constant 0 : i32
        %dma_wait3A_193 = arith.constant 0 : i32
        %dma_wait3A_194 = tpu.memref_slice %arg11[%dma_wait3A_192, %dma_wait3A_193] : memref<2x128xi32, #tpu.memory_space<vmem>> -> memref<1x128xi32, #tpu.memory_space<vmem>>
        %dma_wait3A_195 = tpu.memref_squeeze %dma_wait3A_194 : memref<1x128xi32, #tpu.memory_space<vmem>> -> memref<128xi32, #tpu.memory_space<vmem>>
        %dma_wait3A_196 = arith.constant 0 : i32
        %dma_wait3A_197 = arith.constant 0 : i32
        %dma_wait3A_198 = tpu.memref_slice %arg12[%dma_wait3A_196, %dma_wait3A_197] : memref<10240x64xf32, #tpu.memory_space<vmem_shared>> -> memref<10240x64xf32, #tpu.memory_space<vmem_shared>>
        tpu.wait_indirect_dma semaphore(%arg17 : memref<!tpu.dma_semaphore, #tpu.memory_space<semaphore_mem>>) src(%arg9 : memref<128x64xf32, #tpu.memory_space<vmem>>) dst(%dma_wait3A_198 : memref<10240x64xf32, #tpu.memory_space<vmem_shared>>)
      } else {
      }
      %add3A_103 = arith.constant 2 : i32
      %add3A_104 = arith.addi %add3A_63, %add3A_103 : i32
      %add3A_105 = arith.constant 0 : i32
      %add3A_106 = arith.addi %add3A_104, %add3A_105 : i32
      %dma_start3A_107 = arith.constant 0 : i32
      %dma_start3A_108 = tpu.memref_slice %arg5[%add3A_106, %dma_start3A_107] : memref<80x128xi32, #tpu.memory_space<vmem>> -> memref<1x128xi32, #tpu.memory_space<vmem>>
      %dma_start3A_109 = tpu.memref_squeeze %dma_start3A_108 : memref<1x128xi32, #tpu.memory_space<vmem>> -> memref<128xi32, #tpu.memory_space<vmem>>
      %dma_start3A_110 = arith.constant 0 : i32
      %dma_start3A_111 = arith.constant 0 : i32
      %dma_start3A_112 = tpu.memref_slice %arg13[%dma_start3A_110, %dma_start3A_111] : memref<10016x64xf32, #tpu.memory_space<vmem_shared>> -> memref<10016x64xf32, #tpu.memory_space<vmem_shared>>
      tpu.enqueue_indirect_dma source(%dma_start3A_112 : memref<10016x64xf32, #tpu.memory_space<vmem_shared>>) target(%arg8 : memref<128x64xf32, #tpu.memory_space<vmem>>) offsets(%dma_start3A_109 : memref<128xi32, #tpu.memory_space<vmem>>) semaphore(%arg15 : memref<!tpu.dma_semaphore, #tpu.memory_space<semaphore_mem>>)
      %add3A_113 = arith.constant 1 : i32
      %add3A_114 = arith.addi %add3A_104, %add3A_113 : i32
      %dma_start3A_115 = arith.constant 0 : i32
      %dma_start3A_116 = tpu.memref_slice %arg5[%add3A_114, %dma_start3A_115] : memref<80x128xi32, #tpu.memory_space<vmem>> -> memref<1x128xi32, #tpu.memory_space<vmem>>
      %dma_start3A_117 = tpu.memref_squeeze %dma_start3A_116 : memref<1x128xi32, #tpu.memory_space<vmem>> -> memref<128xi32, #tpu.memory_space<vmem>>
      %dma_start3A_118 = arith.constant 0 : i32
      %dma_start3A_119 = arith.constant 0 : i32
      %dma_start3A_120 = tpu.memref_slice %arg13[%dma_start3A_118, %dma_start3A_119] : memref<10016x64xf32, #tpu.memory_space<vmem_shared>> -> memref<10016x64xf32, #tpu.memory_space<vmem_shared>>
      tpu.enqueue_indirect_dma source(%dma_start3A_120 : memref<10016x64xf32, #tpu.memory_space<vmem_shared>>) target(%arg9 : memref<128x64xf32, #tpu.memory_space<vmem>>) offsets(%dma_start3A_117 : memref<128xi32, #tpu.memory_space<vmem>>) semaphore(%arg15 : memref<!tpu.dma_semaphore, #tpu.memory_space<semaphore_mem>>)
      %dma_start3A_121 = arith.constant 1 : i32
      %dma_start3A_122 = arith.constant 0 : i32
      %dma_start3A_123 = tpu.memref_slice %arg3[%dma_start3A_121, %add3A, %add3A_104, %dma_start3A_122] : memref<2x32x80x128xi32, #tpu.memory_space<hbm>> -> memref<1x1x2x128xi32, #tpu.memory_space<hbm>>
      %dma_start3A_124 = tpu.memref_squeeze %dma_start3A_123 : memref<1x1x2x128xi32, #tpu.memory_space<hbm>> -> memref<2x128xi32, #tpu.memory_space<hbm>>
      %dma_start3A_125 = arith.constant 0 : i32
      %dma_start3A_126 = tpu.memref_slice %arg3[%dma_start3A_121, %add3A, %add3A_104, %dma_start3A_125] : memref<2x32x80x128xi32, #tpu.memory_space<hbm>> -> memref<1x1x2x128xi32, #tpu.memory_space<hbm>>
      %dma_start3A_127 = tpu.memref_squeeze %dma_start3A_126 : memref<1x1x2x128xi32, #tpu.memory_space<hbm>> -> memref<2x128xi32, #tpu.memory_space<hbm>>
      tpu.enqueue_dma source(%dma_start3A_127 : memref<2x128xi32, #tpu.memory_space<hbm>>) target(%arg11 : memref<2x128xi32, #tpu.memory_space<vmem>>) target_semaphore(%arg19 : memref<!tpu.dma_semaphore, #tpu.memory_space<semaphore_mem>>)
      %dma_wait3A_128 = arith.constant 0 : i32
      %dma_wait3A_129 = arith.constant 0 : i32
      %dma_wait3A_130 = tpu.memref_slice %arg5[%dma_wait3A_128, %dma_wait3A_129] : memref<80x128xi32, #tpu.memory_space<vmem>> -> memref<1x128xi32, #tpu.memory_space<vmem>>
      %dma_wait3A_131 = tpu.memref_squeeze %dma_wait3A_130 : memref<1x128xi32, #tpu.memory_space<vmem>> -> memref<128xi32, #tpu.memory_space<vmem>>
      %dma_wait3A_132 = arith.constant 0 : i32
      %dma_wait3A_133 = arith.constant 0 : i32
      %dma_wait3A_134 = tpu.memref_slice %arg13[%dma_wait3A_132, %dma_wait3A_133] : memref<10016x64xf32, #tpu.memory_space<vmem_shared>> -> memref<10016x64xf32, #tpu.memory_space<vmem_shared>>
      tpu.wait_indirect_dma semaphore(%arg15 : memref<!tpu.dma_semaphore, #tpu.memory_space<semaphore_mem>>) src(%dma_wait3A_134 : memref<10016x64xf32, #tpu.memory_space<vmem_shared>>) dst(%arg8 : memref<128x64xf32, #tpu.memory_space<vmem>>)
      %dma_wait3A_135 = arith.constant 0 : i32
      %dma_wait3A_136 = arith.constant 0 : i32
      %dma_wait3A_137 = tpu.memref_slice %arg5[%dma_wait3A_135, %dma_wait3A_136] : memref<80x128xi32, #tpu.memory_space<vmem>> -> memref<1x128xi32, #tpu.memory_space<vmem>>
      %dma_wait3A_138 = tpu.memref_squeeze %dma_wait3A_137 : memref<1x128xi32, #tpu.memory_space<vmem>> -> memref<128xi32, #tpu.memory_space<vmem>>
      %dma_wait3A_139 = arith.constant 0 : i32
      %dma_wait3A_140 = arith.constant 0 : i32
      %dma_wait3A_141 = tpu.memref_slice %arg13[%dma_wait3A_139, %dma_wait3A_140] : memref<10016x64xf32, #tpu.memory_space<vmem_shared>> -> memref<10016x64xf32, #tpu.memory_space<vmem_shared>>
      tpu.wait_indirect_dma semaphore(%arg15 : memref<!tpu.dma_semaphore, #tpu.memory_space<semaphore_mem>>) src(%dma_wait3A_141 : memref<10016x64xf32, #tpu.memory_space<vmem_shared>>) dst(%arg9 : memref<128x64xf32, #tpu.memory_space<vmem>>)
      %dma_wait3A_142 = arith.constant 1 : i32
      %dma_wait3A_143 = arith.constant 0 : i32
      %dma_wait3A_144 = arith.constant 0 : i32
      %dma_wait3A_145 = tpu.memref_slice %arg3[%dma_wait3A_142, %add3A, %dma_wait3A_143, %dma_wait3A_144] : memref<2x32x80x128xi32, #tpu.memory_space<hbm>> -> memref<1x1x2x128xi32, #tpu.memory_space<hbm>>
      %dma_wait3A_146 = tpu.memref_squeeze %dma_wait3A_145 : memref<1x1x2x128xi32, #tpu.memory_space<hbm>> -> memref<2x128xi32, #tpu.memory_space<hbm>>
      %dma_wait3A_147 = arith.constant 0 : i32
      %dma_wait3A_148 = arith.constant 0 : i32
      %dma_wait3A_149 = tpu.memref_slice %arg3[%dma_wait3A_142, %add3A, %dma_wait3A_147, %dma_wait3A_148] : memref<2x32x80x128xi32, #tpu.memory_space<hbm>> -> memref<1x1x2x128xi32, #tpu.memory_space<hbm>>
      %dma_wait3A_150 = tpu.memref_squeeze %dma_wait3A_149 : memref<1x1x2x128xi32, #tpu.memory_space<hbm>> -> memref<2x128xi32, #tpu.memory_space<hbm>>
      tpu.wait_dma2 semaphore(%arg19 : memref<!tpu.dma_semaphore, #tpu.memory_space<semaphore_mem>>) src(%dma_wait3A_150 : memref<2x128xi32, #tpu.memory_space<hbm>>) dst(%arg11 : memref<2x128xi32, #tpu.memory_space<vmem>>)
      %dma_start3A_151 = arith.constant 0 : i32
      %dma_start3A_152 = arith.constant 0 : i32
      %dma_start3A_153 = tpu.memref_slice %arg11[%dma_start3A_151, %dma_start3A_152] : memref<2x128xi32, #tpu.memory_space<vmem>> -> memref<1x128xi32, #tpu.memory_space<vmem>>
      %dma_start3A_154 = tpu.memref_squeeze %dma_start3A_153 : memref<1x128xi32, #tpu.memory_space<vmem>> -> memref<128xi32, #tpu.memory_space<vmem>>
      %dma_start3A_155 = arith.constant 0 : i32
      %dma_start3A_156 = arith.constant 0 : i32
      %dma_start3A_157 = tpu.memref_slice %arg12[%dma_start3A_155, %dma_start3A_156] : memref<10240x64xf32, #tpu.memory_space<vmem_shared>> -> memref<10240x64xf32, #tpu.memory_space<vmem_shared>>
      tpu.enqueue_indirect_dma source(%arg8 : memref<128x64xf32, #tpu.memory_space<vmem>>) target(%dma_start3A_157 : memref<10240x64xf32, #tpu.memory_space<vmem_shared>>) offsets(%dma_start3A_154 : memref<128xi32, #tpu.memory_space<vmem>>) semaphore(%arg17 : memref<!tpu.dma_semaphore, #tpu.memory_space<semaphore_mem>>) {add = true}
      %dma_start3A_158 = arith.constant 1 : i32
      %dma_start3A_159 = arith.constant 0 : i32
      %dma_start3A_160 = tpu.memref_slice %arg11[%dma_start3A_158, %dma_start3A_159] : memref<2x128xi32, #tpu.memory_space<vmem>> -> memref<1x128xi32, #tpu.memory_space<vmem>>
      %dma_start3A_161 = tpu.memref_squeeze %dma_start3A_160 : memref<1x128xi32, #tpu.memory_space<vmem>> -> memref<128xi32, #tpu.memory_space<vmem>>
      %dma_start3A_162 = arith.constant 0 : i32
      %dma_start3A_163 = arith.constant 0 : i32
      %dma_start3A_164 = tpu.memref_slice %arg12[%dma_start3A_162, %dma_start3A_163] : memref<10240x64xf32, #tpu.memory_space<vmem_shared>> -> memref<10240x64xf32, #tpu.memory_space<vmem_shared>>
      tpu.enqueue_indirect_dma source(%arg9 : memref<128x64xf32, #tpu.memory_space<vmem>>) target(%dma_start3A_164 : memref<10240x64xf32, #tpu.memory_space<vmem_shared>>) offsets(%dma_start3A_161 : memref<128xi32, #tpu.memory_space<vmem>>) semaphore(%arg17 : memref<!tpu.dma_semaphore, #tpu.memory_space<semaphore_mem>>) {add = true}
      %dma_wait3A_165 = arith.constant 0 : i32
      %dma_wait3A_166 = arith.constant 0 : i32
      %dma_wait3A_167 = tpu.memref_slice %arg10[%dma_wait3A_165, %dma_wait3A_166] : memref<2x128xi32, #tpu.memory_space<vmem>> -> memref<1x128xi32, #tpu.memory_space<vmem>>
      %dma_wait3A_168 = tpu.memref_squeeze %dma_wait3A_167 : memref<1x128xi32, #tpu.memory_space<vmem>> -> memref<128xi32, #tpu.memory_space<vmem>>
      %dma_wait3A_169 = arith.constant 0 : i32
      %dma_wait3A_170 = arith.constant 0 : i32
      %dma_wait3A_171 = tpu.memref_slice %arg12[%dma_wait3A_169, %dma_wait3A_170] : memref<10240x64xf32, #tpu.memory_space<vmem_shared>> -> memref<10240x64xf32, #tpu.memory_space<vmem_shared>>
      tpu.wait_indirect_dma semaphore(%arg16 : memref<!tpu.dma_semaphore, #tpu.memory_space<semaphore_mem>>) src(%arg6 : memref<128x64xf32, #tpu.memory_space<vmem>>) dst(%dma_wait3A_171 : memref<10240x64xf32, #tpu.memory_space<vmem_shared>>)
      %dma_wait3A_172 = arith.constant 0 : i32
      %dma_wait3A_173 = arith.constant 0 : i32
      %dma_wait3A_174 = tpu.memref_slice %arg10[%dma_wait3A_172, %dma_wait3A_173] : memref<2x128xi32, #tpu.memory_space<vmem>> -> memref<1x128xi32, #tpu.memory_space<vmem>>
      %dma_wait3A_175 = tpu.memref_squeeze %dma_wait3A_174 : memref<1x128xi32, #tpu.memory_space<vmem>> -> memref<128xi32, #tpu.memory_space<vmem>>
      %dma_wait3A_176 = arith.constant 0 : i32
      %dma_wait3A_177 = arith.constant 0 : i32
      %dma_wait3A_178 = tpu.memref_slice %arg12[%dma_wait3A_176, %dma_wait3A_177] : memref<10240x64xf32, #tpu.memory_space<vmem_shared>> -> memref<10240x64xf32, #tpu.memory_space<vmem_shared>>
      tpu.wait_indirect_dma semaphore(%arg16 : memref<!tpu.dma_semaphore, #tpu.memory_space<semaphore_mem>>) src(%arg7 : memref<128x64xf32, #tpu.memory_space<vmem>>) dst(%dma_wait3A_178 : memref<10240x64xf32, #tpu.memory_space<vmem_shared>>)
      %add3A_179 = arith.constant 4 : i32
      %add3A_180 = arith.addi %add3A_63, %add3A_179 : i32
      %lt3A = arith.constant 80 : i32
      %lt3A_181 = arith.cmpi slt, %add3A_180, %lt3A : i32
      %convert_element_type3A_182 = arith.extui %lt3A_181 : i1 to i32
      %cond3A_183 = arith.constant 0 : i32
      %cond3A_184 = arith.cmpi ne, %convert_element_type3A_182, %cond3A_183 : i32
      scf.if %cond3A_184 {
        %add3A_185 = arith.constant 4 : i32
        %add3A_186 = arith.addi %add3A_63, %add3A_185 : i32
        %add3A_187 = arith.constant 0 : i32
        %add3A_188 = arith.addi %add3A_186, %add3A_187 : i32
        %dma_start3A_189 = arith.constant 0 : i32
        %dma_start3A_190 = tpu.memref_slice %arg5[%add3A_188, %dma_start3A_189] : memref<80x128xi32, #tpu.memory_space<vmem>> -> memref<1x128xi32, #tpu.memory_space<vmem>>
        %dma_start3A_191 = tpu.memref_squeeze %dma_start3A_190 : memref<1x128xi32, #tpu.memory_space<vmem>> -> memref<128xi32, #tpu.memory_space<vmem>>
        %dma_start3A_192 = arith.constant 0 : i32
        %dma_start3A_193 = arith.constant 0 : i32
        %dma_start3A_194 = tpu.memref_slice %arg13[%dma_start3A_192, %dma_start3A_193] : memref<10016x64xf32, #tpu.memory_space<vmem_shared>> -> memref<10016x64xf32, #tpu.memory_space<vmem_shared>>
        tpu.enqueue_indirect_dma source(%dma_start3A_194 : memref<10016x64xf32, #tpu.memory_space<vmem_shared>>) target(%arg6 : memref<128x64xf32, #tpu.memory_space<vmem>>) offsets(%dma_start3A_191 : memref<128xi32, #tpu.memory_space<vmem>>) semaphore(%arg14 : memref<!tpu.dma_semaphore, #tpu.memory_space<semaphore_mem>>)
        %add3A_195 = arith.constant 1 : i32
        %add3A_196 = arith.addi %add3A_186, %add3A_195 : i32
        %dma_start3A_197 = arith.constant 0 : i32
        %dma_start3A_198 = tpu.memref_slice %arg5[%add3A_196, %dma_start3A_197] : memref<80x128xi32, #tpu.memory_space<vmem>> -> memref<1x128xi32, #tpu.memory_space<vmem>>
        %dma_start3A_199 = tpu.memref_squeeze %dma_start3A_198 : memref<1x128xi32, #tpu.memory_space<vmem>> -> memref<128xi32, #tpu.memory_space<vmem>>
        %dma_start3A_200 = arith.constant 0 : i32
        %dma_start3A_201 = arith.constant 0 : i32
        %dma_start3A_202 = tpu.memref_slice %arg13[%dma_start3A_200, %dma_start3A_201] : memref<10016x64xf32, #tpu.memory_space<vmem_shared>> -> memref<10016x64xf32, #tpu.memory_space<vmem_shared>>
        tpu.enqueue_indirect_dma source(%dma_start3A_202 : memref<10016x64xf32, #tpu.memory_space<vmem_shared>>) target(%arg7 : memref<128x64xf32, #tpu.memory_space<vmem>>) offsets(%dma_start3A_199 : memref<128xi32, #tpu.memory_space<vmem>>) semaphore(%arg14 : memref<!tpu.dma_semaphore, #tpu.memory_space<semaphore_mem>>)
        %dma_start3A_203 = arith.constant 1 : i32
        %dma_start3A_204 = arith.constant 0 : i32
        %dma_start3A_205 = tpu.memref_slice %arg3[%dma_start3A_203, %add3A, %add3A_186, %dma_start3A_204] : memref<2x32x80x128xi32, #tpu.memory_space<hbm>> -> memref<1x1x2x128xi32, #tpu.memory_space<hbm>>
        %dma_start3A_206 = tpu.memref_squeeze %dma_start3A_205 : memref<1x1x2x128xi32, #tpu.memory_space<hbm>> -> memref<2x128xi32, #tpu.memory_space<hbm>>
        %dma_start3A_207 = arith.constant 0 : i32
        %dma_start3A_208 = tpu.memref_slice %arg3[%dma_start3A_203, %add3A, %add3A_186, %dma_start3A_207] : memref<2x32x80x128xi32, #tpu.memory_space<hbm>> -> memref<1x1x2x128xi32, #tpu.memory_space<hbm>>
        %dma_start3A_209 = tpu.memref_squeeze %dma_start3A_208 : memref<1x1x2x128xi32, #tpu.memory_space<hbm>> -> memref<2x128xi32, #tpu.memory_space<hbm>>
        tpu.enqueue_dma source(%dma_start3A_209 : memref<2x128xi32, #tpu.memory_space<hbm>>) target(%arg10 : memref<2x128xi32, #tpu.memory_space<vmem>>) target_semaphore(%arg18 : memref<!tpu.dma_semaphore, #tpu.memory_space<semaphore_mem>>)
      } else {
      }
    }
    %scan3A_40 = arith.constant 20 : i32
    %dma_wait3A = arith.constant 0 : i32
    %dma_wait3A_41 = arith.constant 0 : i32
    %dma_wait3A_42 = tpu.memref_slice %arg11[%dma_wait3A, %dma_wait3A_41] : memref<2x128xi32, #tpu.memory_space<vmem>> -> memref<1x128xi32, #tpu.memory_space<vmem>>
    %dma_wait3A_43 = tpu.memref_squeeze %dma_wait3A_42 : memref<1x128xi32, #tpu.memory_space<vmem>> -> memref<128xi32, #tpu.memory_space<vmem>>
    %dma_wait3A_44 = arith.constant 0 : i32
    %dma_wait3A_45 = arith.constant 0 : i32
    %dma_wait3A_46 = tpu.memref_slice %arg12[%dma_wait3A_44, %dma_wait3A_45] : memref<10240x64xf32, #tpu.memory_space<vmem_shared>> -> memref<10240x64xf32, #tpu.memory_space<vmem_shared>>
    tpu.wait_indirect_dma semaphore(%arg17 : memref<!tpu.dma_semaphore, #tpu.memory_space<semaphore_mem>>) src(%arg8 : memref<128x64xf32, #tpu.memory_space<vmem>>) dst(%dma_wait3A_46 : memref<10240x64xf32, #tpu.memory_space<vmem_shared>>)
    %dma_wait3A_47 = arith.constant 0 : i32
    %dma_wait3A_48 = arith.constant 0 : i32
    %dma_wait3A_49 = tpu.memref_slice %arg11[%dma_wait3A_47, %dma_wait3A_48] : memref<2x128xi32, #tpu.memory_space<vmem>> -> memref<1x128xi32, #tpu.memory_space<vmem>>
    %dma_wait3A_50 = tpu.memref_squeeze %dma_wait3A_49 : memref<1x128xi32, #tpu.memory_space<vmem>> -> memref<128xi32, #tpu.memory_space<vmem>>
    %dma_wait3A_51 = arith.constant 0 : i32
    %dma_wait3A_52 = arith.constant 0 : i32
    %dma_wait3A_53 = tpu.memref_slice %arg12[%dma_wait3A_51, %dma_wait3A_52] : memref<10240x64xf32, #tpu.memory_space<vmem_shared>> -> memref<10240x64xf32, #tpu.memory_space<vmem_shared>>
    tpu.wait_indirect_dma semaphore(%arg17 : memref<!tpu.dma_semaphore, #tpu.memory_space<semaphore_mem>>) src(%arg9 : memref<128x64xf32, #tpu.memory_space<vmem>>) dst(%dma_wait3A_53 : memref<10240x64xf32, #tpu.memory_space<vmem_shared>>)
    %barrier3A_54 = arith.constant 0 : index
    tpu.barrier barrier_id(%barrier3A_54)
    %mul3A_55 = arith.constant 640 : i32
    %mul3A_56 = arith.muli %arg1, %mul3A_55 : i32
    %mul3A_57 = arith.constant 640 : i32
    %mul3A_58 = arith.muli %arg1, %mul3A_57 : i32
    "tpu.region"() ({
      %run_scoped3A_59 = tpu.sem_alloc : memref<!tpu.dma_semaphore, #tpu.memory_space<semaphore_mem>>
      %dma_start3A_60 = arith.constant 0 : i32
      %dma_start3A_61 = tpu.memref_slice %arg4[%arg0, %mul3A_58, %dma_start3A_60] : memref<2x10240x128xf32, #tpu.memory_space<hbm>> -> memref<1x640x64xf32, #tpu.memory_space<hbm>>
      %dma_start3A_62 = tpu.memref_squeeze %dma_start3A_61 : memref<1x640x64xf32, #tpu.memory_space<hbm>> -> memref<640x64xf32, #tpu.memory_space<hbm>>
      %dma_start3A_63 = arith.constant 0 : i32
      %dma_start3A_64 = tpu.memref_slice %arg12[%mul3A_56, %dma_start3A_63] : memref<10240x64xf32, #tpu.memory_space<vmem_shared>> -> memref<640x64xf32, #tpu.memory_space<vmem_shared>>
      tpu.enqueue_dma source(%dma_start3A_64 : memref<640x64xf32, #tpu.memory_space<vmem_shared>>) target(%dma_start3A_62 : memref<640x64xf32, #tpu.memory_space<hbm>>) target_semaphore(%run_scoped3A_59 : memref<!tpu.dma_semaphore, #tpu.memory_space<semaphore_mem>>)
      %dma_wait3A_65 = arith.constant 0 : i32
      %dma_wait3A_66 = tpu.memref_slice %arg4[%arg0, %mul3A_58, %dma_wait3A_65] : memref<2x10240x128xf32, #tpu.memory_space<hbm>> -> memref<1x640x64xf32, #tpu.memory_space<hbm>>
      %dma_wait3A_67 = tpu.memref_squeeze %dma_wait3A_66 : memref<1x640x64xf32, #tpu.memory_space<hbm>> -> memref<640x64xf32, #tpu.memory_space<hbm>>
      %dma_wait3A_68 = arith.constant 0 : i32
      %dma_wait3A_69 = tpu.memref_slice %arg12[%mul3A_56, %dma_wait3A_68] : memref<10240x64xf32, #tpu.memory_space<vmem_shared>> -> memref<640x64xf32, #tpu.memory_space<vmem_shared>>
      tpu.wait_dma2 semaphore(%run_scoped3A_59 : memref<!tpu.dma_semaphore, #tpu.memory_space<semaphore_mem>>) src(%dma_wait3A_69 : memref<640x64xf32, #tpu.memory_space<vmem_shared>>) dst(%dma_wait3A_67 : memref<640x64xf32, #tpu.memory_space<hbm>>)
      tpu.yield
    }) : () -> ()
    return
  }
}

#map = affine_map<(d0, d1) -> (0, 0, 0, 0)>
#map1 = affine_map<(d0, d1) -> (0, 0, 0)>
module attributes {stable_mosaic.version = 14 : i64} {
  func.func @_sc_hist(%arg0: i32, %arg1: i32, %arg2: memref<2x32x80x128xi32, #tpu.memory_space<hbm>>, %arg3: memref<2x10240x16xf32, #tpu.memory_space<hbm>>, %arg4: memref<80x128xi32, #tpu.memory_space<vmem>>, %arg5: memref<128x16xf32, #tpu.memory_space<vmem>>, %arg6: memref<128x16xf32, #tpu.memory_space<vmem>>, %arg7: memref<10240x16xf32, #tpu.memory_space<vmem_shared>>, %arg8: memref<!tpu.dma_semaphore, #tpu.memory_space<semaphore_mem>>) attributes {dimension_semantics = [#tpu.dimension_semantics<core_parallel>, #tpu.dimension_semantics<subcore_parallel>], iteration_bounds = array<i64: 2, 16>, scalar_prefetch = 0 : i64, scratch_operands = 5 : i64, tpu.core_type = #tpu.core_type<sc_vector_subcore>, window_params = [{transform_indices = #map}, {transform_indices = #map1}]} {
    %mul3A = arith.constant 16 : i32
    %mul3A_0 = arith.muli %arg0, %mul3A : i32
    %add3A = arith.addi %mul3A_0, %arg1 : i32
    %scan3A = arith.constant 0 : i32
    %scan3A_1 = arith.constant 128 : i32
    %scan3A_2 = arith.addi %scan3A, %scan3A_1 : i32
    %scan3A_3 = arith.constant 1 : i32
    scf.for %scan3A_30 = %scan3A to %scan3A_2 step %scan3A_3  : i32 {
      %mul3A_31 = arith.constant 1 : i32
      %mul3A_32 = arith.muli %scan3A_30, %mul3A_31 : i32
      %add3A_33 = arith.constant 0 : i32
      %add3A_34 = arith.addi %add3A_33, %mul3A_32 : i32
      %broadcast_in_dim3A = arith.constant 1.000000e+00 : f32
      %broadcast_in_dim3A_35 = vector.broadcast %broadcast_in_dim3A : f32 to vector<16xf32>
      %swap3A = arith.index_cast %add3A_34 : i32 to index
      %swap3A_36 = arith.constant 0 : index
      %swap3A_37 = tpu.vector_load %arg5[%swap3A, %swap3A_36] {strides = array<i32>} : memref<128x16xf32, #tpu.memory_space<vmem>>, vector<1x16xf32>,
      %swap3A_38 = vector.shape_cast %swap3A_37 : vector<1x16xf32> to vector<16xf32>
      %swap3A_39 = vector.shape_cast %broadcast_in_dim3A_35 : vector<16xf32> to vector<1x16xf32>
      tpu.vector_store %arg5[%swap3A, %swap3A_36], %swap3A_39 {strides = array<i32>} : memref<128x16xf32, #tpu.memory_space<vmem>>, vector<1x16xf32>,
      %broadcast_in_dim3A_40 = arith.constant 0.000000e+00 : f32
      %broadcast_in_dim3A_41 = vector.broadcast %broadcast_in_dim3A_40 : f32 to vector<16xf32>
      %swap3A_42 = arith.index_cast %add3A_34 : i32 to index
      %swap3A_43 = arith.constant 0 : index
      %swap3A_44 = tpu.vector_load %arg6[%swap3A_42, %swap3A_43] {strides = array<i32>} : memref<128x16xf32, #tpu.memory_space<vmem>>, vector<1x16xf32>,
      %swap3A_45 = vector.shape_cast %swap3A_44 : vector<1x16xf32> to vector<16xf32>
      %swap3A_46 = vector.shape_cast %broadcast_in_dim3A_41 : vector<16xf32> to vector<1x16xf32>
      tpu.vector_store %arg6[%swap3A_42, %swap3A_43], %swap3A_46 {strides = array<i32>} : memref<128x16xf32, #tpu.memory_space<vmem>>, vector<1x16xf32>,
    }
    %scan3A_4 = arith.constant 128 : i32
    %scan3A_5 = arith.constant 0 : i32
    %scan3A_6 = arith.constant 5 : i32
    %scan3A_7 = arith.addi %scan3A_5, %scan3A_6 : i32
    %scan3A_8 = arith.constant 1 : i32
    scf.for %scan3A_30 = %scan3A_5 to %scan3A_7 step %scan3A_8  : i32 {
      %mul3A_31 = arith.constant 1 : i32
      %mul3A_32 = arith.muli %scan3A_30, %mul3A_31 : i32
      %add3A_33 = arith.constant 0 : i32
      %add3A_34 = arith.addi %add3A_33, %mul3A_32 : i32
      %mul3A_35 = arith.constant 640 : i32
      %mul3A_36 = arith.muli %arg1, %mul3A_35 : i32
      %mul3A_37 = arith.constant 128 : i32
      %mul3A_38 = arith.muli %add3A_34, %mul3A_37 : i32
      %add3A_39 = arith.addi %mul3A_36, %mul3A_38 : i32
      "tpu.region"() ({
        %run_scoped3A_40 = tpu.sem_alloc : memref<!tpu.dma_semaphore, #tpu.memory_space<semaphore_mem>>
        %dma_start3A = arith.constant 0 : i32
        %dma_start3A_41 = tpu.memref_slice %arg7[%add3A_39, %dma_start3A] : memref<10240x16xf32, #tpu.memory_space<vmem_shared>> -> memref<128x16xf32, #tpu.memory_space<vmem_shared>>
        %dma_start3A_42 = arith.constant 0 : i32
        %dma_start3A_43 = tpu.memref_slice %arg7[%add3A_39, %dma_start3A_42] : memref<10240x16xf32, #tpu.memory_space<vmem_shared>> -> memref<128x16xf32, #tpu.memory_space<vmem_shared>>
        tpu.enqueue_dma source(%arg6 : memref<128x16xf32, #tpu.memory_space<vmem>>) target(%dma_start3A_43 : memref<128x16xf32, #tpu.memory_space<vmem_shared>>) target_semaphore(%run_scoped3A_40 : memref<!tpu.dma_semaphore, #tpu.memory_space<semaphore_mem>>)
        %dma_wait3A = arith.constant 0 : i32
        %dma_wait3A_44 = tpu.memref_slice %arg7[%add3A_39, %dma_wait3A] : memref<10240x16xf32, #tpu.memory_space<vmem_shared>> -> memref<128x16xf32, #tpu.memory_space<vmem_shared>>
        %dma_wait3A_45 = arith.constant 0 : i32
        %dma_wait3A_46 = tpu.memref_slice %arg7[%add3A_39, %dma_wait3A_45] : memref<10240x16xf32, #tpu.memory_space<vmem_shared>> -> memref<128x16xf32, #tpu.memory_space<vmem_shared>>
        tpu.wait_dma2 semaphore(%run_scoped3A_40 : memref<!tpu.dma_semaphore, #tpu.memory_space<semaphore_mem>>) src(%arg6 : memref<128x16xf32, #tpu.memory_space<vmem>>) dst(%dma_wait3A_46 : memref<128x16xf32, #tpu.memory_space<vmem_shared>>)
        tpu.yield
      }) : () -> ()
    }
    %scan3A_9 = arith.constant 5 : i32
    %run_scoped3A = arith.constant 1 : i32
    "tpu.region"() ({
      %run_scoped3A_30 = tpu.sem_alloc : memref<!tpu.dma_semaphore, #tpu.memory_space<semaphore_mem>>
      %dma_start3A = arith.constant 0 : i32
      %dma_start3A_31 = arith.constant 0 : i32
      %dma_start3A_32 = tpu.memref_slice %arg2[%run_scoped3A, %add3A, %dma_start3A, %dma_start3A_31] : memref<2x32x80x128xi32, #tpu.memory_space<hbm>> -> memref<1x1x80x128xi32, #tpu.memory_space<hbm>>
      %dma_start3A_33 = tpu.memref_squeeze %dma_start3A_32 : memref<1x1x80x128xi32, #tpu.memory_space<hbm>> -> memref<80x128xi32, #tpu.memory_space<hbm>>
      %dma_start3A_34 = arith.constant 0 : i32
      %dma_start3A_35 = arith.constant 0 : i32
      %dma_start3A_36 = tpu.memref_slice %arg2[%run_scoped3A, %add3A, %dma_start3A_34, %dma_start3A_35] : memref<2x32x80x128xi32, #tpu.memory_space<hbm>> -> memref<1x1x80x128xi32, #tpu.memory_space<hbm>>
      %dma_start3A_37 = tpu.memref_squeeze %dma_start3A_36 : memref<1x1x80x128xi32, #tpu.memory_space<hbm>> -> memref<80x128xi32, #tpu.memory_space<hbm>>
      tpu.enqueue_dma source(%dma_start3A_37 : memref<80x128xi32, #tpu.memory_space<hbm>>) target(%arg4 : memref<80x128xi32, #tpu.memory_space<vmem>>) target_semaphore(%run_scoped3A_30 : memref<!tpu.dma_semaphore, #tpu.memory_space<semaphore_mem>>)
      %dma_wait3A = arith.constant 0 : i32
      %dma_wait3A_38 = arith.constant 0 : i32
      %dma_wait3A_39 = tpu.memref_slice %arg2[%run_scoped3A, %add3A, %dma_wait3A, %dma_wait3A_38] : memref<2x32x80x128xi32, #tpu.memory_space<hbm>> -> memref<1x1x80x128xi32, #tpu.memory_space<hbm>>
      %dma_wait3A_40 = tpu.memref_squeeze %dma_wait3A_39 : memref<1x1x80x128xi32, #tpu.memory_space<hbm>> -> memref<80x128xi32, #tpu.memory_space<hbm>>
      %dma_wait3A_41 = arith.constant 0 : i32
      %dma_wait3A_42 = arith.constant 0 : i32
      %dma_wait3A_43 = tpu.memref_slice %arg2[%run_scoped3A, %add3A, %dma_wait3A_41, %dma_wait3A_42] : memref<2x32x80x128xi32, #tpu.memory_space<hbm>> -> memref<1x1x80x128xi32, #tpu.memory_space<hbm>>
      %dma_wait3A_44 = tpu.memref_squeeze %dma_wait3A_43 : memref<1x1x80x128xi32, #tpu.memory_space<hbm>> -> memref<80x128xi32, #tpu.memory_space<hbm>>
      tpu.wait_dma2 semaphore(%run_scoped3A_30 : memref<!tpu.dma_semaphore, #tpu.memory_space<semaphore_mem>>) src(%dma_wait3A_44 : memref<80x128xi32, #tpu.memory_space<hbm>>) dst(%arg4 : memref<80x128xi32, #tpu.memory_space<vmem>>)
      tpu.yield
    }) : () -> ()
    %barrier3A = arith.constant 0 : index
    tpu.barrier barrier_id(%barrier3A)
    %scan3A_10 = arith.constant 0 : i32
    %scan3A_11 = arith.constant 16 : i32
    %scan3A_12 = arith.addi %scan3A_10, %scan3A_11 : i32
    %scan3A_13 = arith.constant 1 : i32
    scf.for %scan3A_30 = %scan3A_10 to %scan3A_12 step %scan3A_13  : i32 {
      %mul3A_31 = arith.constant 1 : i32
      %mul3A_32 = arith.muli %scan3A_30, %mul3A_31 : i32
      %add3A_33 = arith.constant 0 : i32
      %add3A_34 = arith.addi %add3A_33, %mul3A_32 : i32
      %add3A_35 = arith.constant 0 : i32
      %add3A_36 = arith.addi %add3A_35, %add3A_34 : i32
      %dma_start3A = arith.constant 0 : i32
      %dma_start3A_37 = tpu.memref_slice %arg4[%add3A_36, %dma_start3A] : memref<80x128xi32, #tpu.memory_space<vmem>> -> memref<1x128xi32, #tpu.memory_space<vmem>>
      %dma_start3A_38 = tpu.memref_squeeze %dma_start3A_37 : memref<1x128xi32, #tpu.memory_space<vmem>> -> memref<128xi32, #tpu.memory_space<vmem>>
      %dma_start3A_39 = arith.constant 0 : i32
      %dma_start3A_40 = arith.constant 0 : i32
      %dma_start3A_41 = tpu.memref_slice %arg7[%dma_start3A_39, %dma_start3A_40] : memref<10240x16xf32, #tpu.memory_space<vmem_shared>> -> memref<10240x16xf32, #tpu.memory_space<vmem_shared>>
      tpu.enqueue_indirect_dma source(%arg5 : memref<128x16xf32, #tpu.memory_space<vmem>>) target(%dma_start3A_41 : memref<10240x16xf32, #tpu.memory_space<vmem_shared>>) offsets(%dma_start3A_38 : memref<128xi32, #tpu.memory_space<vmem>>) semaphore(%arg8 : memref<!tpu.dma_semaphore, #tpu.memory_space<semaphore_mem>>) {add = true}
    }
    %scan3A_14 = arith.constant 16 : i32
    %scan3A_15 = arith.constant 0 : i32
    %scan3A_16 = arith.constant 4 : i32
    %scan3A_17 = arith.addi %scan3A_15, %scan3A_16 : i32
    %scan3A_18 = arith.constant 1 : i32
    scf.for %scan3A_30 = %scan3A_15 to %scan3A_17 step %scan3A_18  : i32 {
      %mul3A_31 = arith.constant 16 : i32
      %mul3A_32 = arith.muli %scan3A_30, %mul3A_31 : i32
      %add3A_33 = arith.constant 0 : i32
      %add3A_34 = arith.addi %add3A_33, %mul3A_32 : i32
      %add3A_35 = arith.constant 16 : i32
      %add3A_36 = arith.addi %add3A_34, %add3A_35 : i32
      %scan3A_37 = arith.constant 0 : i32
      %scan3A_38 = arith.constant 16 : i32
      %scan3A_39 = arith.addi %scan3A_37, %scan3A_38 : i32
      %scan3A_40 = arith.constant 1 : i32
      scf.for %scan3A_47 = %scan3A_37 to %scan3A_39 step %scan3A_40  : i32 {
        %mul3A_48 = arith.constant 1 : i32
        %mul3A_49 = arith.muli %scan3A_47, %mul3A_48 : i32
        %add3A_50 = arith.constant 0 : i32
        %add3A_51 = arith.addi %add3A_50, %mul3A_49 : i32
        %add3A_52 = arith.addi %add3A_36, %add3A_51 : i32
        %dma_start3A = arith.constant 0 : i32
        %dma_start3A_53 = tpu.memref_slice %arg4[%add3A_52, %dma_start3A] : memref<80x128xi32, #tpu.memory_space<vmem>> -> memref<1x128xi32, #tpu.memory_space<vmem>>
        %dma_start3A_54 = tpu.memref_squeeze %dma_start3A_53 : memref<1x128xi32, #tpu.memory_space<vmem>> -> memref<128xi32, #tpu.memory_space<vmem>>
        %dma_start3A_55 = arith.constant 0 : i32
        %dma_start3A_56 = arith.constant 0 : i32
        %dma_start3A_57 = tpu.memref_slice %arg7[%dma_start3A_55, %dma_start3A_56] : memref<10240x16xf32, #tpu.memory_space<vmem_shared>> -> memref<10240x16xf32, #tpu.memory_space<vmem_shared>>
        tpu.enqueue_indirect_dma source(%arg5 : memref<128x16xf32, #tpu.memory_space<vmem>>) target(%dma_start3A_57 : memref<10240x16xf32, #tpu.memory_space<vmem_shared>>) offsets(%dma_start3A_54 : memref<128xi32, #tpu.memory_space<vmem>>) semaphore(%arg8 : memref<!tpu.dma_semaphore, #tpu.memory_space<semaphore_mem>>) {add = true}
      }
      %scan3A_41 = arith.constant 16 : i32
      %scan3A_42 = arith.constant 0 : i32
      %scan3A_43 = arith.constant 16 : i32
      %scan3A_44 = arith.addi %scan3A_42, %scan3A_43 : i32
      %scan3A_45 = arith.constant 1 : i32
      scf.for %scan3A_47 = %scan3A_42 to %scan3A_44 step %scan3A_45  : i32 {
        %mul3A_48 = arith.constant 1 : i32
        %mul3A_49 = arith.muli %scan3A_47, %mul3A_48 : i32
        %add3A_50 = arith.constant 0 : i32
        %add3A_51 = arith.addi %add3A_50, %mul3A_49 : i32
        %dma_wait3A = arith.constant 0 : i32
        %dma_wait3A_52 = arith.constant 0 : i32
        %dma_wait3A_53 = tpu.memref_slice %arg4[%dma_wait3A, %dma_wait3A_52] : memref<80x128xi32, #tpu.memory_space<vmem>> -> memref<1x128xi32, #tpu.memory_space<vmem>>
        %dma_wait3A_54 = tpu.memref_squeeze %dma_wait3A_53 : memref<1x128xi32, #tpu.memory_space<vmem>> -> memref<128xi32, #tpu.memory_space<vmem>>
        %dma_wait3A_55 = arith.constant 0 : i32
        %dma_wait3A_56 = arith.constant 0 : i32
        %dma_wait3A_57 = tpu.memref_slice %arg7[%dma_wait3A_55, %dma_wait3A_56] : memref<10240x16xf32, #tpu.memory_space<vmem_shared>> -> memref<10240x16xf32, #tpu.memory_space<vmem_shared>>
        tpu.wait_indirect_dma semaphore(%arg8 : memref<!tpu.dma_semaphore, #tpu.memory_space<semaphore_mem>>) src(%arg5 : memref<128x16xf32, #tpu.memory_space<vmem>>) dst(%dma_wait3A_57 : memref<10240x16xf32, #tpu.memory_space<vmem_shared>>)
      }
      %scan3A_46 = arith.constant 16 : i32
    }
    %scan3A_19 = arith.constant 4 : i32
    %scan3A_20 = arith.constant 0 : i32
    %scan3A_21 = arith.constant 16 : i32
    %scan3A_22 = arith.addi %scan3A_20, %scan3A_21 : i32
    %scan3A_23 = arith.constant 1 : i32
    scf.for %scan3A_30 = %scan3A_20 to %scan3A_22 step %scan3A_23  : i32 {
      %mul3A_31 = arith.constant 1 : i32
      %mul3A_32 = arith.muli %scan3A_30, %mul3A_31 : i32
      %add3A_33 = arith.constant 0 : i32
      %add3A_34 = arith.addi %add3A_33, %mul3A_32 : i32
      %dma_wait3A = arith.constant 0 : i32
      %dma_wait3A_35 = arith.constant 0 : i32
      %dma_wait3A_36 = tpu.memref_slice %arg4[%dma_wait3A, %dma_wait3A_35] : memref<80x128xi32, #tpu.memory_space<vmem>> -> memref<1x128xi32, #tpu.memory_space<vmem>>
      %dma_wait3A_37 = tpu.memref_squeeze %dma_wait3A_36 : memref<1x128xi32, #tpu.memory_space<vmem>> -> memref<128xi32, #tpu.memory_space<vmem>>
      %dma_wait3A_38 = arith.constant 0 : i32
      %dma_wait3A_39 = arith.constant 0 : i32
      %dma_wait3A_40 = tpu.memref_slice %arg7[%dma_wait3A_38, %dma_wait3A_39] : memref<10240x16xf32, #tpu.memory_space<vmem_shared>> -> memref<10240x16xf32, #tpu.memory_space<vmem_shared>>
      tpu.wait_indirect_dma semaphore(%arg8 : memref<!tpu.dma_semaphore, #tpu.memory_space<semaphore_mem>>) src(%arg5 : memref<128x16xf32, #tpu.memory_space<vmem>>) dst(%dma_wait3A_40 : memref<10240x16xf32, #tpu.memory_space<vmem_shared>>)
    }
    %scan3A_24 = arith.constant 16 : i32
    %barrier3A_25 = arith.constant 0 : index
    tpu.barrier barrier_id(%barrier3A_25)
    %mul3A_26 = arith.constant 640 : i32
    %mul3A_27 = arith.muli %arg1, %mul3A_26 : i32
    %mul3A_28 = arith.constant 640 : i32
    %mul3A_29 = arith.muli %arg1, %mul3A_28 : i32
    "tpu.region"() ({
      %run_scoped3A_30 = tpu.sem_alloc : memref<!tpu.dma_semaphore, #tpu.memory_space<semaphore_mem>>
      %dma_start3A = arith.constant 0 : i32
      %dma_start3A_31 = tpu.memref_slice %arg3[%arg0, %mul3A_29, %dma_start3A] : memref<2x10240x16xf32, #tpu.memory_space<hbm>> -> memref<1x640x16xf32, #tpu.memory_space<hbm>>
      %dma_start3A_32 = tpu.memref_squeeze %dma_start3A_31 : memref<1x640x16xf32, #tpu.memory_space<hbm>> -> memref<640x16xf32, #tpu.memory_space<hbm>>
      %dma_start3A_33 = arith.constant 0 : i32
      %dma_start3A_34 = tpu.memref_slice %arg7[%mul3A_27, %dma_start3A_33] : memref<10240x16xf32, #tpu.memory_space<vmem_shared>> -> memref<640x16xf32, #tpu.memory_space<vmem_shared>>
      tpu.enqueue_dma source(%dma_start3A_34 : memref<640x16xf32, #tpu.memory_space<vmem_shared>>) target(%dma_start3A_32 : memref<640x16xf32, #tpu.memory_space<hbm>>) target_semaphore(%run_scoped3A_30 : memref<!tpu.dma_semaphore, #tpu.memory_space<semaphore_mem>>)
      %dma_wait3A = arith.constant 0 : i32
      %dma_wait3A_35 = tpu.memref_slice %arg3[%arg0, %mul3A_29, %dma_wait3A] : memref<2x10240x16xf32, #tpu.memory_space<hbm>> -> memref<1x640x16xf32, #tpu.memory_space<hbm>>
      %dma_wait3A_36 = tpu.memref_squeeze %dma_wait3A_35 : memref<1x640x16xf32, #tpu.memory_space<hbm>> -> memref<640x16xf32, #tpu.memory_space<hbm>>
      %dma_wait3A_37 = arith.constant 0 : i32
      %dma_wait3A_38 = tpu.memref_slice %arg7[%mul3A_27, %dma_wait3A_37] : memref<10240x16xf32, #tpu.memory_space<vmem_shared>> -> memref<640x16xf32, #tpu.memory_space<vmem_shared>>
      tpu.wait_dma2 semaphore(%run_scoped3A_30 : memref<!tpu.dma_semaphore, #tpu.memory_space<semaphore_mem>>) src(%dma_wait3A_38 : memref<640x16xf32, #tpu.memory_space<vmem_shared>>) dst(%dma_wait3A_36 : memref<640x16xf32, #tpu.memory_space<hbm>>)
      tpu.yield
    }) : () -> ()
    return
  }
}

#map = affine_map<(d0, d1) -> (0, 0)>
#map1 = affine_map<(d0, d1) -> (0, 0, 0, 0)>
#map2 = affine_map<(d0, d1) -> (0, 0, 0)>
module attributes {stable_mosaic.version = 14 : i64} {
  func.func @_sc_agg(%arg0: i32, %arg1: i32, %arg2: memref<10000x128xf32, #tpu.memory_space<hbm>>, %arg3: memref<2x32x80x128xi32, #tpu.memory_space<hbm>>, %arg4: memref<2x10240x128xf32, #tpu.memory_space<hbm>>, %arg5: memref<80x128xi32, #tpu.memory_space<vmem>>, %arg6: memref<128x16xf32, #tpu.memory_space<vmem>>, %arg7: memref<128x16xf32, #tpu.memory_space<vmem>>, %arg8: memref<128x16xf32, #tpu.memory_space<vmem>>, %arg9: memref<128x16xf32, #tpu.memory_space<vmem>>, %arg10: memref<128x16xf32, #tpu.memory_space<vmem>>, %arg11: memref<128x16xf32, #tpu.memory_space<vmem>>, %arg12: memref<128x16xf32, #tpu.memory_space<vmem>>, %arg13: memref<128x16xf32, #tpu.memory_space<vmem>>, %arg14: memref<128x16xf32, #tpu.memory_space<vmem>>, %arg15: memref<128x16xf32, #tpu.memory_space<vmem>>, %arg16: memref<128x16xf32, #tpu.memory_space<vmem>>, %arg17: memref<128x16xf32, #tpu.memory_space<vmem>>, %arg18: memref<128x16xf32, #tpu.memory_space<vmem>>, %arg19: memref<128x16xf32, #tpu.memory_space<vmem>>, %arg20: memref<128x16xf32, #tpu.memory_space<vmem>>, %arg21: memref<128x16xf32, #tpu.memory_space<vmem>>, %arg22: memref<8x128xi32, #tpu.memory_space<vmem>>, %arg23: memref<8x128xi32, #tpu.memory_space<vmem>>, %arg24: memref<10240x16xf32, #tpu.memory_space<vmem_shared>>, %arg25: memref<10016x16xf32, #tpu.memory_space<vmem_shared>>, %arg26: memref<!tpu.dma_semaphore, #tpu.memory_space<semaphore_mem>>, %arg27: memref<!tpu.dma_semaphore, #tpu.memory_space<semaphore_mem>>, %arg28: memref<!tpu.dma_semaphore, #tpu.memory_space<semaphore_mem>>, %arg29: memref<!tpu.dma_semaphore, #tpu.memory_space<semaphore_mem>>, %arg30: memref<!tpu.dma_semaphore, #tpu.memory_space<semaphore_mem>>, %arg31: memref<!tpu.dma_semaphore, #tpu.memory_space<semaphore_mem>>) attributes {dimension_semantics = [#tpu.dimension_semantics<core_parallel>, #tpu.dimension_semantics<subcore_parallel>], iteration_bounds = array<i64: 2, 16>, scalar_prefetch = 0 : i64, scratch_operands = 27 : i64, tpu.core_type = #tpu.core_type<sc_vector_subcore>, window_params = [{transform_indices = #map}, {transform_indices = #map1}, {transform_indices = #map2}]} {
    %mul3A = arith.constant 16 : i32
    %mul3A_0 = arith.muli %arg0, %mul3A : i32
    %add3A = arith.addi %mul3A_0, %arg1 : i32
    %scan3A = arith.constant 0 : i32
    %scan3A_1 = arith.constant 128 : i32
    %scan3A_2 = arith.addi %scan3A, %scan3A_1 : i32
    %scan3A_3 = arith.constant 1 : i32
    scf.for %scan3A_143 = %scan3A to %scan3A_2 step %scan3A_3  : i32 {
      %mul3A_144 = arith.constant 1 : i32
      %mul3A_145 = arith.muli %scan3A_143, %mul3A_144 : i32
      %add3A_146 = arith.constant 0 : i32
      %add3A_147 = arith.addi %add3A_146, %mul3A_145 : i32
      %scan3A_148 = arith.constant 0 : i32
      %mul3A_149 = arith.constant 16 : i32
      %mul3A_150 = arith.muli %scan3A_148, %mul3A_149 : i32
      %add3A_151 = arith.constant 0 : i32
      %add3A_152 = arith.addi %add3A_151, %mul3A_150 : i32
      %broadcast_in_dim3A = arith.constant 0.000000e+00 : f32
      %broadcast_in_dim3A_153 = vector.broadcast %broadcast_in_dim3A : f32 to vector<16xf32>
      %swap3A = arith.index_cast %add3A_147 : i32 to index
      %swap3A_154 = arith.index_cast %add3A_152 : i32 to index
      %swap3A_155 = tpu.vector_load %arg6[%swap3A, %swap3A_154] {strides = array<i32>} : memref<128x16xf32, #tpu.memory_space<vmem>>, vector<1x16xf32>,
      %swap3A_156 = vector.shape_cast %swap3A_155 : vector<1x16xf32> to vector<16xf32>
      %swap3A_157 = vector.shape_cast %broadcast_in_dim3A_153 : vector<16xf32> to vector<1x16xf32>
      tpu.vector_store %arg6[%swap3A, %swap3A_154], %swap3A_157 {strides = array<i32>} : memref<128x16xf32, #tpu.memory_space<vmem>>, vector<1x16xf32>,
      %scan3A_158 = arith.constant 1 : i32
    }
    %scan3A_4 = arith.constant 128 : i32
    %scan3A_5 = arith.constant 0 : i32
    %scan3A_6 = arith.constant 5 : i32
    %scan3A_7 = arith.addi %scan3A_5, %scan3A_6 : i32
    %scan3A_8 = arith.constant 1 : i32
    scf.for %scan3A_143 = %scan3A_5 to %scan3A_7 step %scan3A_8  : i32 {
      %mul3A_144 = arith.constant 1 : i32
      %mul3A_145 = arith.muli %scan3A_143, %mul3A_144 : i32
      %add3A_146 = arith.constant 0 : i32
      %add3A_147 = arith.addi %add3A_146, %mul3A_145 : i32
      %mul3A_148 = arith.constant 640 : i32
      %mul3A_149 = arith.muli %arg1, %mul3A_148 : i32
      %mul3A_150 = arith.constant 128 : i32
      %mul3A_151 = arith.muli %add3A_147, %mul3A_150 : i32
      %add3A_152 = arith.addi %mul3A_149, %mul3A_151 : i32
      "tpu.region"() ({
        %run_scoped3A_153 = tpu.sem_alloc : memref<!tpu.dma_semaphore, #tpu.memory_space<semaphore_mem>>
        %dma_start3A_154 = arith.constant 0 : i32
        %dma_start3A_155 = tpu.memref_slice %arg24[%add3A_152, %dma_start3A_154] : memref<10240x16xf32, #tpu.memory_space<vmem_shared>> -> memref<128x16xf32, #tpu.memory_space<vmem_shared>>
        %dma_start3A_156 = arith.constant 0 : i32
        %dma_start3A_157 = tpu.memref_slice %arg24[%add3A_152, %dma_start3A_156] : memref<10240x16xf32, #tpu.memory_space<vmem_shared>> -> memref<128x16xf32, #tpu.memory_space<vmem_shared>>
        tpu.enqueue_dma source(%arg6 : memref<128x16xf32, #tpu.memory_space<vmem>>) target(%dma_start3A_157 : memref<128x16xf32, #tpu.memory_space<vmem_shared>>) target_semaphore(%run_scoped3A_153 : memref<!tpu.dma_semaphore, #tpu.memory_space<semaphore_mem>>)
        %dma_wait3A_158 = arith.constant 0 : i32
        %dma_wait3A_159 = tpu.memref_slice %arg24[%add3A_152, %dma_wait3A_158] : memref<10240x16xf32, #tpu.memory_space<vmem_shared>> -> memref<128x16xf32, #tpu.memory_space<vmem_shared>>
        %dma_wait3A_160 = arith.constant 0 : i32
        %dma_wait3A_161 = tpu.memref_slice %arg24[%add3A_152, %dma_wait3A_160] : memref<10240x16xf32, #tpu.memory_space<vmem_shared>> -> memref<128x16xf32, #tpu.memory_space<vmem_shared>>
        tpu.wait_dma2 semaphore(%run_scoped3A_153 : memref<!tpu.dma_semaphore, #tpu.memory_space<semaphore_mem>>) src(%arg6 : memref<128x16xf32, #tpu.memory_space<vmem>>) dst(%dma_wait3A_161 : memref<128x16xf32, #tpu.memory_space<vmem_shared>>)
        tpu.yield
      }) : () -> ()
    }
    %scan3A_9 = arith.constant 5 : i32
    %run_scoped3A = arith.constant 0 : i32
    "tpu.region"() ({
      %run_scoped3A_143 = tpu.sem_alloc : memref<!tpu.dma_semaphore, #tpu.memory_space<semaphore_mem>>
      %dma_start3A_144 = arith.constant 0 : i32
      %dma_start3A_145 = arith.constant 0 : i32
      %dma_start3A_146 = tpu.memref_slice %arg3[%run_scoped3A, %add3A, %dma_start3A_144, %dma_start3A_145] : memref<2x32x80x128xi32, #tpu.memory_space<hbm>> -> memref<1x1x80x128xi32, #tpu.memory_space<hbm>>
      %dma_start3A_147 = tpu.memref_squeeze %dma_start3A_146 : memref<1x1x80x128xi32, #tpu.memory_space<hbm>> -> memref<80x128xi32, #tpu.memory_space<hbm>>
      %dma_start3A_148 = arith.constant 0 : i32
      %dma_start3A_149 = arith.constant 0 : i32
      %dma_start3A_150 = tpu.memref_slice %arg3[%run_scoped3A, %add3A, %dma_start3A_148, %dma_start3A_149] : memref<2x32x80x128xi32, #tpu.memory_space<hbm>> -> memref<1x1x80x128xi32, #tpu.memory_space<hbm>>
      %dma_start3A_151 = tpu.memref_squeeze %dma_start3A_150 : memref<1x1x80x128xi32, #tpu.memory_space<hbm>> -> memref<80x128xi32, #tpu.memory_space<hbm>>
      tpu.enqueue_dma source(%dma_start3A_151 : memref<80x128xi32, #tpu.memory_space<hbm>>) target(%arg5 : memref<80x128xi32, #tpu.memory_space<vmem>>) target_semaphore(%run_scoped3A_143 : memref<!tpu.dma_semaphore, #tpu.memory_space<semaphore_mem>>)
      %dma_wait3A_152 = arith.constant 0 : i32
      %dma_wait3A_153 = arith.constant 0 : i32
      %dma_wait3A_154 = tpu.memref_slice %arg3[%run_scoped3A, %add3A, %dma_wait3A_152, %dma_wait3A_153] : memref<2x32x80x128xi32, #tpu.memory_space<hbm>> -> memref<1x1x80x128xi32, #tpu.memory_space<hbm>>
      %dma_wait3A_155 = tpu.memref_squeeze %dma_wait3A_154 : memref<1x1x80x128xi32, #tpu.memory_space<hbm>> -> memref<80x128xi32, #tpu.memory_space<hbm>>
      %dma_wait3A_156 = arith.constant 0 : i32
      %dma_wait3A_157 = arith.constant 0 : i32
      %dma_wait3A_158 = tpu.memref_slice %arg3[%run_scoped3A, %add3A, %dma_wait3A_156, %dma_wait3A_157] : memref<2x32x80x128xi32, #tpu.memory_space<hbm>> -> memref<1x1x80x128xi32, #tpu.memory_space<hbm>>
      %dma_wait3A_159 = tpu.memref_squeeze %dma_wait3A_158 : memref<1x1x80x128xi32, #tpu.memory_space<hbm>> -> memref<80x128xi32, #tpu.memory_space<hbm>>
      tpu.wait_dma2 semaphore(%run_scoped3A_143 : memref<!tpu.dma_semaphore, #tpu.memory_space<semaphore_mem>>) src(%dma_wait3A_159 : memref<80x128xi32, #tpu.memory_space<hbm>>) dst(%arg5 : memref<80x128xi32, #tpu.memory_space<vmem>>)
      tpu.yield
    }) : () -> ()
    %mul3A_10 = arith.constant 625 : i32
    %mul3A_11 = arith.muli %arg1, %mul3A_10 : i32
    %mul3A_12 = arith.constant 625 : i32
    %mul3A_13 = arith.muli %arg1, %mul3A_12 : i32
    "tpu.region"() ({
      %run_scoped3A_143 = tpu.sem_alloc : memref<!tpu.dma_semaphore, #tpu.memory_space<semaphore_mem>>
      %dma_start3A_144 = arith.constant 0 : i32
      %dma_start3A_145 = tpu.memref_slice %arg25[%mul3A_13, %dma_start3A_144] : memref<10016x16xf32, #tpu.memory_space<vmem_shared>> -> memref<625x16xf32, #tpu.memory_space<vmem_shared>>
      %dma_start3A_146 = arith.constant 0 : i32
      %dma_start3A_147 = tpu.memref_slice %arg2[%mul3A_11, %dma_start3A_146] : memref<10000x128xf32, #tpu.memory_space<hbm>> -> memref<625x16xf32, #tpu.memory_space<hbm>>
      tpu.enqueue_dma source(%dma_start3A_147 : memref<625x16xf32, #tpu.memory_space<hbm>>) target(%dma_start3A_145 : memref<625x16xf32, #tpu.memory_space<vmem_shared>>) target_semaphore(%run_scoped3A_143 : memref<!tpu.dma_semaphore, #tpu.memory_space<semaphore_mem>>)
      %dma_wait3A_148 = arith.constant 0 : i32
      %dma_wait3A_149 = tpu.memref_slice %arg25[%mul3A_13, %dma_wait3A_148] : memref<10016x16xf32, #tpu.memory_space<vmem_shared>> -> memref<625x16xf32, #tpu.memory_space<vmem_shared>>
      %dma_wait3A_150 = arith.constant 0 : i32
      %dma_wait3A_151 = tpu.memref_slice %arg2[%mul3A_11, %dma_wait3A_150] : memref<10000x128xf32, #tpu.memory_space<hbm>> -> memref<625x16xf32, #tpu.memory_space<hbm>>
      tpu.wait_dma2 semaphore(%run_scoped3A_143 : memref<!tpu.dma_semaphore, #tpu.memory_space<semaphore_mem>>) src(%dma_wait3A_151 : memref<625x16xf32, #tpu.memory_space<hbm>>) dst(%dma_wait3A_149 : memref<625x16xf32, #tpu.memory_space<vmem_shared>>)
      tpu.yield
    }) : () -> ()
    %barrier3A = arith.constant 0 : index
    tpu.barrier barrier_id(%barrier3A)
    %dma_start3A = arith.constant 0 : i32
    %dma_start3A_14 = arith.constant 0 : i32
    %dma_start3A_15 = tpu.memref_slice %arg5[%dma_start3A, %dma_start3A_14] : memref<80x128xi32, #tpu.memory_space<vmem>> -> memref<1x128xi32, #tpu.memory_space<vmem>>
    %dma_start3A_16 = tpu.memref_squeeze %dma_start3A_15 : memref<1x128xi32, #tpu.memory_space<vmem>> -> memref<128xi32, #tpu.memory_space<vmem>>
    %dma_start3A_17 = arith.constant 0 : i32
    %dma_start3A_18 = arith.constant 0 : i32
    %dma_start3A_19 = tpu.memref_slice %arg25[%dma_start3A_17, %dma_start3A_18] : memref<10016x16xf32, #tpu.memory_space<vmem_shared>> -> memref<10016x16xf32, #tpu.memory_space<vmem_shared>>
    tpu.enqueue_indirect_dma source(%dma_start3A_19 : memref<10016x16xf32, #tpu.memory_space<vmem_shared>>) target(%arg6 : memref<128x16xf32, #tpu.memory_space<vmem>>) offsets(%dma_start3A_16 : memref<128xi32, #tpu.memory_space<vmem>>) semaphore(%arg26 : memref<!tpu.dma_semaphore, #tpu.memory_space<semaphore_mem>>)
    %dma_start3A_20 = arith.constant 1 : i32
    %dma_start3A_21 = arith.constant 0 : i32
    %dma_start3A_22 = tpu.memref_slice %arg5[%dma_start3A_20, %dma_start3A_21] : memref<80x128xi32, #tpu.memory_space<vmem>> -> memref<1x128xi32, #tpu.memory_space<vmem>>
    %dma_start3A_23 = tpu.memref_squeeze %dma_start3A_22 : memref<1x128xi32, #tpu.memory_space<vmem>> -> memref<128xi32, #tpu.memory_space<vmem>>
    %dma_start3A_24 = arith.constant 0 : i32
    %dma_start3A_25 = arith.constant 0 : i32
    %dma_start3A_26 = tpu.memref_slice %arg25[%dma_start3A_24, %dma_start3A_25] : memref<10016x16xf32, #tpu.memory_space<vmem_shared>> -> memref<10016x16xf32, #tpu.memory_space<vmem_shared>>
    tpu.enqueue_indirect_dma source(%dma_start3A_26 : memref<10016x16xf32, #tpu.memory_space<vmem_shared>>) target(%arg7 : memref<128x16xf32, #tpu.memory_space<vmem>>) offsets(%dma_start3A_23 : memref<128xi32, #tpu.memory_space<vmem>>) semaphore(%arg26 : memref<!tpu.dma_semaphore, #tpu.memory_space<semaphore_mem>>)
    %dma_start3A_27 = arith.constant 2 : i32
    %dma_start3A_28 = arith.constant 0 : i32
    %dma_start3A_29 = tpu.memref_slice %arg5[%dma_start3A_27, %dma_start3A_28] : memref<80x128xi32, #tpu.memory_space<vmem>> -> memref<1x128xi32, #tpu.memory_space<vmem>>
    %dma_start3A_30 = tpu.memref_squeeze %dma_start3A_29 : memref<1x128xi32, #tpu.memory_space<vmem>> -> memref<128xi32, #tpu.memory_space<vmem>>
    %dma_start3A_31 = arith.constant 0 : i32
    %dma_start3A_32 = arith.constant 0 : i32
    %dma_start3A_33 = tpu.memref_slice %arg25[%dma_start3A_31, %dma_start3A_32] : memref<10016x16xf32, #tpu.memory_space<vmem_shared>> -> memref<10016x16xf32, #tpu.memory_space<vmem_shared>>
    tpu.enqueue_indirect_dma source(%dma_start3A_33 : memref<10016x16xf32, #tpu.memory_space<vmem_shared>>) target(%arg8 : memref<128x16xf32, #tpu.memory_space<vmem>>) offsets(%dma_start3A_30 : memref<128xi32, #tpu.memory_space<vmem>>) semaphore(%arg26 : memref<!tpu.dma_semaphore, #tpu.memory_space<semaphore_mem>>)
    %dma_start3A_34 = arith.constant 3 : i32
    %dma_start3A_35 = arith.constant 0 : i32
    %dma_start3A_36 = tpu.memref_slice %arg5[%dma_start3A_34, %dma_start3A_35] : memref<80x128xi32, #tpu.memory_space<vmem>> -> memref<1x128xi32, #tpu.memory_space<vmem>>
    %dma_start3A_37 = tpu.memref_squeeze %dma_start3A_36 : memref<1x128xi32, #tpu.memory_space<vmem>> -> memref<128xi32, #tpu.memory_space<vmem>>
    %dma_start3A_38 = arith.constant 0 : i32
    %dma_start3A_39 = arith.constant 0 : i32
    %dma_start3A_40 = tpu.memref_slice %arg25[%dma_start3A_38, %dma_start3A_39] : memref<10016x16xf32, #tpu.memory_space<vmem_shared>> -> memref<10016x16xf32, #tpu.memory_space<vmem_shared>>
    tpu.enqueue_indirect_dma source(%dma_start3A_40 : memref<10016x16xf32, #tpu.memory_space<vmem_shared>>) target(%arg9 : memref<128x16xf32, #tpu.memory_space<vmem>>) offsets(%dma_start3A_37 : memref<128xi32, #tpu.memory_space<vmem>>) semaphore(%arg26 : memref<!tpu.dma_semaphore, #tpu.memory_space<semaphore_mem>>)
    %dma_start3A_41 = arith.constant 4 : i32
    %dma_start3A_42 = arith.constant 0 : i32
    %dma_start3A_43 = tpu.memref_slice %arg5[%dma_start3A_41, %dma_start3A_42] : memref<80x128xi32, #tpu.memory_space<vmem>> -> memref<1x128xi32, #tpu.memory_space<vmem>>
    %dma_start3A_44 = tpu.memref_squeeze %dma_start3A_43 : memref<1x128xi32, #tpu.memory_space<vmem>> -> memref<128xi32, #tpu.memory_space<vmem>>
    %dma_start3A_45 = arith.constant 0 : i32
    %dma_start3A_46 = arith.constant 0 : i32
    %dma_start3A_47 = tpu.memref_slice %arg25[%dma_start3A_45, %dma_start3A_46] : memref<10016x16xf32, #tpu.memory_space<vmem_shared>> -> memref<10016x16xf32, #tpu.memory_space<vmem_shared>>
    tpu.enqueue_indirect_dma source(%dma_start3A_47 : memref<10016x16xf32, #tpu.memory_space<vmem_shared>>) target(%arg10 : memref<128x16xf32, #tpu.memory_space<vmem>>) offsets(%dma_start3A_44 : memref<128xi32, #tpu.memory_space<vmem>>) semaphore(%arg26 : memref<!tpu.dma_semaphore, #tpu.memory_space<semaphore_mem>>)
    %dma_start3A_48 = arith.constant 5 : i32
    %dma_start3A_49 = arith.constant 0 : i32
    %dma_start3A_50 = tpu.memref_slice %arg5[%dma_start3A_48, %dma_start3A_49] : memref<80x128xi32, #tpu.memory_space<vmem>> -> memref<1x128xi32, #tpu.memory_space<vmem>>
    %dma_start3A_51 = tpu.memref_squeeze %dma_start3A_50 : memref<1x128xi32, #tpu.memory_space<vmem>> -> memref<128xi32, #tpu.memory_space<vmem>>
    %dma_start3A_52 = arith.constant 0 : i32
    %dma_start3A_53 = arith.constant 0 : i32
    %dma_start3A_54 = tpu.memref_slice %arg25[%dma_start3A_52, %dma_start3A_53] : memref<10016x16xf32, #tpu.memory_space<vmem_shared>> -> memref<10016x16xf32, #tpu.memory_space<vmem_shared>>
    tpu.enqueue_indirect_dma source(%dma_start3A_54 : memref<10016x16xf32, #tpu.memory_space<vmem_shared>>) target(%arg11 : memref<128x16xf32, #tpu.memory_space<vmem>>) offsets(%dma_start3A_51 : memref<128xi32, #tpu.memory_space<vmem>>) semaphore(%arg26 : memref<!tpu.dma_semaphore, #tpu.memory_space<semaphore_mem>>)
    %dma_start3A_55 = arith.constant 6 : i32
    %dma_start3A_56 = arith.constant 0 : i32
    %dma_start3A_57 = tpu.memref_slice %arg5[%dma_start3A_55, %dma_start3A_56] : memref<80x128xi32, #tpu.memory_space<vmem>> -> memref<1x128xi32, #tpu.memory_space<vmem>>
    %dma_start3A_58 = tpu.memref_squeeze %dma_start3A_57 : memref<1x128xi32, #tpu.memory_space<vmem>> -> memref<128xi32, #tpu.memory_space<vmem>>
    %dma_start3A_59 = arith.constant 0 : i32
    %dma_start3A_60 = arith.constant 0 : i32
    %dma_start3A_61 = tpu.memref_slice %arg25[%dma_start3A_59, %dma_start3A_60] : memref<10016x16xf32, #tpu.memory_space<vmem_shared>> -> memref<10016x16xf32, #tpu.memory_space<vmem_shared>>
    tpu.enqueue_indirect_dma source(%dma_start3A_61 : memref<10016x16xf32, #tpu.memory_space<vmem_shared>>) target(%arg12 : memref<128x16xf32, #tpu.memory_space<vmem>>) offsets(%dma_start3A_58 : memref<128xi32, #tpu.memory_space<vmem>>) semaphore(%arg26 : memref<!tpu.dma_semaphore, #tpu.memory_space<semaphore_mem>>)
    %dma_start3A_62 = arith.constant 7 : i32
    %dma_start3A_63 = arith.constant 0 : i32
    %dma_start3A_64 = tpu.memref_slice %arg5[%dma_start3A_62, %dma_start3A_63] : memref<80x128xi32, #tpu.memory_space<vmem>> -> memref<1x128xi32, #tpu.memory_space<vmem>>
    %dma_start3A_65 = tpu.memref_squeeze %dma_start3A_64 : memref<1x128xi32, #tpu.memory_space<vmem>> -> memref<128xi32, #tpu.memory_space<vmem>>
    %dma_start3A_66 = arith.constant 0 : i32
    %dma_start3A_67 = arith.constant 0 : i32
    %dma_start3A_68 = tpu.memref_slice %arg25[%dma_start3A_66, %dma_start3A_67] : memref<10016x16xf32, #tpu.memory_space<vmem_shared>> -> memref<10016x16xf32, #tpu.memory_space<vmem_shared>>
    tpu.enqueue_indirect_dma source(%dma_start3A_68 : memref<10016x16xf32, #tpu.memory_space<vmem_shared>>) target(%arg13 : memref<128x16xf32, #tpu.memory_space<vmem>>) offsets(%dma_start3A_65 : memref<128xi32, #tpu.memory_space<vmem>>) semaphore(%arg26 : memref<!tpu.dma_semaphore, #tpu.memory_space<semaphore_mem>>)
    %dma_start3A_69 = arith.constant 1 : i32
    %dma_start3A_70 = arith.constant 0 : i32
    %dma_start3A_71 = arith.constant 0 : i32
    %dma_start3A_72 = tpu.memref_slice %arg3[%dma_start3A_69, %add3A, %dma_start3A_70, %dma_start3A_71] : memref<2x32x80x128xi32, #tpu.memory_space<hbm>> -> memref<1x1x8x128xi32, #tpu.memory_space<hbm>>
    %dma_start3A_73 = tpu.memref_squeeze %dma_start3A_72 : memref<1x1x8x128xi32, #tpu.memory_space<hbm>> -> memref<8x128xi32, #tpu.memory_space<hbm>>
    %dma_start3A_74 = arith.constant 0 : i32
    %dma_start3A_75 = arith.constant 0 : i32
    %dma_start3A_76 = tpu.memref_slice %arg3[%dma_start3A_69, %add3A, %dma_start3A_74, %dma_start3A_75] : memref<2x32x80x128xi32, #tpu.memory_space<hbm>> -> memref<1x1x8x128xi32, #tpu.memory_space<hbm>>
    %dma_start3A_77 = tpu.memref_squeeze %dma_start3A_76 : memref<1x1x8x128xi32, #tpu.memory_space<hbm>> -> memref<8x128xi32, #tpu.memory_space<hbm>>
    tpu.enqueue_dma source(%dma_start3A_77 : memref<8x128xi32, #tpu.memory_space<hbm>>) target(%arg22 : memref<8x128xi32, #tpu.memory_space<vmem>>) target_semaphore(%arg30 : memref<!tpu.dma_semaphore, #tpu.memory_space<semaphore_mem>>)
    %scan3A_78 = arith.constant 0 : i32
    %scan3A_79 = arith.constant 5 : i32
    %scan3A_80 = arith.addi %scan3A_78, %scan3A_79 : i32
    %scan3A_81 = arith.constant 1 : i32
    scf.for %scan3A_143 = %scan3A_78 to %scan3A_80 step %scan3A_81  : i32 {
      %mul3A_144 = arith.constant 16 : i32
      %mul3A_145 = arith.muli %scan3A_143, %mul3A_144 : i32
      %add3A_146 = arith.constant 0 : i32
      %add3A_147 = arith.addi %add3A_146, %mul3A_145 : i32
      %dma_wait3A_148 = arith.constant 0 : i32
      %dma_wait3A_149 = arith.constant 0 : i32
      %dma_wait3A_150 = tpu.memref_slice %arg5[%dma_wait3A_148, %dma_wait3A_149] : memref<80x128xi32, #tpu.memory_space<vmem>> -> memref<1x128xi32, #tpu.memory_space<vmem>>
      %dma_wait3A_151 = tpu.memref_squeeze %dma_wait3A_150 : memref<1x128xi32, #tpu.memory_space<vmem>> -> memref<128xi32, #tpu.memory_space<vmem>>
      %dma_wait3A_152 = arith.constant 0 : i32
      %dma_wait3A_153 = arith.constant 0 : i32
      %dma_wait3A_154 = tpu.memref_slice %arg25[%dma_wait3A_152, %dma_wait3A_153] : memref<10016x16xf32, #tpu.memory_space<vmem_shared>> -> memref<10016x16xf32, #tpu.memory_space<vmem_shared>>
      tpu.wait_indirect_dma semaphore(%arg26 : memref<!tpu.dma_semaphore, #tpu.memory_space<semaphore_mem>>) src(%dma_wait3A_154 : memref<10016x16xf32, #tpu.memory_space<vmem_shared>>) dst(%arg6 : memref<128x16xf32, #tpu.memory_space<vmem>>)
      %dma_wait3A_155 = arith.constant 0 : i32
      %dma_wait3A_156 = arith.constant 0 : i32
      %dma_wait3A_157 = tpu.memref_slice %arg5[%dma_wait3A_155, %dma_wait3A_156] : memref<80x128xi32, #tpu.memory_space<vmem>> -> memref<1x128xi32, #tpu.memory_space<vmem>>
      %dma_wait3A_158 = tpu.memref_squeeze %dma_wait3A_157 : memref<1x128xi32, #tpu.memory_space<vmem>> -> memref<128xi32, #tpu.memory_space<vmem>>
      %dma_wait3A_159 = arith.constant 0 : i32
      %dma_wait3A_160 = arith.constant 0 : i32
      %dma_wait3A_161 = tpu.memref_slice %arg25[%dma_wait3A_159, %dma_wait3A_160] : memref<10016x16xf32, #tpu.memory_space<vmem_shared>> -> memref<10016x16xf32, #tpu.memory_space<vmem_shared>>
      tpu.wait_indirect_dma semaphore(%arg26 : memref<!tpu.dma_semaphore, #tpu.memory_space<semaphore_mem>>) src(%dma_wait3A_161 : memref<10016x16xf32, #tpu.memory_space<vmem_shared>>) dst(%arg7 : memref<128x16xf32, #tpu.memory_space<vmem>>)
      %dma_wait3A_162 = arith.constant 0 : i32
      %dma_wait3A_163 = arith.constant 0 : i32
      %dma_wait3A_164 = tpu.memref_slice %arg5[%dma_wait3A_162, %dma_wait3A_163] : memref<80x128xi32, #tpu.memory_space<vmem>> -> memref<1x128xi32, #tpu.memory_space<vmem>>
      %dma_wait3A_165 = tpu.memref_squeeze %dma_wait3A_164 : memref<1x128xi32, #tpu.memory_space<vmem>> -> memref<128xi32, #tpu.memory_space<vmem>>
      %dma_wait3A_166 = arith.constant 0 : i32
      %dma_wait3A_167 = arith.constant 0 : i32
      %dma_wait3A_168 = tpu.memref_slice %arg25[%dma_wait3A_166, %dma_wait3A_167] : memref<10016x16xf32, #tpu.memory_space<vmem_shared>> -> memref<10016x16xf32, #tpu.memory_space<vmem_shared>>
      tpu.wait_indirect_dma semaphore(%arg26 : memref<!tpu.dma_semaphore, #tpu.memory_space<semaphore_mem>>) src(%dma_wait3A_168 : memref<10016x16xf32, #tpu.memory_space<vmem_shared>>) dst(%arg8 : memref<128x16xf32, #tpu.memory_space<vmem>>)
      %dma_wait3A_169 = arith.constant 0 : i32
      %dma_wait3A_170 = arith.constant 0 : i32
      %dma_wait3A_171 = tpu.memref_slice %arg5[%dma_wait3A_169, %dma_wait3A_170] : memref<80x128xi32, #tpu.memory_space<vmem>> -> memref<1x128xi32, #tpu.memory_space<vmem>>
      %dma_wait3A_172 = tpu.memref_squeeze %dma_wait3A_171 : memref<1x128xi32, #tpu.memory_space<vmem>> -> memref<128xi32, #tpu.memory_space<vmem>>
      %dma_wait3A_173 = arith.constant 0 : i32
      %dma_wait3A_174 = arith.constant 0 : i32
      %dma_wait3A_175 = tpu.memref_slice %arg25[%dma_wait3A_173, %dma_wait3A_174] : memref<10016x16xf32, #tpu.memory_space<vmem_shared>> -> memref<10016x16xf32, #tpu.memory_space<vmem_shared>>
      tpu.wait_indirect_dma semaphore(%arg26 : memref<!tpu.dma_semaphore, #tpu.memory_space<semaphore_mem>>) src(%dma_wait3A_175 : memref<10016x16xf32, #tpu.memory_space<vmem_shared>>) dst(%arg9 : memref<128x16xf32, #tpu.memory_space<vmem>>)
      %dma_wait3A_176 = arith.constant 0 : i32
      %dma_wait3A_177 = arith.constant 0 : i32
      %dma_wait3A_178 = tpu.memref_slice %arg5[%dma_wait3A_176, %dma_wait3A_177] : memref<80x128xi32, #tpu.memory_space<vmem>> -> memref<1x128xi32, #tpu.memory_space<vmem>>
      %dma_wait3A_179 = tpu.memref_squeeze %dma_wait3A_178 : memref<1x128xi32, #tpu.memory_space<vmem>> -> memref<128xi32, #tpu.memory_space<vmem>>
      %dma_wait3A_180 = arith.constant 0 : i32
      %dma_wait3A_181 = arith.constant 0 : i32
      %dma_wait3A_182 = tpu.memref_slice %arg25[%dma_wait3A_180, %dma_wait3A_181] : memref<10016x16xf32, #tpu.memory_space<vmem_shared>> -> memref<10016x16xf32, #tpu.memory_space<vmem_shared>>
      tpu.wait_indirect_dma semaphore(%arg26 : memref<!tpu.dma_semaphore, #tpu.memory_space<semaphore_mem>>) src(%dma_wait3A_182 : memref<10016x16xf32, #tpu.memory_space<vmem_shared>>) dst(%arg10 : memref<128x16xf32, #tpu.memory_space<vmem>>)
      %dma_wait3A_183 = arith.constant 0 : i32
      %dma_wait3A_184 = arith.constant 0 : i32
      %dma_wait3A_185 = tpu.memref_slice %arg5[%dma_wait3A_183, %dma_wait3A_184] : memref<80x128xi32, #tpu.memory_space<vmem>> -> memref<1x128xi32, #tpu.memory_space<vmem>>
      %dma_wait3A_186 = tpu.memref_squeeze %dma_wait3A_185 : memref<1x128xi32, #tpu.memory_space<vmem>> -> memref<128xi32, #tpu.memory_space<vmem>>
      %dma_wait3A_187 = arith.constant 0 : i32
      %dma_wait3A_188 = arith.constant 0 : i32
      %dma_wait3A_189 = tpu.memref_slice %arg25[%dma_wait3A_187, %dma_wait3A_188] : memref<10016x16xf32, #tpu.memory_space<vmem_shared>> -> memref<10016x16xf32, #tpu.memory_space<vmem_shared>>
      tpu.wait_indirect_dma semaphore(%arg26 : memref<!tpu.dma_semaphore, #tpu.memory_space<semaphore_mem>>) src(%dma_wait3A_189 : memref<10016x16xf32, #tpu.memory_space<vmem_shared>>) dst(%arg11 : memref<128x16xf32, #tpu.memory_space<vmem>>)
      %dma_wait3A_190 = arith.constant 0 : i32
      %dma_wait3A_191 = arith.constant 0 : i32
      %dma_wait3A_192 = tpu.memref_slice %arg5[%dma_wait3A_190, %dma_wait3A_191] : memref<80x128xi32, #tpu.memory_space<vmem>> -> memref<1x128xi32, #tpu.memory_space<vmem>>
      %dma_wait3A_193 = tpu.memref_squeeze %dma_wait3A_192 : memref<1x128xi32, #tpu.memory_space<vmem>> -> memref<128xi32, #tpu.memory_space<vmem>>
      %dma_wait3A_194 = arith.constant 0 : i32
      %dma_wait3A_195 = arith.constant 0 : i32
      %dma_wait3A_196 = tpu.memref_slice %arg25[%dma_wait3A_194, %dma_wait3A_195] : memref<10016x16xf32, #tpu.memory_space<vmem_shared>> -> memref<10016x16xf32, #tpu.memory_space<vmem_shared>>
      tpu.wait_indirect_dma semaphore(%arg26 : memref<!tpu.dma_semaphore, #tpu.memory_space<semaphore_mem>>) src(%dma_wait3A_196 : memref<10016x16xf32, #tpu.memory_space<vmem_shared>>) dst(%arg12 : memref<128x16xf32, #tpu.memory_space<vmem>>)
      %dma_wait3A_197 = arith.constant 0 : i32
      %dma_wait3A_198 = arith.constant 0 : i32
      %dma_wait3A_199 = tpu.memref_slice %arg5[%dma_wait3A_197, %dma_wait3A_198] : memref<80x128xi32, #tpu.memory_space<vmem>> -> memref<1x128xi32, #tpu.memory_space<vmem>>
      %dma_wait3A_200 = tpu.memref_squeeze %dma_wait3A_199 : memref<1x128xi32, #tpu.memory_space<vmem>> -> memref<128xi32, #tpu.memory_space<vmem>>
      %dma_wait3A_201 = arith.constant 0 : i32
      %dma_wait3A_202 = arith.constant 0 : i32
      %dma_wait3A_203 = tpu.memref_slice %arg25[%dma_wait3A_201, %dma_wait3A_202] : memref<10016x16xf32, #tpu.memory_space<vmem_shared>> -> memref<10016x16xf32, #tpu.memory_space<vmem_shared>>
      tpu.wait_indirect_dma semaphore(%arg26 : memref<!tpu.dma_semaphore, #tpu.memory_space<semaphore_mem>>) src(%dma_wait3A_203 : memref<10016x16xf32, #tpu.memory_space<vmem_shared>>) dst(%arg13 : memref<128x16xf32, #tpu.memory_space<vmem>>)
      %dma_wait3A_204 = arith.constant 1 : i32
      %dma_wait3A_205 = arith.constant 0 : i32
      %dma_wait3A_206 = arith.constant 0 : i32
      %dma_wait3A_207 = tpu.memref_slice %arg3[%dma_wait3A_204, %add3A, %dma_wait3A_205, %dma_wait3A_206] : memref<2x32x80x128xi32, #tpu.memory_space<hbm>> -> memref<1x1x8x128xi32, #tpu.memory_space<hbm>>
      %dma_wait3A_208 = tpu.memref_squeeze %dma_wait3A_207 : memref<1x1x8x128xi32, #tpu.memory_space<hbm>> -> memref<8x128xi32, #tpu.memory_space<hbm>>
      %dma_wait3A_209 = arith.constant 0 : i32
      %dma_wait3A_210 = arith.constant 0 : i32
      %dma_wait3A_211 = tpu.memref_slice %arg3[%dma_wait3A_204, %add3A, %dma_wait3A_209, %dma_wait3A_210] : memref<2x32x80x128xi32, #tpu.memory_space<hbm>> -> memref<1x1x8x128xi32, #tpu.memory_space<hbm>>
      %dma_wait3A_212 = tpu.memref_squeeze %dma_wait3A_211 : memref<1x1x8x128xi32, #tpu.memory_space<hbm>> -> memref<8x128xi32, #tpu.memory_space<hbm>>
      tpu.wait_dma2 semaphore(%arg30 : memref<!tpu.dma_semaphore, #tpu.memory_space<semaphore_mem>>) src(%dma_wait3A_212 : memref<8x128xi32, #tpu.memory_space<hbm>>) dst(%arg22 : memref<8x128xi32, #tpu.memory_space<vmem>>)
      %dma_start3A_213 = arith.constant 0 : i32
      %dma_start3A_214 = arith.constant 0 : i32
      %dma_start3A_215 = tpu.memref_slice %arg22[%dma_start3A_213, %dma_start3A_214] : memref<8x128xi32, #tpu.memory_space<vmem>> -> memref<1x128xi32, #tpu.memory_space<vmem>>
      %dma_start3A_216 = tpu.memref_squeeze %dma_start3A_215 : memref<1x128xi32, #tpu.memory_space<vmem>> -> memref<128xi32, #tpu.memory_space<vmem>>
      %dma_start3A_217 = arith.constant 0 : i32
      %dma_start3A_218 = arith.constant 0 : i32
      %dma_start3A_219 = tpu.memref_slice %arg24[%dma_start3A_217, %dma_start3A_218] : memref<10240x16xf32, #tpu.memory_space<vmem_shared>> -> memref<10240x16xf32, #tpu.memory_space<vmem_shared>>
      tpu.enqueue_indirect_dma source(%arg6 : memref<128x16xf32, #tpu.memory_space<vmem>>) target(%dma_start3A_219 : memref<10240x16xf32, #tpu.memory_space<vmem_shared>>) offsets(%dma_start3A_216 : memref<128xi32, #tpu.memory_space<vmem>>) semaphore(%arg28 : memref<!tpu.dma_semaphore, #tpu.memory_space<semaphore_mem>>) {add = true}
      %dma_start3A_220 = arith.constant 1 : i32
      %dma_start3A_221 = arith.constant 0 : i32
      %dma_start3A_222 = tpu.memref_slice %arg22[%dma_start3A_220, %dma_start3A_221] : memref<8x128xi32, #tpu.memory_space<vmem>> -> memref<1x128xi32, #tpu.memory_space<vmem>>
      %dma_start3A_223 = tpu.memref_squeeze %dma_start3A_222 : memref<1x128xi32, #tpu.memory_space<vmem>> -> memref<128xi32, #tpu.memory_space<vmem>>
      %dma_start3A_224 = arith.constant 0 : i32
      %dma_start3A_225 = arith.constant 0 : i32
      %dma_start3A_226 = tpu.memref_slice %arg24[%dma_start3A_224, %dma_start3A_225] : memref<10240x16xf32, #tpu.memory_space<vmem_shared>> -> memref<10240x16xf32, #tpu.memory_space<vmem_shared>>
      tpu.enqueue_indirect_dma source(%arg7 : memref<128x16xf32, #tpu.memory_space<vmem>>) target(%dma_start3A_226 : memref<10240x16xf32, #tpu.memory_space<vmem_shared>>) offsets(%dma_start3A_223 : memref<128xi32, #tpu.memory_space<vmem>>) semaphore(%arg28 : memref<!tpu.dma_semaphore, #tpu.memory_space<semaphore_mem>>) {add = true}
      %dma_start3A_227 = arith.constant 2 : i32
      %dma_start3A_228 = arith.constant 0 : i32
      %dma_start3A_229 = tpu.memref_slice %arg22[%dma_start3A_227, %dma_start3A_228] : memref<8x128xi32, #tpu.memory_space<vmem>> -> memref<1x128xi32, #tpu.memory_space<vmem>>
      %dma_start3A_230 = tpu.memref_squeeze %dma_start3A_229 : memref<1x128xi32, #tpu.memory_space<vmem>> -> memref<128xi32, #tpu.memory_space<vmem>>
      %dma_start3A_231 = arith.constant 0 : i32
      %dma_start3A_232 = arith.constant 0 : i32
      %dma_start3A_233 = tpu.memref_slice %arg24[%dma_start3A_231, %dma_start3A_232] : memref<10240x16xf32, #tpu.memory_space<vmem_shared>> -> memref<10240x16xf32, #tpu.memory_space<vmem_shared>>
      tpu.enqueue_indirect_dma source(%arg8 : memref<128x16xf32, #tpu.memory_space<vmem>>) target(%dma_start3A_233 : memref<10240x16xf32, #tpu.memory_space<vmem_shared>>) offsets(%dma_start3A_230 : memref<128xi32, #tpu.memory_space<vmem>>) semaphore(%arg28 : memref<!tpu.dma_semaphore, #tpu.memory_space<semaphore_mem>>) {add = true}
      %dma_start3A_234 = arith.constant 3 : i32
      %dma_start3A_235 = arith.constant 0 : i32
      %dma_start3A_236 = tpu.memref_slice %arg22[%dma_start3A_234, %dma_start3A_235] : memref<8x128xi32, #tpu.memory_space<vmem>> -> memref<1x128xi32, #tpu.memory_space<vmem>>
      %dma_start3A_237 = tpu.memref_squeeze %dma_start3A_236 : memref<1x128xi32, #tpu.memory_space<vmem>> -> memref<128xi32, #tpu.memory_space<vmem>>
      %dma_start3A_238 = arith.constant 0 : i32
      %dma_start3A_239 = arith.constant 0 : i32
      %dma_start3A_240 = tpu.memref_slice %arg24[%dma_start3A_238, %dma_start3A_239] : memref<10240x16xf32, #tpu.memory_space<vmem_shared>> -> memref<10240x16xf32, #tpu.memory_space<vmem_shared>>
      tpu.enqueue_indirect_dma source(%arg9 : memref<128x16xf32, #tpu.memory_space<vmem>>) target(%dma_start3A_240 : memref<10240x16xf32, #tpu.memory_space<vmem_shared>>) offsets(%dma_start3A_237 : memref<128xi32, #tpu.memory_space<vmem>>) semaphore(%arg28 : memref<!tpu.dma_semaphore, #tpu.memory_space<semaphore_mem>>) {add = true}
      %dma_start3A_241 = arith.constant 4 : i32
      %dma_start3A_242 = arith.constant 0 : i32
      %dma_start3A_243 = tpu.memref_slice %arg22[%dma_start3A_241, %dma_start3A_242] : memref<8x128xi32, #tpu.memory_space<vmem>> -> memref<1x128xi32, #tpu.memory_space<vmem>>
      %dma_start3A_244 = tpu.memref_squeeze %dma_start3A_243 : memref<1x128xi32, #tpu.memory_space<vmem>> -> memref<128xi32, #tpu.memory_space<vmem>>
      %dma_start3A_245 = arith.constant 0 : i32
      %dma_start3A_246 = arith.constant 0 : i32
      %dma_start3A_247 = tpu.memref_slice %arg24[%dma_start3A_245, %dma_start3A_246] : memref<10240x16xf32, #tpu.memory_space<vmem_shared>> -> memref<10240x16xf32, #tpu.memory_space<vmem_shared>>
      tpu.enqueue_indirect_dma source(%arg10 : memref<128x16xf32, #tpu.memory_space<vmem>>) target(%dma_start3A_247 : memref<10240x16xf32, #tpu.memory_space<vmem_shared>>) offsets(%dma_start3A_244 : memref<128xi32, #tpu.memory_space<vmem>>) semaphore(%arg28 : memref<!tpu.dma_semaphore, #tpu.memory_space<semaphore_mem>>) {add = true}
      %dma_start3A_248 = arith.constant 5 : i32
      %dma_start3A_249 = arith.constant 0 : i32
      %dma_start3A_250 = tpu.memref_slice %arg22[%dma_start3A_248, %dma_start3A_249] : memref<8x128xi32, #tpu.memory_space<vmem>> -> memref<1x128xi32, #tpu.memory_space<vmem>>
      %dma_start3A_251 = tpu.memref_squeeze %dma_start3A_250 : memref<1x128xi32, #tpu.memory_space<vmem>> -> memref<128xi32, #tpu.memory_space<vmem>>
      %dma_start3A_252 = arith.constant 0 : i32
      %dma_start3A_253 = arith.constant 0 : i32
      %dma_start3A_254 = tpu.memref_slice %arg24[%dma_start3A_252, %dma_start3A_253] : memref<10240x16xf32, #tpu.memory_space<vmem_shared>> -> memref<10240x16xf32, #tpu.memory_space<vmem_shared>>
      tpu.enqueue_indirect_dma source(%arg11 : memref<128x16xf32, #tpu.memory_space<vmem>>) target(%dma_start3A_254 : memref<10240x16xf32, #tpu.memory_space<vmem_shared>>) offsets(%dma_start3A_251 : memref<128xi32, #tpu.memory_space<vmem>>) semaphore(%arg28 : memref<!tpu.dma_semaphore, #tpu.memory_space<semaphore_mem>>) {add = true}
      %dma_start3A_255 = arith.constant 6 : i32
      %dma_start3A_256 = arith.constant 0 : i32
      %dma_start3A_257 = tpu.memref_slice %arg22[%dma_start3A_255, %dma_start3A_256] : memref<8x128xi32, #tpu.memory_space<vmem>> -> memref<1x128xi32, #tpu.memory_space<vmem>>
      %dma_start3A_258 = tpu.memref_squeeze %dma_start3A_257 : memref<1x128xi32, #tpu.memory_space<vmem>> -> memref<128xi32, #tpu.memory_space<vmem>>
      %dma_start3A_259 = arith.constant 0 : i32
      %dma_start3A_260 = arith.constant 0 : i32
      %dma_start3A_261 = tpu.memref_slice %arg24[%dma_start3A_259, %dma_start3A_260] : memref<10240x16xf32, #tpu.memory_space<vmem_shared>> -> memref<10240x16xf32, #tpu.memory_space<vmem_shared>>
      tpu.enqueue_indirect_dma source(%arg12 : memref<128x16xf32, #tpu.memory_space<vmem>>) target(%dma_start3A_261 : memref<10240x16xf32, #tpu.memory_space<vmem_shared>>) offsets(%dma_start3A_258 : memref<128xi32, #tpu.memory_space<vmem>>) semaphore(%arg28 : memref<!tpu.dma_semaphore, #tpu.memory_space<semaphore_mem>>) {add = true}
      %dma_start3A_262 = arith.constant 7 : i32
      %dma_start3A_263 = arith.constant 0 : i32
      %dma_start3A_264 = tpu.memref_slice %arg22[%dma_start3A_262, %dma_start3A_263] : memref<8x128xi32, #tpu.memory_space<vmem>> -> memref<1x128xi32, #tpu.memory_space<vmem>>
      %dma_start3A_265 = tpu.memref_squeeze %dma_start3A_264 : memref<1x128xi32, #tpu.memory_space<vmem>> -> memref<128xi32, #tpu.memory_space<vmem>>
      %dma_start3A_266 = arith.constant 0 : i32
      %dma_start3A_267 = arith.constant 0 : i32
      %dma_start3A_268 = tpu.memref_slice %arg24[%dma_start3A_266, %dma_start3A_267] : memref<10240x16xf32, #tpu.memory_space<vmem_shared>> -> memref<10240x16xf32, #tpu.memory_space<vmem_shared>>
      tpu.enqueue_indirect_dma source(%arg13 : memref<128x16xf32, #tpu.memory_space<vmem>>) target(%dma_start3A_268 : memref<10240x16xf32, #tpu.memory_space<vmem_shared>>) offsets(%dma_start3A_265 : memref<128xi32, #tpu.memory_space<vmem>>) semaphore(%arg28 : memref<!tpu.dma_semaphore, #tpu.memory_space<semaphore_mem>>) {add = true}
      %gt3A = arith.constant 0 : i32
      %gt3A_269 = arith.cmpi sgt, %add3A_147, %gt3A : i32
      %convert_element_type3A = arith.extui %gt3A_269 : i1 to i32
      %cond3A = arith.constant 0 : i32
      %cond3A_270 = arith.cmpi ne, %convert_element_type3A, %cond3A : i32
      scf.if %cond3A_270 {
        %dma_wait3A_527 = arith.constant 0 : i32
        %dma_wait3A_528 = arith.constant 0 : i32
        %dma_wait3A_529 = tpu.memref_slice %arg23[%dma_wait3A_527, %dma_wait3A_528] : memref<8x128xi32, #tpu.memory_space<vmem>> -> memref<1x128xi32, #tpu.memory_space<vmem>>
        %dma_wait3A_530 = tpu.memref_squeeze %dma_wait3A_529 : memref<1x128xi32, #tpu.memory_space<vmem>> -> memref<128xi32, #tpu.memory_space<vmem>>
        %dma_wait3A_531 = arith.constant 0 : i32
        %dma_wait3A_532 = arith.constant 0 : i32
        %dma_wait3A_533 = tpu.memref_slice %arg24[%dma_wait3A_531, %dma_wait3A_532] : memref<10240x16xf32, #tpu.memory_space<vmem_shared>> -> memref<10240x16xf32, #tpu.memory_space<vmem_shared>>
        tpu.wait_indirect_dma semaphore(%arg29 : memref<!tpu.dma_semaphore, #tpu.memory_space<semaphore_mem>>) src(%arg14 : memref<128x16xf32, #tpu.memory_space<vmem>>) dst(%dma_wait3A_533 : memref<10240x16xf32, #tpu.memory_space<vmem_shared>>)
        %dma_wait3A_534 = arith.constant 0 : i32
        %dma_wait3A_535 = arith.constant 0 : i32
        %dma_wait3A_536 = tpu.memref_slice %arg23[%dma_wait3A_534, %dma_wait3A_535] : memref<8x128xi32, #tpu.memory_space<vmem>> -> memref<1x128xi32, #tpu.memory_space<vmem>>
        %dma_wait3A_537 = tpu.memref_squeeze %dma_wait3A_536 : memref<1x128xi32, #tpu.memory_space<vmem>> -> memref<128xi32, #tpu.memory_space<vmem>>
        %dma_wait3A_538 = arith.constant 0 : i32
        %dma_wait3A_539 = arith.constant 0 : i32
        %dma_wait3A_540 = tpu.memref_slice %arg24[%dma_wait3A_538, %dma_wait3A_539] : memref<10240x16xf32, #tpu.memory_space<vmem_shared>> -> memref<10240x16xf32, #tpu.memory_space<vmem_shared>>
        tpu.wait_indirect_dma semaphore(%arg29 : memref<!tpu.dma_semaphore, #tpu.memory_space<semaphore_mem>>) src(%arg15 : memref<128x16xf32, #tpu.memory_space<vmem>>) dst(%dma_wait3A_540 : memref<10240x16xf32, #tpu.memory_space<vmem_shared>>)
        %dma_wait3A_541 = arith.constant 0 : i32
        %dma_wait3A_542 = arith.constant 0 : i32
        %dma_wait3A_543 = tpu.memref_slice %arg23[%dma_wait3A_541, %dma_wait3A_542] : memref<8x128xi32, #tpu.memory_space<vmem>> -> memref<1x128xi32, #tpu.memory_space<vmem>>
        %dma_wait3A_544 = tpu.memref_squeeze %dma_wait3A_543 : memref<1x128xi32, #tpu.memory_space<vmem>> -> memref<128xi32, #tpu.memory_space<vmem>>
        %dma_wait3A_545 = arith.constant 0 : i32
        %dma_wait3A_546 = arith.constant 0 : i32
        %dma_wait3A_547 = tpu.memref_slice %arg24[%dma_wait3A_545, %dma_wait3A_546] : memref<10240x16xf32, #tpu.memory_space<vmem_shared>> -> memref<10240x16xf32, #tpu.memory_space<vmem_shared>>
        tpu.wait_indirect_dma semaphore(%arg29 : memref<!tpu.dma_semaphore, #tpu.memory_space<semaphore_mem>>) src(%arg16 : memref<128x16xf32, #tpu.memory_space<vmem>>) dst(%dma_wait3A_547 : memref<10240x16xf32, #tpu.memory_space<vmem_shared>>)
        %dma_wait3A_548 = arith.constant 0 : i32
        %dma_wait3A_549 = arith.constant 0 : i32
        %dma_wait3A_550 = tpu.memref_slice %arg23[%dma_wait3A_548, %dma_wait3A_549] : memref<8x128xi32, #tpu.memory_space<vmem>> -> memref<1x128xi32, #tpu.memory_space<vmem>>
        %dma_wait3A_551 = tpu.memref_squeeze %dma_wait3A_550 : memref<1x128xi32, #tpu.memory_space<vmem>> -> memref<128xi32, #tpu.memory_space<vmem>>
        %dma_wait3A_552 = arith.constant 0 : i32
        %dma_wait3A_553 = arith.constant 0 : i32
        %dma_wait3A_554 = tpu.memref_slice %arg24[%dma_wait3A_552, %dma_wait3A_553] : memref<10240x16xf32, #tpu.memory_space<vmem_shared>> -> memref<10240x16xf32, #tpu.memory_space<vmem_shared>>
        tpu.wait_indirect_dma semaphore(%arg29 : memref<!tpu.dma_semaphore, #tpu.memory_space<semaphore_mem>>) src(%arg17 : memref<128x16xf32, #tpu.memory_space<vmem>>) dst(%dma_wait3A_554 : memref<10240x16xf32, #tpu.memory_space<vmem_shared>>)
        %dma_wait3A_555 = arith.constant 0 : i32
        %dma_wait3A_556 = arith.constant 0 : i32
        %dma_wait3A_557 = tpu.memref_slice %arg23[%dma_wait3A_555, %dma_wait3A_556] : memref<8x128xi32, #tpu.memory_space<vmem>> -> memref<1x128xi32, #tpu.memory_space<vmem>>
        %dma_wait3A_558 = tpu.memref_squeeze %dma_wait3A_557 : memref<1x128xi32, #tpu.memory_space<vmem>> -> memref<128xi32, #tpu.memory_space<vmem>>
        %dma_wait3A_559 = arith.constant 0 : i32
        %dma_wait3A_560 = arith.constant 0 : i32
        %dma_wait3A_561 = tpu.memref_slice %arg24[%dma_wait3A_559, %dma_wait3A_560] : memref<10240x16xf32, #tpu.memory_space<vmem_shared>> -> memref<10240x16xf32, #tpu.memory_space<vmem_shared>>
        tpu.wait_indirect_dma semaphore(%arg29 : memref<!tpu.dma_semaphore, #tpu.memory_space<semaphore_mem>>) src(%arg18 : memref<128x16xf32, #tpu.memory_space<vmem>>) dst(%dma_wait3A_561 : memref<10240x16xf32, #tpu.memory_space<vmem_shared>>)
        %dma_wait3A_562 = arith.constant 0 : i32
        %dma_wait3A_563 = arith.constant 0 : i32
        %dma_wait3A_564 = tpu.memref_slice %arg23[%dma_wait3A_562, %dma_wait3A_563] : memref<8x128xi32, #tpu.memory_space<vmem>> -> memref<1x128xi32, #tpu.memory_space<vmem>>
        %dma_wait3A_565 = tpu.memref_squeeze %dma_wait3A_564 : memref<1x128xi32, #tpu.memory_space<vmem>> -> memref<128xi32, #tpu.memory_space<vmem>>
        %dma_wait3A_566 = arith.constant 0 : i32
        %dma_wait3A_567 = arith.constant 0 : i32
        %dma_wait3A_568 = tpu.memref_slice %arg24[%dma_wait3A_566, %dma_wait3A_567] : memref<10240x16xf32, #tpu.memory_space<vmem_shared>> -> memref<10240x16xf32, #tpu.memory_space<vmem_shared>>
        tpu.wait_indirect_dma semaphore(%arg29 : memref<!tpu.dma_semaphore, #tpu.memory_space<semaphore_mem>>) src(%arg19 : memref<128x16xf32, #tpu.memory_space<vmem>>) dst(%dma_wait3A_568 : memref<10240x16xf32, #tpu.memory_space<vmem_shared>>)
        %dma_wait3A_569 = arith.constant 0 : i32
        %dma_wait3A_570 = arith.constant 0 : i32
        %dma_wait3A_571 = tpu.memref_slice %arg23[%dma_wait3A_569, %dma_wait3A_570] : memref<8x128xi32, #tpu.memory_space<vmem>> -> memref<1x128xi32, #tpu.memory_space<vmem>>
        %dma_wait3A_572 = tpu.memref_squeeze %dma_wait3A_571 : memref<1x128xi32, #tpu.memory_space<vmem>> -> memref<128xi32, #tpu.memory_space<vmem>>
        %dma_wait3A_573 = arith.constant 0 : i32
        %dma_wait3A_574 = arith.constant 0 : i32
        %dma_wait3A_575 = tpu.memref_slice %arg24[%dma_wait3A_573, %dma_wait3A_574] : memref<10240x16xf32, #tpu.memory_space<vmem_shared>> -> memref<10240x16xf32, #tpu.memory_space<vmem_shared>>
        tpu.wait_indirect_dma semaphore(%arg29 : memref<!tpu.dma_semaphore, #tpu.memory_space<semaphore_mem>>) src(%arg20 : memref<128x16xf32, #tpu.memory_space<vmem>>) dst(%dma_wait3A_575 : memref<10240x16xf32, #tpu.memory_space<vmem_shared>>)
        %dma_wait3A_576 = arith.constant 0 : i32
        %dma_wait3A_577 = arith.constant 0 : i32
        %dma_wait3A_578 = tpu.memref_slice %arg23[%dma_wait3A_576, %dma_wait3A_577] : memref<8x128xi32, #tpu.memory_space<vmem>> -> memref<1x128xi32, #tpu.memory_space<vmem>>
        %dma_wait3A_579 = tpu.memref_squeeze %dma_wait3A_578 : memref<1x128xi32, #tpu.memory_space<vmem>> -> memref<128xi32, #tpu.memory_space<vmem>>
        %dma_wait3A_580 = arith.constant 0 : i32
        %dma_wait3A_581 = arith.constant 0 : i32
        %dma_wait3A_582 = tpu.memref_slice %arg24[%dma_wait3A_580, %dma_wait3A_581] : memref<10240x16xf32, #tpu.memory_space<vmem_shared>> -> memref<10240x16xf32, #tpu.memory_space<vmem_shared>>
        tpu.wait_indirect_dma semaphore(%arg29 : memref<!tpu.dma_semaphore, #tpu.memory_space<semaphore_mem>>) src(%arg21 : memref<128x16xf32, #tpu.memory_space<vmem>>) dst(%dma_wait3A_582 : memref<10240x16xf32, #tpu.memory_space<vmem_shared>>)
      } else {
      }
      %add3A_271 = arith.constant 8 : i32
      %add3A_272 = arith.addi %add3A_147, %add3A_271 : i32
      %add3A_273 = arith.constant 0 : i32
      %add3A_274 = arith.addi %add3A_272, %add3A_273 : i32
      %dma_start3A_275 = arith.constant 0 : i32
      %dma_start3A_276 = tpu.memref_slice %arg5[%add3A_274, %dma_start3A_275] : memref<80x128xi32, #tpu.memory_space<vmem>> -> memref<1x128xi32, #tpu.memory_space<vmem>>
      %dma_start3A_277 = tpu.memref_squeeze %dma_start3A_276 : memref<1x128xi32, #tpu.memory_space<vmem>> -> memref<128xi32, #tpu.memory_space<vmem>>
      %dma_start3A_278 = arith.constant 0 : i32
      %dma_start3A_279 = arith.constant 0 : i32
      %dma_start3A_280 = tpu.memref_slice %arg25[%dma_start3A_278, %dma_start3A_279] : memref<10016x16xf32, #tpu.memory_space<vmem_shared>> -> memref<10016x16xf32, #tpu.memory_space<vmem_shared>>
      tpu.enqueue_indirect_dma source(%dma_start3A_280 : memref<10016x16xf32, #tpu.memory_space<vmem_shared>>) target(%arg14 : memref<128x16xf32, #tpu.memory_space<vmem>>) offsets(%dma_start3A_277 : memref<128xi32, #tpu.memory_space<vmem>>) semaphore(%arg27 : memref<!tpu.dma_semaphore, #tpu.memory_space<semaphore_mem>>)
      %add3A_281 = arith.constant 1 : i32
      %add3A_282 = arith.addi %add3A_272, %add3A_281 : i32
      %dma_start3A_283 = arith.constant 0 : i32
      %dma_start3A_284 = tpu.memref_slice %arg5[%add3A_282, %dma_start3A_283] : memref<80x128xi32, #tpu.memory_space<vmem>> -> memref<1x128xi32, #tpu.memory_space<vmem>>
      %dma_start3A_285 = tpu.memref_squeeze %dma_start3A_284 : memref<1x128xi32, #tpu.memory_space<vmem>> -> memref<128xi32, #tpu.memory_space<vmem>>
      %dma_start3A_286 = arith.constant 0 : i32
      %dma_start3A_287 = arith.constant 0 : i32
      %dma_start3A_288 = tpu.memref_slice %arg25[%dma_start3A_286, %dma_start3A_287] : memref<10016x16xf32, #tpu.memory_space<vmem_shared>> -> memref<10016x16xf32, #tpu.memory_space<vmem_shared>>
      tpu.enqueue_indirect_dma source(%dma_start3A_288 : memref<10016x16xf32, #tpu.memory_space<vmem_shared>>) target(%arg15 : memref<128x16xf32, #tpu.memory_space<vmem>>) offsets(%dma_start3A_285 : memref<128xi32, #tpu.memory_space<vmem>>) semaphore(%arg27 : memref<!tpu.dma_semaphore, #tpu.memory_space<semaphore_mem>>)
      %add3A_289 = arith.constant 2 : i32
      %add3A_290 = arith.addi %add3A_272, %add3A_289 : i32
      %dma_start3A_291 = arith.constant 0 : i32
      %dma_start3A_292 = tpu.memref_slice %arg5[%add3A_290, %dma_start3A_291] : memref<80x128xi32, #tpu.memory_space<vmem>> -> memref<1x128xi32, #tpu.memory_space<vmem>>
      %dma_start3A_293 = tpu.memref_squeeze %dma_start3A_292 : memref<1x128xi32, #tpu.memory_space<vmem>> -> memref<128xi32, #tpu.memory_space<vmem>>
      %dma_start3A_294 = arith.constant 0 : i32
      %dma_start3A_295 = arith.constant 0 : i32
      %dma_start3A_296 = tpu.memref_slice %arg25[%dma_start3A_294, %dma_start3A_295] : memref<10016x16xf32, #tpu.memory_space<vmem_shared>> -> memref<10016x16xf32, #tpu.memory_space<vmem_shared>>
      tpu.enqueue_indirect_dma source(%dma_start3A_296 : memref<10016x16xf32, #tpu.memory_space<vmem_shared>>) target(%arg16 : memref<128x16xf32, #tpu.memory_space<vmem>>) offsets(%dma_start3A_293 : memref<128xi32, #tpu.memory_space<vmem>>) semaphore(%arg27 : memref<!tpu.dma_semaphore, #tpu.memory_space<semaphore_mem>>)
      %add3A_297 = arith.constant 3 : i32
      %add3A_298 = arith.addi %add3A_272, %add3A_297 : i32
      %dma_start3A_299 = arith.constant 0 : i32
      %dma_start3A_300 = tpu.memref_slice %arg5[%add3A_298, %dma_start3A_299] : memref<80x128xi32, #tpu.memory_space<vmem>> -> memref<1x128xi32, #tpu.memory_space<vmem>>
      %dma_start3A_301 = tpu.memref_squeeze %dma_start3A_300 : memref<1x128xi32, #tpu.memory_space<vmem>> -> memref<128xi32, #tpu.memory_space<vmem>>
      %dma_start3A_302 = arith.constant 0 : i32
      %dma_start3A_303 = arith.constant 0 : i32
      %dma_start3A_304 = tpu.memref_slice %arg25[%dma_start3A_302, %dma_start3A_303] : memref<10016x16xf32, #tpu.memory_space<vmem_shared>> -> memref<10016x16xf32, #tpu.memory_space<vmem_shared>>
      tpu.enqueue_indirect_dma source(%dma_start3A_304 : memref<10016x16xf32, #tpu.memory_space<vmem_shared>>) target(%arg17 : memref<128x16xf32, #tpu.memory_space<vmem>>) offsets(%dma_start3A_301 : memref<128xi32, #tpu.memory_space<vmem>>) semaphore(%arg27 : memref<!tpu.dma_semaphore, #tpu.memory_space<semaphore_mem>>)
      %add3A_305 = arith.constant 4 : i32
      %add3A_306 = arith.addi %add3A_272, %add3A_305 : i32
      %dma_start3A_307 = arith.constant 0 : i32
      %dma_start3A_308 = tpu.memref_slice %arg5[%add3A_306, %dma_start3A_307] : memref<80x128xi32, #tpu.memory_space<vmem>> -> memref<1x128xi32, #tpu.memory_space<vmem>>
      %dma_start3A_309 = tpu.memref_squeeze %dma_start3A_308 : memref<1x128xi32, #tpu.memory_space<vmem>> -> memref<128xi32, #tpu.memory_space<vmem>>
      %dma_start3A_310 = arith.constant 0 : i32
      %dma_start3A_311 = arith.constant 0 : i32
      %dma_start3A_312 = tpu.memref_slice %arg25[%dma_start3A_310, %dma_start3A_311] : memref<10016x16xf32, #tpu.memory_space<vmem_shared>> -> memref<10016x16xf32, #tpu.memory_space<vmem_shared>>
      tpu.enqueue_indirect_dma source(%dma_start3A_312 : memref<10016x16xf32, #tpu.memory_space<vmem_shared>>) target(%arg18 : memref<128x16xf32, #tpu.memory_space<vmem>>) offsets(%dma_start3A_309 : memref<128xi32, #tpu.memory_space<vmem>>) semaphore(%arg27 : memref<!tpu.dma_semaphore, #tpu.memory_space<semaphore_mem>>)
      %add3A_313 = arith.constant 5 : i32
      %add3A_314 = arith.addi %add3A_272, %add3A_313 : i32
      %dma_start3A_315 = arith.constant 0 : i32
      %dma_start3A_316 = tpu.memref_slice %arg5[%add3A_314, %dma_start3A_315] : memref<80x128xi32, #tpu.memory_space<vmem>> -> memref<1x128xi32, #tpu.memory_space<vmem>>
      %dma_start3A_317 = tpu.memref_squeeze %dma_start3A_316 : memref<1x128xi32, #tpu.memory_space<vmem>> -> memref<128xi32, #tpu.memory_space<vmem>>
      %dma_start3A_318 = arith.constant 0 : i32
      %dma_start3A_319 = arith.constant 0 : i32
      %dma_start3A_320 = tpu.memref_slice %arg25[%dma_start3A_318, %dma_start3A_319] : memref<10016x16xf32, #tpu.memory_space<vmem_shared>> -> memref<10016x16xf32, #tpu.memory_space<vmem_shared>>
      tpu.enqueue_indirect_dma source(%dma_start3A_320 : memref<10016x16xf32, #tpu.memory_space<vmem_shared>>) target(%arg19 : memref<128x16xf32, #tpu.memory_space<vmem>>) offsets(%dma_start3A_317 : memref<128xi32, #tpu.memory_space<vmem>>) semaphore(%arg27 : memref<!tpu.dma_semaphore, #tpu.memory_space<semaphore_mem>>)
      %add3A_321 = arith.constant 6 : i32
      %add3A_322 = arith.addi %add3A_272, %add3A_321 : i32
      %dma_start3A_323 = arith.constant 0 : i32
      %dma_start3A_324 = tpu.memref_slice %arg5[%add3A_322, %dma_start3A_323] : memref<80x128xi32, #tpu.memory_space<vmem>> -> memref<1x128xi32, #tpu.memory_space<vmem>>
      %dma_start3A_325 = tpu.memref_squeeze %dma_start3A_324 : memref<1x128xi32, #tpu.memory_space<vmem>> -> memref<128xi32, #tpu.memory_space<vmem>>
      %dma_start3A_326 = arith.constant 0 : i32
      %dma_start3A_327 = arith.constant 0 : i32
      %dma_start3A_328 = tpu.memref_slice %arg25[%dma_start3A_326, %dma_start3A_327] : memref<10016x16xf32, #tpu.memory_space<vmem_shared>> -> memref<10016x16xf32, #tpu.memory_space<vmem_shared>>
      tpu.enqueue_indirect_dma source(%dma_start3A_328 : memref<10016x16xf32, #tpu.memory_space<vmem_shared>>) target(%arg20 : memref<128x16xf32, #tpu.memory_space<vmem>>) offsets(%dma_start3A_325 : memref<128xi32, #tpu.memory_space<vmem>>) semaphore(%arg27 : memref<!tpu.dma_semaphore, #tpu.memory_space<semaphore_mem>>)
      %add3A_329 = arith.constant 7 : i32
      %add3A_330 = arith.addi %add3A_272, %add3A_329 : i32
      %dma_start3A_331 = arith.constant 0 : i32
      %dma_start3A_332 = tpu.memref_slice %arg5[%add3A_330, %dma_start3A_331] : memref<80x128xi32, #tpu.memory_space<vmem>> -> memref<1x128xi32, #tpu.memory_space<vmem>>
      %dma_start3A_333 = tpu.memref_squeeze %dma_start3A_332 : memref<1x128xi32, #tpu.memory_space<vmem>> -> memref<128xi32, #tpu.memory_space<vmem>>
      %dma_start3A_334 = arith.constant 0 : i32
      %dma_start3A_335 = arith.constant 0 : i32
      %dma_start3A_336 = tpu.memref_slice %arg25[%dma_start3A_334, %dma_start3A_335] : memref<10016x16xf32, #tpu.memory_space<vmem_shared>> -> memref<10016x16xf32, #tpu.memory_space<vmem_shared>>
      tpu.enqueue_indirect_dma source(%dma_start3A_336 : memref<10016x16xf32, #tpu.memory_space<vmem_shared>>) target(%arg21 : memref<128x16xf32, #tpu.memory_space<vmem>>) offsets(%dma_start3A_333 : memref<128xi32, #tpu.memory_space<vmem>>) semaphore(%arg27 : memref<!tpu.dma_semaphore, #tpu.memory_space<semaphore_mem>>)
      %dma_start3A_337 = arith.constant 1 : i32
      %dma_start3A_338 = arith.constant 0 : i32
      %dma_start3A_339 = tpu.memref_slice %arg3[%dma_start3A_337, %add3A, %add3A_272, %dma_start3A_338] : memref<2x32x80x128xi32, #tpu.memory_space<hbm>> -> memref<1x1x8x128xi32, #tpu.memory_space<hbm>>
      %dma_start3A_340 = tpu.memref_squeeze %dma_start3A_339 : memref<1x1x8x128xi32, #tpu.memory_space<hbm>> -> memref<8x128xi32, #tpu.memory_space<hbm>>
      %dma_start3A_341 = arith.constant 0 : i32
      %dma_start3A_342 = tpu.memref_slice %arg3[%dma_start3A_337, %add3A, %add3A_272, %dma_start3A_341] : memref<2x32x80x128xi32, #tpu.memory_space<hbm>> -> memref<1x1x8x128xi32, #tpu.memory_space<hbm>>
      %dma_start3A_343 = tpu.memref_squeeze %dma_start3A_342 : memref<1x1x8x128xi32, #tpu.memory_space<hbm>> -> memref<8x128xi32, #tpu.memory_space<hbm>>
      tpu.enqueue_dma source(%dma_start3A_343 : memref<8x128xi32, #tpu.memory_space<hbm>>) target(%arg23 : memref<8x128xi32, #tpu.memory_space<vmem>>) target_semaphore(%arg31 : memref<!tpu.dma_semaphore, #tpu.memory_space<semaphore_mem>>)
      %dma_wait3A_344 = arith.constant 0 : i32
      %dma_wait3A_345 = arith.constant 0 : i32
      %dma_wait3A_346 = tpu.memref_slice %arg5[%dma_wait3A_344, %dma_wait3A_345] : memref<80x128xi32, #tpu.memory_space<vmem>> -> memref<1x128xi32, #tpu.memory_space<vmem>>
      %dma_wait3A_347 = tpu.memref_squeeze %dma_wait3A_346 : memref<1x128xi32, #tpu.memory_space<vmem>> -> memref<128xi32, #tpu.memory_space<vmem>>
      %dma_wait3A_348 = arith.constant 0 : i32
      %dma_wait3A_349 = arith.constant 0 : i32
      %dma_wait3A_350 = tpu.memref_slice %arg25[%dma_wait3A_348, %dma_wait3A_349] : memref<10016x16xf32, #tpu.memory_space<vmem_shared>> -> memref<10016x16xf32, #tpu.memory_space<vmem_shared>>
      tpu.wait_indirect_dma semaphore(%arg27 : memref<!tpu.dma_semaphore, #tpu.memory_space<semaphore_mem>>) src(%dma_wait3A_350 : memref<10016x16xf32, #tpu.memory_space<vmem_shared>>) dst(%arg14 : memref<128x16xf32, #tpu.memory_space<vmem>>)
      %dma_wait3A_351 = arith.constant 0 : i32
      %dma_wait3A_352 = arith.constant 0 : i32
      %dma_wait3A_353 = tpu.memref_slice %arg5[%dma_wait3A_351, %dma_wait3A_352] : memref<80x128xi32, #tpu.memory_space<vmem>> -> memref<1x128xi32, #tpu.memory_space<vmem>>
      %dma_wait3A_354 = tpu.memref_squeeze %dma_wait3A_353 : memref<1x128xi32, #tpu.memory_space<vmem>> -> memref<128xi32, #tpu.memory_space<vmem>>
      %dma_wait3A_355 = arith.constant 0 : i32
      %dma_wait3A_356 = arith.constant 0 : i32
      %dma_wait3A_357 = tpu.memref_slice %arg25[%dma_wait3A_355, %dma_wait3A_356] : memref<10016x16xf32, #tpu.memory_space<vmem_shared>> -> memref<10016x16xf32, #tpu.memory_space<vmem_shared>>
      tpu.wait_indirect_dma semaphore(%arg27 : memref<!tpu.dma_semaphore, #tpu.memory_space<semaphore_mem>>) src(%dma_wait3A_357 : memref<10016x16xf32, #tpu.memory_space<vmem_shared>>) dst(%arg15 : memref<128x16xf32, #tpu.memory_space<vmem>>)
      %dma_wait3A_358 = arith.constant 0 : i32
      %dma_wait3A_359 = arith.constant 0 : i32
      %dma_wait3A_360 = tpu.memref_slice %arg5[%dma_wait3A_358, %dma_wait3A_359] : memref<80x128xi32, #tpu.memory_space<vmem>> -> memref<1x128xi32, #tpu.memory_space<vmem>>
      %dma_wait3A_361 = tpu.memref_squeeze %dma_wait3A_360 : memref<1x128xi32, #tpu.memory_space<vmem>> -> memref<128xi32, #tpu.memory_space<vmem>>
      %dma_wait3A_362 = arith.constant 0 : i32
      %dma_wait3A_363 = arith.constant 0 : i32
      %dma_wait3A_364 = tpu.memref_slice %arg25[%dma_wait3A_362, %dma_wait3A_363] : memref<10016x16xf32, #tpu.memory_space<vmem_shared>> -> memref<10016x16xf32, #tpu.memory_space<vmem_shared>>
      tpu.wait_indirect_dma semaphore(%arg27 : memref<!tpu.dma_semaphore, #tpu.memory_space<semaphore_mem>>) src(%dma_wait3A_364 : memref<10016x16xf32, #tpu.memory_space<vmem_shared>>) dst(%arg16 : memref<128x16xf32, #tpu.memory_space<vmem>>)
      %dma_wait3A_365 = arith.constant 0 : i32
      %dma_wait3A_366 = arith.constant 0 : i32
      %dma_wait3A_367 = tpu.memref_slice %arg5[%dma_wait3A_365, %dma_wait3A_366] : memref<80x128xi32, #tpu.memory_space<vmem>> -> memref<1x128xi32, #tpu.memory_space<vmem>>
      %dma_wait3A_368 = tpu.memref_squeeze %dma_wait3A_367 : memref<1x128xi32, #tpu.memory_space<vmem>> -> memref<128xi32, #tpu.memory_space<vmem>>
      %dma_wait3A_369 = arith.constant 0 : i32
      %dma_wait3A_370 = arith.constant 0 : i32
      %dma_wait3A_371 = tpu.memref_slice %arg25[%dma_wait3A_369, %dma_wait3A_370] : memref<10016x16xf32, #tpu.memory_space<vmem_shared>> -> memref<10016x16xf32, #tpu.memory_space<vmem_shared>>
      tpu.wait_indirect_dma semaphore(%arg27 : memref<!tpu.dma_semaphore, #tpu.memory_space<semaphore_mem>>) src(%dma_wait3A_371 : memref<10016x16xf32, #tpu.memory_space<vmem_shared>>) dst(%arg17 : memref<128x16xf32, #tpu.memory_space<vmem>>)
      %dma_wait3A_372 = arith.constant 0 : i32
      %dma_wait3A_373 = arith.constant 0 : i32
      %dma_wait3A_374 = tpu.memref_slice %arg5[%dma_wait3A_372, %dma_wait3A_373] : memref<80x128xi32, #tpu.memory_space<vmem>> -> memref<1x128xi32, #tpu.memory_space<vmem>>
      %dma_wait3A_375 = tpu.memref_squeeze %dma_wait3A_374 : memref<1x128xi32, #tpu.memory_space<vmem>> -> memref<128xi32, #tpu.memory_space<vmem>>
      %dma_wait3A_376 = arith.constant 0 : i32
      %dma_wait3A_377 = arith.constant 0 : i32
      %dma_wait3A_378 = tpu.memref_slice %arg25[%dma_wait3A_376, %dma_wait3A_377] : memref<10016x16xf32, #tpu.memory_space<vmem_shared>> -> memref<10016x16xf32, #tpu.memory_space<vmem_shared>>
      tpu.wait_indirect_dma semaphore(%arg27 : memref<!tpu.dma_semaphore, #tpu.memory_space<semaphore_mem>>) src(%dma_wait3A_378 : memref<10016x16xf32, #tpu.memory_space<vmem_shared>>) dst(%arg18 : memref<128x16xf32, #tpu.memory_space<vmem>>)
      %dma_wait3A_379 = arith.constant 0 : i32
      %dma_wait3A_380 = arith.constant 0 : i32
      %dma_wait3A_381 = tpu.memref_slice %arg5[%dma_wait3A_379, %dma_wait3A_380] : memref<80x128xi32, #tpu.memory_space<vmem>> -> memref<1x128xi32, #tpu.memory_space<vmem>>
      %dma_wait3A_382 = tpu.memref_squeeze %dma_wait3A_381 : memref<1x128xi32, #tpu.memory_space<vmem>> -> memref<128xi32, #tpu.memory_space<vmem>>
      %dma_wait3A_383 = arith.constant 0 : i32
      %dma_wait3A_384 = arith.constant 0 : i32
      %dma_wait3A_385 = tpu.memref_slice %arg25[%dma_wait3A_383, %dma_wait3A_384] : memref<10016x16xf32, #tpu.memory_space<vmem_shared>> -> memref<10016x16xf32, #tpu.memory_space<vmem_shared>>
      tpu.wait_indirect_dma semaphore(%arg27 : memref<!tpu.dma_semaphore, #tpu.memory_space<semaphore_mem>>) src(%dma_wait3A_385 : memref<10016x16xf32, #tpu.memory_space<vmem_shared>>) dst(%arg19 : memref<128x16xf32, #tpu.memory_space<vmem>>)
      %dma_wait3A_386 = arith.constant 0 : i32
      %dma_wait3A_387 = arith.constant 0 : i32
      %dma_wait3A_388 = tpu.memref_slice %arg5[%dma_wait3A_386, %dma_wait3A_387] : memref<80x128xi32, #tpu.memory_space<vmem>> -> memref<1x128xi32, #tpu.memory_space<vmem>>
      %dma_wait3A_389 = tpu.memref_squeeze %dma_wait3A_388 : memref<1x128xi32, #tpu.memory_space<vmem>> -> memref<128xi32, #tpu.memory_space<vmem>>
      %dma_wait3A_390 = arith.constant 0 : i32
      %dma_wait3A_391 = arith.constant 0 : i32
      %dma_wait3A_392 = tpu.memref_slice %arg25[%dma_wait3A_390, %dma_wait3A_391] : memref<10016x16xf32, #tpu.memory_space<vmem_shared>> -> memref<10016x16xf32, #tpu.memory_space<vmem_shared>>
      tpu.wait_indirect_dma semaphore(%arg27 : memref<!tpu.dma_semaphore, #tpu.memory_space<semaphore_mem>>) src(%dma_wait3A_392 : memref<10016x16xf32, #tpu.memory_space<vmem_shared>>) dst(%arg20 : memref<128x16xf32, #tpu.memory_space<vmem>>)
      %dma_wait3A_393 = arith.constant 0 : i32
      %dma_wait3A_394 = arith.constant 0 : i32
      %dma_wait3A_395 = tpu.memref_slice %arg5[%dma_wait3A_393, %dma_wait3A_394] : memref<80x128xi32, #tpu.memory_space<vmem>> -> memref<1x128xi32, #tpu.memory_space<vmem>>
      %dma_wait3A_396 = tpu.memref_squeeze %dma_wait3A_395 : memref<1x128xi32, #tpu.memory_space<vmem>> -> memref<128xi32, #tpu.memory_space<vmem>>
      %dma_wait3A_397 = arith.constant 0 : i32
      %dma_wait3A_398 = arith.constant 0 : i32
      %dma_wait3A_399 = tpu.memref_slice %arg25[%dma_wait3A_397, %dma_wait3A_398] : memref<10016x16xf32, #tpu.memory_space<vmem_shared>> -> memref<10016x16xf32, #tpu.memory_space<vmem_shared>>
      tpu.wait_indirect_dma semaphore(%arg27 : memref<!tpu.dma_semaphore, #tpu.memory_space<semaphore_mem>>) src(%dma_wait3A_399 : memref<10016x16xf32, #tpu.memory_space<vmem_shared>>) dst(%arg21 : memref<128x16xf32, #tpu.memory_space<vmem>>)
      %dma_wait3A_400 = arith.constant 1 : i32
      %dma_wait3A_401 = arith.constant 0 : i32
      %dma_wait3A_402 = arith.constant 0 : i32
      %dma_wait3A_403 = tpu.memref_slice %arg3[%dma_wait3A_400, %add3A, %dma_wait3A_401, %dma_wait3A_402] : memref<2x32x80x128xi32, #tpu.memory_space<hbm>> -> memref<1x1x8x128xi32, #tpu.memory_space<hbm>>
      %dma_wait3A_404 = tpu.memref_squeeze %dma_wait3A_403 : memref<1x1x8x128xi32, #tpu.memory_space<hbm>> -> memref<8x128xi32, #tpu.memory_space<hbm>>
      %dma_wait3A_405 = arith.constant 0 : i32
      %dma_wait3A_406 = arith.constant 0 : i32
      %dma_wait3A_407 = tpu.memref_slice %arg3[%dma_wait3A_400, %add3A, %dma_wait3A_405, %dma_wait3A_406] : memref<2x32x80x128xi32, #tpu.memory_space<hbm>> -> memref<1x1x8x128xi32, #tpu.memory_space<hbm>>
      %dma_wait3A_408 = tpu.memref_squeeze %dma_wait3A_407 : memref<1x1x8x128xi32, #tpu.memory_space<hbm>> -> memref<8x128xi32, #tpu.memory_space<hbm>>
      tpu.wait_dma2 semaphore(%arg31 : memref<!tpu.dma_semaphore, #tpu.memory_space<semaphore_mem>>) src(%dma_wait3A_408 : memref<8x128xi32, #tpu.memory_space<hbm>>) dst(%arg23 : memref<8x128xi32, #tpu.memory_space<vmem>>)
      %dma_start3A_409 = arith.constant 0 : i32
      %dma_start3A_410 = arith.constant 0 : i32
      %dma_start3A_411 = tpu.memref_slice %arg23[%dma_start3A_409, %dma_start3A_410] : memref<8x128xi32, #tpu.memory_space<vmem>> -> memref<1x128xi32, #tpu.memory_space<vmem>>
      %dma_start3A_412 = tpu.memref_squeeze %dma_start3A_411 : memref<1x128xi32, #tpu.memory_space<vmem>> -> memref<128xi32, #tpu.memory_space<vmem>>
      %dma_start3A_413 = arith.constant 0 : i32
      %dma_start3A_414 = arith.constant 0 : i32
      %dma_start3A_415 = tpu.memref_slice %arg24[%dma_start3A_413, %dma_start3A_414] : memref<10240x16xf32, #tpu.memory_space<vmem_shared>> -> memref<10240x16xf32, #tpu.memory_space<vmem_shared>>
      tpu.enqueue_indirect_dma source(%arg14 : memref<128x16xf32, #tpu.memory_space<vmem>>) target(%dma_start3A_415 : memref<10240x16xf32, #tpu.memory_space<vmem_shared>>) offsets(%dma_start3A_412 : memref<128xi32, #tpu.memory_space<vmem>>) semaphore(%arg29 : memref<!tpu.dma_semaphore, #tpu.memory_space<semaphore_mem>>) {add = true}
      %dma_start3A_416 = arith.constant 1 : i32
      %dma_start3A_417 = arith.constant 0 : i32
      %dma_start3A_418 = tpu.memref_slice %arg23[%dma_start3A_416, %dma_start3A_417] : memref<8x128xi32, #tpu.memory_space<vmem>> -> memref<1x128xi32, #tpu.memory_space<vmem>>
      %dma_start3A_419 = tpu.memref_squeeze %dma_start3A_418 : memref<1x128xi32, #tpu.memory_space<vmem>> -> memref<128xi32, #tpu.memory_space<vmem>>
      %dma_start3A_420 = arith.constant 0 : i32
      %dma_start3A_421 = arith.constant 0 : i32
      %dma_start3A_422 = tpu.memref_slice %arg24[%dma_start3A_420, %dma_start3A_421] : memref<10240x16xf32, #tpu.memory_space<vmem_shared>> -> memref<10240x16xf32, #tpu.memory_space<vmem_shared>>
      tpu.enqueue_indirect_dma source(%arg15 : memref<128x16xf32, #tpu.memory_space<vmem>>) target(%dma_start3A_422 : memref<10240x16xf32, #tpu.memory_space<vmem_shared>>) offsets(%dma_start3A_419 : memref<128xi32, #tpu.memory_space<vmem>>) semaphore(%arg29 : memref<!tpu.dma_semaphore, #tpu.memory_space<semaphore_mem>>) {add = true}
      %dma_start3A_423 = arith.constant 2 : i32
      %dma_start3A_424 = arith.constant 0 : i32
      %dma_start3A_425 = tpu.memref_slice %arg23[%dma_start3A_423, %dma_start3A_424] : memref<8x128xi32, #tpu.memory_space<vmem>> -> memref<1x128xi32, #tpu.memory_space<vmem>>
      %dma_start3A_426 = tpu.memref_squeeze %dma_start3A_425 : memref<1x128xi32, #tpu.memory_space<vmem>> -> memref<128xi32, #tpu.memory_space<vmem>>
      %dma_start3A_427 = arith.constant 0 : i32
      %dma_start3A_428 = arith.constant 0 : i32
      %dma_start3A_429 = tpu.memref_slice %arg24[%dma_start3A_427, %dma_start3A_428] : memref<10240x16xf32, #tpu.memory_space<vmem_shared>> -> memref<10240x16xf32, #tpu.memory_space<vmem_shared>>
      tpu.enqueue_indirect_dma source(%arg16 : memref<128x16xf32, #tpu.memory_space<vmem>>) target(%dma_start3A_429 : memref<10240x16xf32, #tpu.memory_space<vmem_shared>>) offsets(%dma_start3A_426 : memref<128xi32, #tpu.memory_space<vmem>>) semaphore(%arg29 : memref<!tpu.dma_semaphore, #tpu.memory_space<semaphore_mem>>) {add = true}
      %dma_start3A_430 = arith.constant 3 : i32
      %dma_start3A_431 = arith.constant 0 : i32
      %dma_start3A_432 = tpu.memref_slice %arg23[%dma_start3A_430, %dma_start3A_431] : memref<8x128xi32, #tpu.memory_space<vmem>> -> memref<1x128xi32, #tpu.memory_space<vmem>>
      %dma_start3A_433 = tpu.memref_squeeze %dma_start3A_432 : memref<1x128xi32, #tpu.memory_space<vmem>> -> memref<128xi32, #tpu.memory_space<vmem>>
      %dma_start3A_434 = arith.constant 0 : i32
      %dma_start3A_435 = arith.constant 0 : i32
      %dma_start3A_436 = tpu.memref_slice %arg24[%dma_start3A_434, %dma_start3A_435] : memref<10240x16xf32, #tpu.memory_space<vmem_shared>> -> memref<10240x16xf32, #tpu.memory_space<vmem_shared>>
      tpu.enqueue_indirect_dma source(%arg17 : memref<128x16xf32, #tpu.memory_space<vmem>>) target(%dma_start3A_436 : memref<10240x16xf32, #tpu.memory_space<vmem_shared>>) offsets(%dma_start3A_433 : memref<128xi32, #tpu.memory_space<vmem>>) semaphore(%arg29 : memref<!tpu.dma_semaphore, #tpu.memory_space<semaphore_mem>>) {add = true}
      %dma_start3A_437 = arith.constant 4 : i32
      %dma_start3A_438 = arith.constant 0 : i32
      %dma_start3A_439 = tpu.memref_slice %arg23[%dma_start3A_437, %dma_start3A_438] : memref<8x128xi32, #tpu.memory_space<vmem>> -> memref<1x128xi32, #tpu.memory_space<vmem>>
      %dma_start3A_440 = tpu.memref_squeeze %dma_start3A_439 : memref<1x128xi32, #tpu.memory_space<vmem>> -> memref<128xi32, #tpu.memory_space<vmem>>
      %dma_start3A_441 = arith.constant 0 : i32
      %dma_start3A_442 = arith.constant 0 : i32
      %dma_start3A_443 = tpu.memref_slice %arg24[%dma_start3A_441, %dma_start3A_442] : memref<10240x16xf32, #tpu.memory_space<vmem_shared>> -> memref<10240x16xf32, #tpu.memory_space<vmem_shared>>
      tpu.enqueue_indirect_dma source(%arg18 : memref<128x16xf32, #tpu.memory_space<vmem>>) target(%dma_start3A_443 : memref<10240x16xf32, #tpu.memory_space<vmem_shared>>) offsets(%dma_start3A_440 : memref<128xi32, #tpu.memory_space<vmem>>) semaphore(%arg29 : memref<!tpu.dma_semaphore, #tpu.memory_space<semaphore_mem>>) {add = true}
      %dma_start3A_444 = arith.constant 5 : i32
      %dma_start3A_445 = arith.constant 0 : i32
      %dma_start3A_446 = tpu.memref_slice %arg23[%dma_start3A_444, %dma_start3A_445] : memref<8x128xi32, #tpu.memory_space<vmem>> -> memref<1x128xi32, #tpu.memory_space<vmem>>
      %dma_start3A_447 = tpu.memref_squeeze %dma_start3A_446 : memref<1x128xi32, #tpu.memory_space<vmem>> -> memref<128xi32, #tpu.memory_space<vmem>>
      %dma_start3A_448 = arith.constant 0 : i32
      %dma_start3A_449 = arith.constant 0 : i32
      %dma_start3A_450 = tpu.memref_slice %arg24[%dma_start3A_448, %dma_start3A_449] : memref<10240x16xf32, #tpu.memory_space<vmem_shared>> -> memref<10240x16xf32, #tpu.memory_space<vmem_shared>>
      tpu.enqueue_indirect_dma source(%arg19 : memref<128x16xf32, #tpu.memory_space<vmem>>) target(%dma_start3A_450 : memref<10240x16xf32, #tpu.memory_space<vmem_shared>>) offsets(%dma_start3A_447 : memref<128xi32, #tpu.memory_space<vmem>>) semaphore(%arg29 : memref<!tpu.dma_semaphore, #tpu.memory_space<semaphore_mem>>) {add = true}
      %dma_start3A_451 = arith.constant 6 : i32
      %dma_start3A_452 = arith.constant 0 : i32
      %dma_start3A_453 = tpu.memref_slice %arg23[%dma_start3A_451, %dma_start3A_452] : memref<8x128xi32, #tpu.memory_space<vmem>> -> memref<1x128xi32, #tpu.memory_space<vmem>>
      %dma_start3A_454 = tpu.memref_squeeze %dma_start3A_453 : memref<1x128xi32, #tpu.memory_space<vmem>> -> memref<128xi32, #tpu.memory_space<vmem>>
      %dma_start3A_455 = arith.constant 0 : i32
      %dma_start3A_456 = arith.constant 0 : i32
      %dma_start3A_457 = tpu.memref_slice %arg24[%dma_start3A_455, %dma_start3A_456] : memref<10240x16xf32, #tpu.memory_space<vmem_shared>> -> memref<10240x16xf32, #tpu.memory_space<vmem_shared>>
      tpu.enqueue_indirect_dma source(%arg20 : memref<128x16xf32, #tpu.memory_space<vmem>>) target(%dma_start3A_457 : memref<10240x16xf32, #tpu.memory_space<vmem_shared>>) offsets(%dma_start3A_454 : memref<128xi32, #tpu.memory_space<vmem>>) semaphore(%arg29 : memref<!tpu.dma_semaphore, #tpu.memory_space<semaphore_mem>>) {add = true}
      %dma_start3A_458 = arith.constant 7 : i32
      %dma_start3A_459 = arith.constant 0 : i32
      %dma_start3A_460 = tpu.memref_slice %arg23[%dma_start3A_458, %dma_start3A_459] : memref<8x128xi32, #tpu.memory_space<vmem>> -> memref<1x128xi32, #tpu.memory_space<vmem>>
      %dma_start3A_461 = tpu.memref_squeeze %dma_start3A_460 : memref<1x128xi32, #tpu.memory_space<vmem>> -> memref<128xi32, #tpu.memory_space<vmem>>
      %dma_start3A_462 = arith.constant 0 : i32
      %dma_start3A_463 = arith.constant 0 : i32
      %dma_start3A_464 = tpu.memref_slice %arg24[%dma_start3A_462, %dma_start3A_463] : memref<10240x16xf32, #tpu.memory_space<vmem_shared>> -> memref<10240x16xf32, #tpu.memory_space<vmem_shared>>
      tpu.enqueue_indirect_dma source(%arg21 : memref<128x16xf32, #tpu.memory_space<vmem>>) target(%dma_start3A_464 : memref<10240x16xf32, #tpu.memory_space<vmem_shared>>) offsets(%dma_start3A_461 : memref<128xi32, #tpu.memory_space<vmem>>) semaphore(%arg29 : memref<!tpu.dma_semaphore, #tpu.memory_space<semaphore_mem>>) {add = true}
      %dma_wait3A_465 = arith.constant 0 : i32
      %dma_wait3A_466 = arith.constant 0 : i32
      %dma_wait3A_467 = tpu.memref_slice %arg22[%dma_wait3A_465, %dma_wait3A_466] : memref<8x128xi32, #tpu.memory_space<vmem>> -> memref<1x128xi32, #tpu.memory_space<vmem>>
      %dma_wait3A_468 = tpu.memref_squeeze %dma_wait3A_467 : memref<1x128xi32, #tpu.memory_space<vmem>> -> memref<128xi32, #tpu.memory_space<vmem>>
      %dma_wait3A_469 = arith.constant 0 : i32
      %dma_wait3A_470 = arith.constant 0 : i32
      %dma_wait3A_471 = tpu.memref_slice %arg24[%dma_wait3A_469, %dma_wait3A_470] : memref<10240x16xf32, #tpu.memory_space<vmem_shared>> -> memref<10240x16xf32, #tpu.memory_space<vmem_shared>>
      tpu.wait_indirect_dma semaphore(%arg28 : memref<!tpu.dma_semaphore, #tpu.memory_space<semaphore_mem>>) src(%arg6 : memref<128x16xf32, #tpu.memory_space<vmem>>) dst(%dma_wait3A_471 : memref<10240x16xf32, #tpu.memory_space<vmem_shared>>)
      %dma_wait3A_472 = arith.constant 0 : i32
      %dma_wait3A_473 = arith.constant 0 : i32
      %dma_wait3A_474 = tpu.memref_slice %arg22[%dma_wait3A_472, %dma_wait3A_473] : memref<8x128xi32, #tpu.memory_space<vmem>> -> memref<1x128xi32, #tpu.memory_space<vmem>>
      %dma_wait3A_475 = tpu.memref_squeeze %dma_wait3A_474 : memref<1x128xi32, #tpu.memory_space<vmem>> -> memref<128xi32, #tpu.memory_space<vmem>>
      %dma_wait3A_476 = arith.constant 0 : i32
      %dma_wait3A_477 = arith.constant 0 : i32
      %dma_wait3A_478 = tpu.memref_slice %arg24[%dma_wait3A_476, %dma_wait3A_477] : memref<10240x16xf32, #tpu.memory_space<vmem_shared>> -> memref<10240x16xf32, #tpu.memory_space<vmem_shared>>
      tpu.wait_indirect_dma semaphore(%arg28 : memref<!tpu.dma_semaphore, #tpu.memory_space<semaphore_mem>>) src(%arg7 : memref<128x16xf32, #tpu.memory_space<vmem>>) dst(%dma_wait3A_478 : memref<10240x16xf32, #tpu.memory_space<vmem_shared>>)
      %dma_wait3A_479 = arith.constant 0 : i32
      %dma_wait3A_480 = arith.constant 0 : i32
      %dma_wait3A_481 = tpu.memref_slice %arg22[%dma_wait3A_479, %dma_wait3A_480] : memref<8x128xi32, #tpu.memory_space<vmem>> -> memref<1x128xi32, #tpu.memory_space<vmem>>
      %dma_wait3A_482 = tpu.memref_squeeze %dma_wait3A_481 : memref<1x128xi32, #tpu.memory_space<vmem>> -> memref<128xi32, #tpu.memory_space<vmem>>
      %dma_wait3A_483 = arith.constant 0 : i32
      %dma_wait3A_484 = arith.constant 0 : i32
      %dma_wait3A_485 = tpu.memref_slice %arg24[%dma_wait3A_483, %dma_wait3A_484] : memref<10240x16xf32, #tpu.memory_space<vmem_shared>> -> memref<10240x16xf32, #tpu.memory_space<vmem_shared>>
      tpu.wait_indirect_dma semaphore(%arg28 : memref<!tpu.dma_semaphore, #tpu.memory_space<semaphore_mem>>) src(%arg8 : memref<128x16xf32, #tpu.memory_space<vmem>>) dst(%dma_wait3A_485 : memref<10240x16xf32, #tpu.memory_space<vmem_shared>>)
      %dma_wait3A_486 = arith.constant 0 : i32
      %dma_wait3A_487 = arith.constant 0 : i32
      %dma_wait3A_488 = tpu.memref_slice %arg22[%dma_wait3A_486, %dma_wait3A_487] : memref<8x128xi32, #tpu.memory_space<vmem>> -> memref<1x128xi32, #tpu.memory_space<vmem>>
      %dma_wait3A_489 = tpu.memref_squeeze %dma_wait3A_488 : memref<1x128xi32, #tpu.memory_space<vmem>> -> memref<128xi32, #tpu.memory_space<vmem>>
      %dma_wait3A_490 = arith.constant 0 : i32
      %dma_wait3A_491 = arith.constant 0 : i32
      %dma_wait3A_492 = tpu.memref_slice %arg24[%dma_wait3A_490, %dma_wait3A_491] : memref<10240x16xf32, #tpu.memory_space<vmem_shared>> -> memref<10240x16xf32, #tpu.memory_space<vmem_shared>>
      tpu.wait_indirect_dma semaphore(%arg28 : memref<!tpu.dma_semaphore, #tpu.memory_space<semaphore_mem>>) src(%arg9 : memref<128x16xf32, #tpu.memory_space<vmem>>) dst(%dma_wait3A_492 : memref<10240x16xf32, #tpu.memory_space<vmem_shared>>)
      %dma_wait3A_493 = arith.constant 0 : i32
      %dma_wait3A_494 = arith.constant 0 : i32
      %dma_wait3A_495 = tpu.memref_slice %arg22[%dma_wait3A_493, %dma_wait3A_494] : memref<8x128xi32, #tpu.memory_space<vmem>> -> memref<1x128xi32, #tpu.memory_space<vmem>>
      %dma_wait3A_496 = tpu.memref_squeeze %dma_wait3A_495 : memref<1x128xi32, #tpu.memory_space<vmem>> -> memref<128xi32, #tpu.memory_space<vmem>>
      %dma_wait3A_497 = arith.constant 0 : i32
      %dma_wait3A_498 = arith.constant 0 : i32
      %dma_wait3A_499 = tpu.memref_slice %arg24[%dma_wait3A_497, %dma_wait3A_498] : memref<10240x16xf32, #tpu.memory_space<vmem_shared>> -> memref<10240x16xf32, #tpu.memory_space<vmem_shared>>
      tpu.wait_indirect_dma semaphore(%arg28 : memref<!tpu.dma_semaphore, #tpu.memory_space<semaphore_mem>>) src(%arg10 : memref<128x16xf32, #tpu.memory_space<vmem>>) dst(%dma_wait3A_499 : memref<10240x16xf32, #tpu.memory_space<vmem_shared>>)
      %dma_wait3A_500 = arith.constant 0 : i32
      %dma_wait3A_501 = arith.constant 0 : i32
      %dma_wait3A_502 = tpu.memref_slice %arg22[%dma_wait3A_500, %dma_wait3A_501] : memref<8x128xi32, #tpu.memory_space<vmem>> -> memref<1x128xi32, #tpu.memory_space<vmem>>
      %dma_wait3A_503 = tpu.memref_squeeze %dma_wait3A_502 : memref<1x128xi32, #tpu.memory_space<vmem>> -> memref<128xi32, #tpu.memory_space<vmem>>
      %dma_wait3A_504 = arith.constant 0 : i32
      %dma_wait3A_505 = arith.constant 0 : i32
      %dma_wait3A_506 = tpu.memref_slice %arg24[%dma_wait3A_504, %dma_wait3A_505] : memref<10240x16xf32, #tpu.memory_space<vmem_shared>> -> memref<10240x16xf32, #tpu.memory_space<vmem_shared>>
      tpu.wait_indirect_dma semaphore(%arg28 : memref<!tpu.dma_semaphore, #tpu.memory_space<semaphore_mem>>) src(%arg11 : memref<128x16xf32, #tpu.memory_space<vmem>>) dst(%dma_wait3A_506 : memref<10240x16xf32, #tpu.memory_space<vmem_shared>>)
      %dma_wait3A_507 = arith.constant 0 : i32
      %dma_wait3A_508 = arith.constant 0 : i32
      %dma_wait3A_509 = tpu.memref_slice %arg22[%dma_wait3A_507, %dma_wait3A_508] : memref<8x128xi32, #tpu.memory_space<vmem>> -> memref<1x128xi32, #tpu.memory_space<vmem>>
      %dma_wait3A_510 = tpu.memref_squeeze %dma_wait3A_509 : memref<1x128xi32, #tpu.memory_space<vmem>> -> memref<128xi32, #tpu.memory_space<vmem>>
      %dma_wait3A_511 = arith.constant 0 : i32
      %dma_wait3A_512 = arith.constant 0 : i32
      %dma_wait3A_513 = tpu.memref_slice %arg24[%dma_wait3A_511, %dma_wait3A_512] : memref<10240x16xf32, #tpu.memory_space<vmem_shared>> -> memref<10240x16xf32, #tpu.memory_space<vmem_shared>>
      tpu.wait_indirect_dma semaphore(%arg28 : memref<!tpu.dma_semaphore, #tpu.memory_space<semaphore_mem>>) src(%arg12 : memref<128x16xf32, #tpu.memory_space<vmem>>) dst(%dma_wait3A_513 : memref<10240x16xf32, #tpu.memory_space<vmem_shared>>)
      %dma_wait3A_514 = arith.constant 0 : i32
      %dma_wait3A_515 = arith.constant 0 : i32
      %dma_wait3A_516 = tpu.memref_slice %arg22[%dma_wait3A_514, %dma_wait3A_515] : memref<8x128xi32, #tpu.memory_space<vmem>> -> memref<1x128xi32, #tpu.memory_space<vmem>>
      %dma_wait3A_517 = tpu.memref_squeeze %dma_wait3A_516 : memref<1x128xi32, #tpu.memory_space<vmem>> -> memref<128xi32, #tpu.memory_space<vmem>>
      %dma_wait3A_518 = arith.constant 0 : i32
      %dma_wait3A_519 = arith.constant 0 : i32
      %dma_wait3A_520 = tpu.memref_slice %arg24[%dma_wait3A_518, %dma_wait3A_519] : memref<10240x16xf32, #tpu.memory_space<vmem_shared>> -> memref<10240x16xf32, #tpu.memory_space<vmem_shared>>
      tpu.wait_indirect_dma semaphore(%arg28 : memref<!tpu.dma_semaphore, #tpu.memory_space<semaphore_mem>>) src(%arg13 : memref<128x16xf32, #tpu.memory_space<vmem>>) dst(%dma_wait3A_520 : memref<10240x16xf32, #tpu.memory_space<vmem_shared>>)
      %add3A_521 = arith.constant 16 : i32
      %add3A_522 = arith.addi %add3A_147, %add3A_521 : i32
      %lt3A = arith.constant 80 : i32
      %lt3A_523 = arith.cmpi slt, %add3A_522, %lt3A : i32
      %convert_element_type3A_524 = arith.extui %lt3A_523 : i1 to i32
      %cond3A_525 = arith.constant 0 : i32
      %cond3A_526 = arith.cmpi ne, %convert_element_type3A_524, %cond3A_525 : i32
      scf.if %cond3A_526 {
        %add3A_527 = arith.constant 16 : i32
        %add3A_528 = arith.addi %add3A_147, %add3A_527 : i32
        %add3A_529 = arith.constant 0 : i32
        %add3A_530 = arith.addi %add3A_528, %add3A_529 : i32
        %dma_start3A_531 = arith.constant 0 : i32
        %dma_start3A_532 = tpu.memref_slice %arg5[%add3A_530, %dma_start3A_531] : memref<80x128xi32, #tpu.memory_space<vmem>> -> memref<1x128xi32, #tpu.memory_space<vmem>>
        %dma_start3A_533 = tpu.memref_squeeze %dma_start3A_532 : memref<1x128xi32, #tpu.memory_space<vmem>> -> memref<128xi32, #tpu.memory_space<vmem>>
        %dma_start3A_534 = arith.constant 0 : i32
        %dma_start3A_535 = arith.constant 0 : i32
        %dma_start3A_536 = tpu.memref_slice %arg25[%dma_start3A_534, %dma_start3A_535] : memref<10016x16xf32, #tpu.memory_space<vmem_shared>> -> memref<10016x16xf32, #tpu.memory_space<vmem_shared>>
        tpu.enqueue_indirect_dma source(%dma_start3A_536 : memref<10016x16xf32, #tpu.memory_space<vmem_shared>>) target(%arg6 : memref<128x16xf32, #tpu.memory_space<vmem>>) offsets(%dma_start3A_533 : memref<128xi32, #tpu.memory_space<vmem>>) semaphore(%arg26 : memref<!tpu.dma_semaphore, #tpu.memory_space<semaphore_mem>>)
        %add3A_537 = arith.constant 1 : i32
        %add3A_538 = arith.addi %add3A_528, %add3A_537 : i32
        %dma_start3A_539 = arith.constant 0 : i32
        %dma_start3A_540 = tpu.memref_slice %arg5[%add3A_538, %dma_start3A_539] : memref<80x128xi32, #tpu.memory_space<vmem>> -> memref<1x128xi32, #tpu.memory_space<vmem>>
        %dma_start3A_541 = tpu.memref_squeeze %dma_start3A_540 : memref<1x128xi32, #tpu.memory_space<vmem>> -> memref<128xi32, #tpu.memory_space<vmem>>
        %dma_start3A_542 = arith.constant 0 : i32
        %dma_start3A_543 = arith.constant 0 : i32
        %dma_start3A_544 = tpu.memref_slice %arg25[%dma_start3A_542, %dma_start3A_543] : memref<10016x16xf32, #tpu.memory_space<vmem_shared>> -> memref<10016x16xf32, #tpu.memory_space<vmem_shared>>
        tpu.enqueue_indirect_dma source(%dma_start3A_544 : memref<10016x16xf32, #tpu.memory_space<vmem_shared>>) target(%arg7 : memref<128x16xf32, #tpu.memory_space<vmem>>) offsets(%dma_start3A_541 : memref<128xi32, #tpu.memory_space<vmem>>) semaphore(%arg26 : memref<!tpu.dma_semaphore, #tpu.memory_space<semaphore_mem>>)
        %add3A_545 = arith.constant 2 : i32
        %add3A_546 = arith.addi %add3A_528, %add3A_545 : i32
        %dma_start3A_547 = arith.constant 0 : i32
        %dma_start3A_548 = tpu.memref_slice %arg5[%add3A_546, %dma_start3A_547] : memref<80x128xi32, #tpu.memory_space<vmem>> -> memref<1x128xi32, #tpu.memory_space<vmem>>
        %dma_start3A_549 = tpu.memref_squeeze %dma_start3A_548 : memref<1x128xi32, #tpu.memory_space<vmem>> -> memref<128xi32, #tpu.memory_space<vmem>>
        %dma_start3A_550 = arith.constant 0 : i32
        %dma_start3A_551 = arith.constant 0 : i32
        %dma_start3A_552 = tpu.memref_slice %arg25[%dma_start3A_550, %dma_start3A_551] : memref<10016x16xf32, #tpu.memory_space<vmem_shared>> -> memref<10016x16xf32, #tpu.memory_space<vmem_shared>>
        tpu.enqueue_indirect_dma source(%dma_start3A_552 : memref<10016x16xf32, #tpu.memory_space<vmem_shared>>) target(%arg8 : memref<128x16xf32, #tpu.memory_space<vmem>>) offsets(%dma_start3A_549 : memref<128xi32, #tpu.memory_space<vmem>>) semaphore(%arg26 : memref<!tpu.dma_semaphore, #tpu.memory_space<semaphore_mem>>)
        %add3A_553 = arith.constant 3 : i32
        %add3A_554 = arith.addi %add3A_528, %add3A_553 : i32
        %dma_start3A_555 = arith.constant 0 : i32
        %dma_start3A_556 = tpu.memref_slice %arg5[%add3A_554, %dma_start3A_555] : memref<80x128xi32, #tpu.memory_space<vmem>> -> memref<1x128xi32, #tpu.memory_space<vmem>>
        %dma_start3A_557 = tpu.memref_squeeze %dma_start3A_556 : memref<1x128xi32, #tpu.memory_space<vmem>> -> memref<128xi32, #tpu.memory_space<vmem>>
        %dma_start3A_558 = arith.constant 0 : i32
        %dma_start3A_559 = arith.constant 0 : i32
        %dma_start3A_560 = tpu.memref_slice %arg25[%dma_start3A_558, %dma_start3A_559] : memref<10016x16xf32, #tpu.memory_space<vmem_shared>> -> memref<10016x16xf32, #tpu.memory_space<vmem_shared>>
        tpu.enqueue_indirect_dma source(%dma_start3A_560 : memref<10016x16xf32, #tpu.memory_space<vmem_shared>>) target(%arg9 : memref<128x16xf32, #tpu.memory_space<vmem>>) offsets(%dma_start3A_557 : memref<128xi32, #tpu.memory_space<vmem>>) semaphore(%arg26 : memref<!tpu.dma_semaphore, #tpu.memory_space<semaphore_mem>>)
        %add3A_561 = arith.constant 4 : i32
        %add3A_562 = arith.addi %add3A_528, %add3A_561 : i32
        %dma_start3A_563 = arith.constant 0 : i32
        %dma_start3A_564 = tpu.memref_slice %arg5[%add3A_562, %dma_start3A_563] : memref<80x128xi32, #tpu.memory_space<vmem>> -> memref<1x128xi32, #tpu.memory_space<vmem>>
        %dma_start3A_565 = tpu.memref_squeeze %dma_start3A_564 : memref<1x128xi32, #tpu.memory_space<vmem>> -> memref<128xi32, #tpu.memory_space<vmem>>
        %dma_start3A_566 = arith.constant 0 : i32
        %dma_start3A_567 = arith.constant 0 : i32
        %dma_start3A_568 = tpu.memref_slice %arg25[%dma_start3A_566, %dma_start3A_567] : memref<10016x16xf32, #tpu.memory_space<vmem_shared>> -> memref<10016x16xf32, #tpu.memory_space<vmem_shared>>
        tpu.enqueue_indirect_dma source(%dma_start3A_568 : memref<10016x16xf32, #tpu.memory_space<vmem_shared>>) target(%arg10 : memref<128x16xf32, #tpu.memory_space<vmem>>) offsets(%dma_start3A_565 : memref<128xi32, #tpu.memory_space<vmem>>) semaphore(%arg26 : memref<!tpu.dma_semaphore, #tpu.memory_space<semaphore_mem>>)
        %add3A_569 = arith.constant 5 : i32
        %add3A_570 = arith.addi %add3A_528, %add3A_569 : i32
        %dma_start3A_571 = arith.constant 0 : i32
        %dma_start3A_572 = tpu.memref_slice %arg5[%add3A_570, %dma_start3A_571] : memref<80x128xi32, #tpu.memory_space<vmem>> -> memref<1x128xi32, #tpu.memory_space<vmem>>
        %dma_start3A_573 = tpu.memref_squeeze %dma_start3A_572 : memref<1x128xi32, #tpu.memory_space<vmem>> -> memref<128xi32, #tpu.memory_space<vmem>>
        %dma_start3A_574 = arith.constant 0 : i32
        %dma_start3A_575 = arith.constant 0 : i32
        %dma_start3A_576 = tpu.memref_slice %arg25[%dma_start3A_574, %dma_start3A_575] : memref<10016x16xf32, #tpu.memory_space<vmem_shared>> -> memref<10016x16xf32, #tpu.memory_space<vmem_shared>>
        tpu.enqueue_indirect_dma source(%dma_start3A_576 : memref<10016x16xf32, #tpu.memory_space<vmem_shared>>) target(%arg11 : memref<128x16xf32, #tpu.memory_space<vmem>>) offsets(%dma_start3A_573 : memref<128xi32, #tpu.memory_space<vmem>>) semaphore(%arg26 : memref<!tpu.dma_semaphore, #tpu.memory_space<semaphore_mem>>)
        %add3A_577 = arith.constant 6 : i32
        %add3A_578 = arith.addi %add3A_528, %add3A_577 : i32
        %dma_start3A_579 = arith.constant 0 : i32
        %dma_start3A_580 = tpu.memref_slice %arg5[%add3A_578, %dma_start3A_579] : memref<80x128xi32, #tpu.memory_space<vmem>> -> memref<1x128xi32, #tpu.memory_space<vmem>>
        %dma_start3A_581 = tpu.memref_squeeze %dma_start3A_580 : memref<1x128xi32, #tpu.memory_space<vmem>> -> memref<128xi32, #tpu.memory_space<vmem>>
        %dma_start3A_582 = arith.constant 0 : i32
        %dma_start3A_583 = arith.constant 0 : i32
        %dma_start3A_584 = tpu.memref_slice %arg25[%dma_start3A_582, %dma_start3A_583] : memref<10016x16xf32, #tpu.memory_space<vmem_shared>> -> memref<10016x16xf32, #tpu.memory_space<vmem_shared>>
        tpu.enqueue_indirect_dma source(%dma_start3A_584 : memref<10016x16xf32, #tpu.memory_space<vmem_shared>>) target(%arg12 : memref<128x16xf32, #tpu.memory_space<vmem>>) offsets(%dma_start3A_581 : memref<128xi32, #tpu.memory_space<vmem>>) semaphore(%arg26 : memref<!tpu.dma_semaphore, #tpu.memory_space<semaphore_mem>>)
        %add3A_585 = arith.constant 7 : i32
        %add3A_586 = arith.addi %add3A_528, %add3A_585 : i32
        %dma_start3A_587 = arith.constant 0 : i32
        %dma_start3A_588 = tpu.memref_slice %arg5[%add3A_586, %dma_start3A_587] : memref<80x128xi32, #tpu.memory_space<vmem>> -> memref<1x128xi32, #tpu.memory_space<vmem>>
        %dma_start3A_589 = tpu.memref_squeeze %dma_start3A_588 : memref<1x128xi32, #tpu.memory_space<vmem>> -> memref<128xi32, #tpu.memory_space<vmem>>
        %dma_start3A_590 = arith.constant 0 : i32
        %dma_start3A_591 = arith.constant 0 : i32
        %dma_start3A_592 = tpu.memref_slice %arg25[%dma_start3A_590, %dma_start3A_591] : memref<10016x16xf32, #tpu.memory_space<vmem_shared>> -> memref<10016x16xf32, #tpu.memory_space<vmem_shared>>
        tpu.enqueue_indirect_dma source(%dma_start3A_592 : memref<10016x16xf32, #tpu.memory_space<vmem_shared>>) target(%arg13 : memref<128x16xf32, #tpu.memory_space<vmem>>) offsets(%dma_start3A_589 : memref<128xi32, #tpu.memory_space<vmem>>) semaphore(%arg26 : memref<!tpu.dma_semaphore, #tpu.memory_space<semaphore_mem>>)
        %dma_start3A_593 = arith.constant 1 : i32
        %dma_start3A_594 = arith.constant 0 : i32
        %dma_start3A_595 = tpu.memref_slice %arg3[%dma_start3A_593, %add3A, %add3A_528, %dma_start3A_594] : memref<2x32x80x128xi32, #tpu.memory_space<hbm>> -> memref<1x1x8x128xi32, #tpu.memory_space<hbm>>
        %dma_start3A_596 = tpu.memref_squeeze %dma_start3A_595 : memref<1x1x8x128xi32, #tpu.memory_space<hbm>> -> memref<8x128xi32, #tpu.memory_space<hbm>>
        %dma_start3A_597 = arith.constant 0 : i32
        %dma_start3A_598 = tpu.memref_slice %arg3[%dma_start3A_593, %add3A, %add3A_528, %dma_start3A_597] : memref<2x32x80x128xi32, #tpu.memory_space<hbm>> -> memref<1x1x8x128xi32, #tpu.memory_space<hbm>>
        %dma_start3A_599 = tpu.memref_squeeze %dma_start3A_598 : memref<1x1x8x128xi32, #tpu.memory_space<hbm>> -> memref<8x128xi32, #tpu.memory_space<hbm>>
        tpu.enqueue_dma source(%dma_start3A_599 : memref<8x128xi32, #tpu.memory_space<hbm>>) target(%arg22 : memref<8x128xi32, #tpu.memory_space<vmem>>) target_semaphore(%arg30 : memref<!tpu.dma_semaphore, #tpu.memory_space<semaphore_mem>>)
      } else {
      }
    }
    %scan3A_82 = arith.constant 5 : i32
    %dma_wait3A = arith.constant 0 : i32
    %dma_wait3A_83 = arith.constant 0 : i32
    %dma_wait3A_84 = tpu.memref_slice %arg23[%dma_wait3A, %dma_wait3A_83] : memref<8x128xi32, #tpu.memory_space<vmem>> -> memref<1x128xi32, #tpu.memory_space<vmem>>
    %dma_wait3A_85 = tpu.memref_squeeze %dma_wait3A_84 : memref<1x128xi32, #tpu.memory_space<vmem>> -> memref<128xi32, #tpu.memory_space<vmem>>
    %dma_wait3A_86 = arith.constant 0 : i32
    %dma_wait3A_87 = arith.constant 0 : i32
    %dma_wait3A_88 = tpu.memref_slice %arg24[%dma_wait3A_86, %dma_wait3A_87] : memref<10240x16xf32, #tpu.memory_space<vmem_shared>> -> memref<10240x16xf32, #tpu.memory_space<vmem_shared>>
    tpu.wait_indirect_dma semaphore(%arg29 : memref<!tpu.dma_semaphore, #tpu.memory_space<semaphore_mem>>) src(%arg14 : memref<128x16xf32, #tpu.memory_space<vmem>>) dst(%dma_wait3A_88 : memref<10240x16xf32, #tpu.memory_space<vmem_shared>>)
    %dma_wait3A_89 = arith.constant 0 : i32
    %dma_wait3A_90 = arith.constant 0 : i32
    %dma_wait3A_91 = tpu.memref_slice %arg23[%dma_wait3A_89, %dma_wait3A_90] : memref<8x128xi32, #tpu.memory_space<vmem>> -> memref<1x128xi32, #tpu.memory_space<vmem>>
    %dma_wait3A_92 = tpu.memref_squeeze %dma_wait3A_91 : memref<1x128xi32, #tpu.memory_space<vmem>> -> memref<128xi32, #tpu.memory_space<vmem>>
    %dma_wait3A_93 = arith.constant 0 : i32
    %dma_wait3A_94 = arith.constant 0 : i32
    %dma_wait3A_95 = tpu.memref_slice %arg24[%dma_wait3A_93, %dma_wait3A_94] : memref<10240x16xf32, #tpu.memory_space<vmem_shared>> -> memref<10240x16xf32, #tpu.memory_space<vmem_shared>>
    tpu.wait_indirect_dma semaphore(%arg29 : memref<!tpu.dma_semaphore, #tpu.memory_space<semaphore_mem>>) src(%arg15 : memref<128x16xf32, #tpu.memory_space<vmem>>) dst(%dma_wait3A_95 : memref<10240x16xf32, #tpu.memory_space<vmem_shared>>)
    %dma_wait3A_96 = arith.constant 0 : i32
    %dma_wait3A_97 = arith.constant 0 : i32
    %dma_wait3A_98 = tpu.memref_slice %arg23[%dma_wait3A_96, %dma_wait3A_97] : memref<8x128xi32, #tpu.memory_space<vmem>> -> memref<1x128xi32, #tpu.memory_space<vmem>>
    %dma_wait3A_99 = tpu.memref_squeeze %dma_wait3A_98 : memref<1x128xi32, #tpu.memory_space<vmem>> -> memref<128xi32, #tpu.memory_space<vmem>>
    %dma_wait3A_100 = arith.constant 0 : i32
    %dma_wait3A_101 = arith.constant 0 : i32
    %dma_wait3A_102 = tpu.memref_slice %arg24[%dma_wait3A_100, %dma_wait3A_101] : memref<10240x16xf32, #tpu.memory_space<vmem_shared>> -> memref<10240x16xf32, #tpu.memory_space<vmem_shared>>
    tpu.wait_indirect_dma semaphore(%arg29 : memref<!tpu.dma_semaphore, #tpu.memory_space<semaphore_mem>>) src(%arg16 : memref<128x16xf32, #tpu.memory_space<vmem>>) dst(%dma_wait3A_102 : memref<10240x16xf32, #tpu.memory_space<vmem_shared>>)
    %dma_wait3A_103 = arith.constant 0 : i32
    %dma_wait3A_104 = arith.constant 0 : i32
    %dma_wait3A_105 = tpu.memref_slice %arg23[%dma_wait3A_103, %dma_wait3A_104] : memref<8x128xi32, #tpu.memory_space<vmem>> -> memref<1x128xi32, #tpu.memory_space<vmem>>
    %dma_wait3A_106 = tpu.memref_squeeze %dma_wait3A_105 : memref<1x128xi32, #tpu.memory_space<vmem>> -> memref<128xi32, #tpu.memory_space<vmem>>
    %dma_wait3A_107 = arith.constant 0 : i32
    %dma_wait3A_108 = arith.constant 0 : i32
    %dma_wait3A_109 = tpu.memref_slice %arg24[%dma_wait3A_107, %dma_wait3A_108] : memref<10240x16xf32, #tpu.memory_space<vmem_shared>> -> memref<10240x16xf32, #tpu.memory_space<vmem_shared>>
    tpu.wait_indirect_dma semaphore(%arg29 : memref<!tpu.dma_semaphore, #tpu.memory_space<semaphore_mem>>) src(%arg17 : memref<128x16xf32, #tpu.memory_space<vmem>>) dst(%dma_wait3A_109 : memref<10240x16xf32, #tpu.memory_space<vmem_shared>>)
    %dma_wait3A_110 = arith.constant 0 : i32
    %dma_wait3A_111 = arith.constant 0 : i32
    %dma_wait3A_112 = tpu.memref_slice %arg23[%dma_wait3A_110, %dma_wait3A_111] : memref<8x128xi32, #tpu.memory_space<vmem>> -> memref<1x128xi32, #tpu.memory_space<vmem>>
    %dma_wait3A_113 = tpu.memref_squeeze %dma_wait3A_112 : memref<1x128xi32, #tpu.memory_space<vmem>> -> memref<128xi32, #tpu.memory_space<vmem>>
    %dma_wait3A_114 = arith.constant 0 : i32
    %dma_wait3A_115 = arith.constant 0 : i32
    %dma_wait3A_116 = tpu.memref_slice %arg24[%dma_wait3A_114, %dma_wait3A_115] : memref<10240x16xf32, #tpu.memory_space<vmem_shared>> -> memref<10240x16xf32, #tpu.memory_space<vmem_shared>>
    tpu.wait_indirect_dma semaphore(%arg29 : memref<!tpu.dma_semaphore, #tpu.memory_space<semaphore_mem>>) src(%arg18 : memref<128x16xf32, #tpu.memory_space<vmem>>) dst(%dma_wait3A_116 : memref<10240x16xf32, #tpu.memory_space<vmem_shared>>)
    %dma_wait3A_117 = arith.constant 0 : i32
    %dma_wait3A_118 = arith.constant 0 : i32
    %dma_wait3A_119 = tpu.memref_slice %arg23[%dma_wait3A_117, %dma_wait3A_118] : memref<8x128xi32, #tpu.memory_space<vmem>> -> memref<1x128xi32, #tpu.memory_space<vmem>>
    %dma_wait3A_120 = tpu.memref_squeeze %dma_wait3A_119 : memref<1x128xi32, #tpu.memory_space<vmem>> -> memref<128xi32, #tpu.memory_space<vmem>>
    %dma_wait3A_121 = arith.constant 0 : i32
    %dma_wait3A_122 = arith.constant 0 : i32
    %dma_wait3A_123 = tpu.memref_slice %arg24[%dma_wait3A_121, %dma_wait3A_122] : memref<10240x16xf32, #tpu.memory_space<vmem_shared>> -> memref<10240x16xf32, #tpu.memory_space<vmem_shared>>
    tpu.wait_indirect_dma semaphore(%arg29 : memref<!tpu.dma_semaphore, #tpu.memory_space<semaphore_mem>>) src(%arg19 : memref<128x16xf32, #tpu.memory_space<vmem>>) dst(%dma_wait3A_123 : memref<10240x16xf32, #tpu.memory_space<vmem_shared>>)
    %dma_wait3A_124 = arith.constant 0 : i32
    %dma_wait3A_125 = arith.constant 0 : i32
    %dma_wait3A_126 = tpu.memref_slice %arg23[%dma_wait3A_124, %dma_wait3A_125] : memref<8x128xi32, #tpu.memory_space<vmem>> -> memref<1x128xi32, #tpu.memory_space<vmem>>
    %dma_wait3A_127 = tpu.memref_squeeze %dma_wait3A_126 : memref<1x128xi32, #tpu.memory_space<vmem>> -> memref<128xi32, #tpu.memory_space<vmem>>
    %dma_wait3A_128 = arith.constant 0 : i32
    %dma_wait3A_129 = arith.constant 0 : i32
    %dma_wait3A_130 = tpu.memref_slice %arg24[%dma_wait3A_128, %dma_wait3A_129] : memref<10240x16xf32, #tpu.memory_space<vmem_shared>> -> memref<10240x16xf32, #tpu.memory_space<vmem_shared>>
    tpu.wait_indirect_dma semaphore(%arg29 : memref<!tpu.dma_semaphore, #tpu.memory_space<semaphore_mem>>) src(%arg20 : memref<128x16xf32, #tpu.memory_space<vmem>>) dst(%dma_wait3A_130 : memref<10240x16xf32, #tpu.memory_space<vmem_shared>>)
    %dma_wait3A_131 = arith.constant 0 : i32
    %dma_wait3A_132 = arith.constant 0 : i32
    %dma_wait3A_133 = tpu.memref_slice %arg23[%dma_wait3A_131, %dma_wait3A_132] : memref<8x128xi32, #tpu.memory_space<vmem>> -> memref<1x128xi32, #tpu.memory_space<vmem>>
    %dma_wait3A_134 = tpu.memref_squeeze %dma_wait3A_133 : memref<1x128xi32, #tpu.memory_space<vmem>> -> memref<128xi32, #tpu.memory_space<vmem>>
    %dma_wait3A_135 = arith.constant 0 : i32
    %dma_wait3A_136 = arith.constant 0 : i32
    %dma_wait3A_137 = tpu.memref_slice %arg24[%dma_wait3A_135, %dma_wait3A_136] : memref<10240x16xf32, #tpu.memory_space<vmem_shared>> -> memref<10240x16xf32, #tpu.memory_space<vmem_shared>>
    tpu.wait_indirect_dma semaphore(%arg29 : memref<!tpu.dma_semaphore, #tpu.memory_space<semaphore_mem>>) src(%arg21 : memref<128x16xf32, #tpu.memory_space<vmem>>) dst(%dma_wait3A_137 : memref<10240x16xf32, #tpu.memory_space<vmem_shared>>)
    %barrier3A_138 = arith.constant 0 : index
    tpu.barrier barrier_id(%barrier3A_138)
    %mul3A_139 = arith.constant 640 : i32
    %mul3A_140 = arith.muli %arg1, %mul3A_139 : i32
    %mul3A_141 = arith.constant 640 : i32
    %mul3A_142 = arith.muli %arg1, %mul3A_141 : i32
    "tpu.region"() ({
      %run_scoped3A_143 = tpu.sem_alloc : memref<!tpu.dma_semaphore, #tpu.memory_space<semaphore_mem>>
      %dma_start3A_144 = arith.constant 0 : i32
      %dma_start3A_145 = tpu.memref_slice %arg4[%arg0, %mul3A_142, %dma_start3A_144] : memref<2x10240x128xf32, #tpu.memory_space<hbm>> -> memref<1x640x16xf32, #tpu.memory_space<hbm>>
      %dma_start3A_146 = tpu.memref_squeeze %dma_start3A_145 : memref<1x640x16xf32, #tpu.memory_space<hbm>> -> memref<640x16xf32, #tpu.memory_space<hbm>>
      %dma_start3A_147 = arith.constant 0 : i32
      %dma_start3A_148 = tpu.memref_slice %arg24[%mul3A_140, %dma_start3A_147] : memref<10240x16xf32, #tpu.memory_space<vmem_shared>> -> memref<640x16xf32, #tpu.memory_space<vmem_shared>>
      tpu.enqueue_dma source(%dma_start3A_148 : memref<640x16xf32, #tpu.memory_space<vmem_shared>>) target(%dma_start3A_146 : memref<640x16xf32, #tpu.memory_space<hbm>>) target_semaphore(%run_scoped3A_143 : memref<!tpu.dma_semaphore, #tpu.memory_space<semaphore_mem>>)
      %dma_wait3A_149 = arith.constant 0 : i32
      %dma_wait3A_150 = tpu.memref_slice %arg4[%arg0, %mul3A_142, %dma_wait3A_149] : memref<2x10240x128xf32, #tpu.memory_space<hbm>> -> memref<1x640x16xf32, #tpu.memory_space<hbm>>
      %dma_wait3A_151 = tpu.memref_squeeze %dma_wait3A_150 : memref<1x640x16xf32, #tpu.memory_space<hbm>> -> memref<640x16xf32, #tpu.memory_space<hbm>>
      %dma_wait3A_152 = arith.constant 0 : i32
      %dma_wait3A_153 = tpu.memref_slice %arg24[%mul3A_140, %dma_wait3A_152] : memref<10240x16xf32, #tpu.memory_space<vmem_shared>> -> memref<640x16xf32, #tpu.memory_space<vmem_shared>>
      tpu.wait_dma2 semaphore(%run_scoped3A_143 : memref<!tpu.dma_semaphore, #tpu.memory_space<semaphore_mem>>) src(%dma_wait3A_153 : memref<640x16xf32, #tpu.memory_space<vmem_shared>>) dst(%dma_wait3A_151 : memref<640x16xf32, #tpu.memory_space<hbm>>)
      tpu.yield
    }) : () -> ()
    return
  }
}

module attributes {stable_mosaic.version = 14 : i64} {
  func.func @_mm1_body(%arg0: memref<10000x128xf32, #tpu.memory_space<vmem>>, %arg1: memref<128x64xf32, #tpu.memory_space<vmem>>, %arg2: memref<10000x64xf32, #tpu.memory_space<vmem>>) attributes {dimension_semantics = [], scalar_prefetch = 0 : i64, scratch_operands = 0 : i64, tpu.core_type = #tpu.core_type<tc>} {
    %get3A = arith.constant 0 : index
    %get3A_0 = arith.constant 0 : index
    %get3A_1 = vector.load %arg0[%get3A, %get3A_0] : memref<10000x128xf32, #tpu.memory_space<vmem>>, vector<10000x128xf32>
    %get3A_2 = arith.constant 0 : index
    %get3A_3 = arith.constant 0 : index
    %get3A_4 = vector.load %arg1[%get3A_2, %get3A_3] : memref<128x64xf32, #tpu.memory_space<vmem>>, vector<128x64xf32>
    %dot_general3A = arith.constant dense<0.000000e+00> : vector<10000x64xf32>
    %dot_general3A_5 = tpu.matmul %get3A_1, %get3A_4, %dot_general3A {dimension_numbers = #tpu.dot_dimension_numbers<[1], [0], [0], [1], [0, 0, 1, 1], [], []>, transpose_lhs_hint = false} : vector<10000x128xf32>, vector<128x64xf32>, vector<10000x64xf32> -> vector<10000x64xf32>
    %swap3A = arith.constant 0 : index
    %swap3A_6 = arith.constant 0 : index
    %swap3A_7 = vector.load %arg2[%swap3A, %swap3A_6] : memref<10000x64xf32, #tpu.memory_space<vmem>>, vector<10000x64xf32>
    tpu.vector_store %arg2[%swap3A, %swap3A_6], %dot_general3A_5 {strides = array<i32>} : memref<10000x64xf32, #tpu.memory_space<vmem>>, vector<10000x64xf32>,
    return
  }
}

module attributes {stable_mosaic.version = 14 : i64} {
  func.func @_scale_body(%arg0: memref<2x10240x16xf32, #tpu.memory_space<vmem>>, %arg1: memref<10000x64xf32, #tpu.memory_space<vmem>>, %arg2: memref<10000x128xf32, #tpu.memory_space<vmem>>) attributes {dimension_semantics = [], scalar_prefetch = 0 : i64, scratch_operands = 0 : i64, tpu.core_type = #tpu.core_type<tc>} {
    %get3A = arith.constant 0 : index
    %get3A_0 = arith.constant 0 : index
    %get3A_1 = arith.constant 0 : index
    %get3A_2 = vector.load %arg0[%get3A, %get3A_0, %get3A_1] : memref<2x10240x16xf32, #tpu.memory_space<vmem>>, vector<1x10000x1xf32>
    %get3A_3 = vector.shape_cast %get3A_2 : vector<1x10000x1xf32> to vector<10000x1xf32>
    %get3A_4 = arith.constant 1 : index
    %get3A_5 = arith.constant 0 : index
    %get3A_6 = arith.constant 0 : index
    %get3A_7 = vector.load %arg0[%get3A_4, %get3A_5, %get3A_6] : memref<2x10240x16xf32, #tpu.memory_space<vmem>>, vector<1x10000x1xf32>
    %get3A_8 = vector.shape_cast %get3A_7 : vector<1x10000x1xf32> to vector<10000x1xf32>
    %add3A = arith.addf %get3A_3, %get3A_8 : vector<10000x1xf32>
    %add3A_9 = arith.constant 1.000000e+00 : f32
    %add3A_10 = vector.broadcast %add3A_9 : f32 to vector<10000x1xf32>
    %add3A_11 = arith.addf %add3A, %add3A_10 : vector<10000x1xf32>
    %rsqrt3A = math.rsqrt %add3A_11 : vector<10000x1xf32>
    %get3A_12 = arith.constant 0 : index
    %get3A_13 = arith.constant 0 : index
    %get3A_14 = vector.load %arg1[%get3A_12, %get3A_13] : memref<10000x64xf32, #tpu.memory_space<vmem>>, vector<10000x64xf32>
    %mul3A = vector.broadcast %rsqrt3A : vector<10000x1xf32> to vector<10000x64xf32>
    %mul3A_15 = arith.mulf %mul3A, %get3A_14 : vector<10000x64xf32>
    %swap3A = arith.constant 0 : index
    %swap3A_16 = arith.constant 0 : index
    %swap3A_17 = vector.load %arg2[%swap3A, %swap3A_16] : memref<10000x128xf32, #tpu.memory_space<vmem>>, vector<10000x64xf32>
    tpu.vector_store %arg2[%swap3A, %swap3A_16], %mul3A_15 {strides = array<i32>} : memref<10000x128xf32, #tpu.memory_space<vmem>>, vector<10000x64xf32>,
    return
  }
}

module attributes {stable_mosaic.version = 14 : i64} {
  func.func @_mid_body(%arg0: memref<2x10240x16xf32, #tpu.memory_space<vmem>>, %arg1: memref<2x10240x128xf32, #tpu.memory_space<vmem>>, %arg2: memref<10000x64xf32, #tpu.memory_space<vmem>>, %arg3: memref<1x64xf32, #tpu.memory_space<vmem>>, %arg4: memref<64x16xf32, #tpu.memory_space<vmem>>, %arg5: memref<10000x16xf32, #tpu.memory_space<vmem>>, %arg6: memref<10000x128xf32, #tpu.memory_space<vmem>>) attributes {dimension_semantics = [], scalar_prefetch = 0 : i64, scratch_operands = 0 : i64, tpu.core_type = #tpu.core_type<tc>} {
    %get3A = arith.constant 0 : index
    %get3A_0 = arith.constant 0 : index
    %get3A_1 = arith.constant 0 : index
    %get3A_2 = vector.load %arg0[%get3A, %get3A_0, %get3A_1] : memref<2x10240x16xf32, #tpu.memory_space<vmem>>, vector<1x10000x1xf32>
    %get3A_3 = vector.shape_cast %get3A_2 : vector<1x10000x1xf32> to vector<10000x1xf32>
    %get3A_4 = arith.constant 1 : index
    %get3A_5 = arith.constant 0 : index
    %get3A_6 = arith.constant 0 : index
    %get3A_7 = vector.load %arg0[%get3A_4, %get3A_5, %get3A_6] : memref<2x10240x16xf32, #tpu.memory_space<vmem>>, vector<1x10000x1xf32>
    %get3A_8 = vector.shape_cast %get3A_7 : vector<1x10000x1xf32> to vector<10000x1xf32>
    %add3A = arith.addf %get3A_3, %get3A_8 : vector<10000x1xf32>
    %add3A_9 = arith.constant 1.000000e+00 : f32
    %add3A_10 = vector.broadcast %add3A_9 : f32 to vector<10000x1xf32>
    %add3A_11 = arith.addf %add3A, %add3A_10 : vector<10000x1xf32>
    %rsqrt3A = math.rsqrt %add3A_11 : vector<10000x1xf32>
    %get3A_12 = arith.constant 0 : index
    %get3A_13 = arith.constant 0 : index
    %get3A_14 = arith.constant 0 : index
    %get3A_15 = vector.load %arg1[%get3A_12, %get3A_13, %get3A_14] : memref<2x10240x128xf32, #tpu.memory_space<vmem>>, vector<1x10000x64xf32>
    %get3A_16 = vector.shape_cast %get3A_15 : vector<1x10000x64xf32> to vector<10000x64xf32>
    %get3A_17 = arith.constant 1 : index
    %get3A_18 = arith.constant 0 : index
    %get3A_19 = arith.constant 0 : index
    %get3A_20 = vector.load %arg1[%get3A_17, %get3A_18, %get3A_19] : memref<2x10240x128xf32, #tpu.memory_space<vmem>>, vector<1x10000x64xf32>
    %get3A_21 = vector.shape_cast %get3A_20 : vector<1x10000x64xf32> to vector<10000x64xf32>
    %add3A_22 = arith.addf %get3A_16, %get3A_21 : vector<10000x64xf32>
    %mul3A = vector.broadcast %rsqrt3A : vector<10000x1xf32> to vector<10000x64xf32>
    %mul3A_23 = arith.mulf %mul3A, %add3A_22 : vector<10000x64xf32>
    %mul3A_24 = arith.mulf %rsqrt3A, %rsqrt3A : vector<10000x1xf32>
    %get3A_25 = arith.constant 0 : index
    %get3A_26 = arith.constant 0 : index
    %get3A_27 = vector.load %arg2[%get3A_25, %get3A_26] : memref<10000x64xf32, #tpu.memory_space<vmem>>, vector<10000x64xf32>
    %mul3A_28 = vector.broadcast %mul3A_24 : vector<10000x1xf32> to vector<10000x64xf32>
    %mul3A_29 = arith.mulf %mul3A_28, %get3A_27 : vector<10000x64xf32>
    %add3A_30 = arith.addf %mul3A_23, %mul3A_29 : vector<10000x64xf32>
    %get3A_31 = arith.constant 0 : index
    %get3A_32 = arith.constant 0 : index
    %get3A_33 = vector.load %arg3[%get3A_31, %get3A_32] : memref<1x64xf32, #tpu.memory_space<vmem>>, vector<1x64xf32>
    %add3A_34 = vector.broadcast %get3A_33 : vector<1x64xf32> to vector<10000x64xf32>
    %add3A_35 = arith.addf %add3A_30, %add3A_34 : vector<10000x64xf32>
    %max3A = arith.constant 0.000000e+00 : f32
    %max3A_36 = vector.broadcast %max3A : f32 to vector<10000x64xf32>
    %max3A_37 = arith.maximumf %add3A_35, %max3A_36 : vector<10000x64xf32>
    %get3A_38 = arith.constant 0 : index
    %get3A_39 = arith.constant 0 : index
    %get3A_40 = vector.load %arg4[%get3A_38, %get3A_39] : memref<64x16xf32, #tpu.memory_space<vmem>>, vector<64x16xf32>
    %dot_general3A = arith.constant dense<0.000000e+00> : vector<10000x16xf32>
    %dot_general3A_41 = tpu.matmul %max3A_37, %get3A_40, %dot_general3A {dimension_numbers = #tpu.dot_dimension_numbers<[1], [0], [0], [1], [0, 0, 1, 1], [], []>, transpose_lhs_hint = false} : vector<10000x64xf32>, vector<64x16xf32>, vector<10000x16xf32> -> vector<10000x16xf32>
    %swap3A = arith.constant 0 : index
    %swap3A_42 = arith.constant 0 : index
    %swap3A_43 = vector.load %arg5[%swap3A, %swap3A_42] : memref<10000x16xf32, #tpu.memory_space<vmem>>, vector<10000x16xf32>
    tpu.vector_store %arg5[%swap3A, %swap3A_42], %dot_general3A_41 {strides = array<i32>} : memref<10000x16xf32, #tpu.memory_space<vmem>>, vector<10000x16xf32>,
    %mul3A_44 = vector.broadcast %rsqrt3A : vector<10000x1xf32> to vector<10000x16xf32>
    %mul3A_45 = arith.mulf %mul3A_44, %dot_general3A_41 : vector<10000x16xf32>
    %swap3A_46 = arith.constant 0 : index
    %swap3A_47 = arith.constant 0 : index
    %swap3A_48 = vector.load %arg6[%swap3A_46, %swap3A_47] : memref<10000x128xf32, #tpu.memory_space<vmem>>, vector<10000x16xf32>
    tpu.vector_store %arg6[%swap3A_46, %swap3A_47], %mul3A_45 {strides = array<i32>} : memref<10000x128xf32, #tpu.memory_space<vmem>>, vector<10000x16xf32>,
    return
  }
}

module attributes {stable_mosaic.version = 14 : i64} {
  func.func @_out_body(%arg0: memref<2x10240x16xf32, #tpu.memory_space<vmem>>, %arg1: memref<2x10240x128xf32, #tpu.memory_space<vmem>>, %arg2: memref<10000x16xf32, #tpu.memory_space<vmem>>, %arg3: memref<1x16xf32, #tpu.memory_space<vmem>>, %arg4: memref<10000x16xf32, #tpu.memory_space<vmem>>) attributes {dimension_semantics = [], scalar_prefetch = 0 : i64, scratch_operands = 0 : i64, tpu.core_type = #tpu.core_type<tc>} {
    %get3A = arith.constant 0 : index
    %get3A_0 = arith.constant 0 : index
    %get3A_1 = arith.constant 0 : index
    %get3A_2 = vector.load %arg0[%get3A, %get3A_0, %get3A_1] : memref<2x10240x16xf32, #tpu.memory_space<vmem>>, vector<1x10000x1xf32>
    %get3A_3 = vector.shape_cast %get3A_2 : vector<1x10000x1xf32> to vector<10000x1xf32>
    %get3A_4 = arith.constant 1 : index
    %get3A_5 = arith.constant 0 : index
    %get3A_6 = arith.constant 0 : index
    %get3A_7 = vector.load %arg0[%get3A_4, %get3A_5, %get3A_6] : memref<2x10240x16xf32, #tpu.memory_space<vmem>>, vector<1x10000x1xf32>
    %get3A_8 = vector.shape_cast %get3A_7 : vector<1x10000x1xf32> to vector<10000x1xf32>
    %add3A = arith.addf %get3A_3, %get3A_8 : vector<10000x1xf32>
    %add3A_9 = arith.constant 1.000000e+00 : f32
    %add3A_10 = vector.broadcast %add3A_9 : f32 to vector<10000x1xf32>
    %add3A_11 = arith.addf %add3A, %add3A_10 : vector<10000x1xf32>
    %rsqrt3A = math.rsqrt %add3A_11 : vector<10000x1xf32>
    %get3A_12 = arith.constant 0 : index
    %get3A_13 = arith.constant 0 : index
    %get3A_14 = arith.constant 0 : index
    %get3A_15 = vector.load %arg1[%get3A_12, %get3A_13, %get3A_14] : memref<2x10240x128xf32, #tpu.memory_space<vmem>>, vector<1x10000x16xf32>
    %get3A_16 = vector.shape_cast %get3A_15 : vector<1x10000x16xf32> to vector<10000x16xf32>
    %get3A_17 = arith.constant 1 : index
    %get3A_18 = arith.constant 0 : index
    %get3A_19 = arith.constant 0 : index
    %get3A_20 = vector.load %arg1[%get3A_17, %get3A_18, %get3A_19] : memref<2x10240x128xf32, #tpu.memory_space<vmem>>, vector<1x10000x16xf32>
    %get3A_21 = vector.shape_cast %get3A_20 : vector<1x10000x16xf32> to vector<10000x16xf32>
    %add3A_22 = arith.addf %get3A_16, %get3A_21 : vector<10000x16xf32>
    %mul3A = vector.broadcast %rsqrt3A : vector<10000x1xf32> to vector<10000x16xf32>
    %mul3A_23 = arith.mulf %mul3A, %add3A_22 : vector<10000x16xf32>
    %mul3A_24 = arith.mulf %rsqrt3A, %rsqrt3A : vector<10000x1xf32>
    %get3A_25 = arith.constant 0 : index
    %get3A_26 = arith.constant 0 : index
    %get3A_27 = vector.load %arg2[%get3A_25, %get3A_26] : memref<10000x16xf32, #tpu.memory_space<vmem>>, vector<10000x16xf32>
    %mul3A_28 = vector.broadcast %mul3A_24 : vector<10000x1xf32> to vector<10000x16xf32>
    %mul3A_29 = arith.mulf %mul3A_28, %get3A_27 : vector<10000x16xf32>
    %add3A_30 = arith.addf %mul3A_23, %mul3A_29 : vector<10000x16xf32>
    %get3A_31 = arith.constant 0 : index
    %get3A_32 = arith.constant 0 : index
    %get3A_33 = vector.load %arg3[%get3A_31, %get3A_32] : memref<1x16xf32, #tpu.memory_space<vmem>>, vector<1x16xf32>
    %add3A_34 = vector.broadcast %get3A_33 : vector<1x16xf32> to vector<10000x16xf32>
    %add3A_35 = arith.addf %add3A_30, %add3A_34 : vector<10000x16xf32>
    %swap3A = arith.constant 0 : index
    %swap3A_36 = arith.constant 0 : index
    %swap3A_37 = vector.load %arg4[%swap3A, %swap3A_36] : memref<10000x16xf32, #tpu.memory_space<vmem>>, vector<10000x16xf32>
    tpu.vector_store %arg4[%swap3A, %swap3A_36], %add3A_35 {strides = array<i32>} : memref<10000x16xf32, #tpu.memory_space<vmem>>, vector<10000x16xf32>,
    return
  }
}

</mosaic_0001>

<sc_bundles>
// kernel: kernel.12.cloned.1.call-start
scs
__scs_entry_jumppad:
0x0: {  	(pc) =	sbr.rel $0x88, $3  }
0x1: {  	(tag) =	ssettag $0x0;
	lr =	simm.s32 $0x1  }
0x2: {  	[smem:$0x3F9B] =	sst lr;
	_ =	strace $0xD0000000  }
0x3: {  	_ = 	snop  }
0x4: {  	_ = 	snop  }
0x5: {  	_ = 	snop  }
0x6: {  	_ = 	snop  }
0x7: {  	_ = 	snop  }
__scs_overlays_trampoline_lowered:
0x8: {  	[smem:$0x3FAA] =	sst s0  }
0x9: {  	[smem:$0x3FAB] =	sst s1  }
0xa: {  	[smem:$0x3FAC] =	sst s2  }
0xb: {  	[smem:$0x3FAD] =	sst s3  }
0xc: {  	[smem:$0x3FAE] =	sst s4  }
0xd: {  	[smem:$0x3FAF] =	sst s5  }
0xe: {  	[smem:$0x3FB0] =	sst s6  }
0xf: {  	[smem:$0x3FB1] =	sst s7  }
0x10: {  	[smem:$0x3FB2] =	sst s8  }
0x11: {  	[smem:$0x3FB3] =	sst s9;
	s0 =	simm.s32 @!p0 $0x0  }
0x12: {  	s1 =	sld [smem:$0x3F99];
	s0 =	simm.s32 @p0 $0x1  }
0x13: {  	[smem:$0x3FB4] =	sst s0;
	s0 =	simm.s32 @!p1 $0x0  }
0x14: {  	s2 =	sld [smem:$0x3F98];
	s0 =	simm.s32 @p1 $0x1  }
0x15: {  	[smem:$0x3FB5] =	sst s0;
	s0 =	simm.s32 @!p2 $0x0  }
0x16: {  	s3 =	sld [smem:$0x3FDB];
	s0 =	simm.s32 @p2 $0x1  }
0x17: {  	s4 =	simm.s32 $0x1BF5;
	[smem:$0x3FB7] =	sst s0  }
0x18: {  	s0 =	sld [smem:$0x3F9A];
	_ =	swait.ge [sflag:s4], $0x0  }
0x19: {  	s7 =	sld [smem:$0x3F9B]  }
0x1a: {  	s8 =	sadd.s32 $0xFFFFE003, lr  }
0x1b: {  	s9 =	sadd.s32 $0xFFFFFEF7, lr;
	s5 =	simm.s32 $0xFFFFFFFF;
	p2 =	slt.u32 s8, $0xFFFFF086  }
0x1c: {  	p1 =	slt.u32 s9, $0xF7A;
	s5 =	simm.s32 @!p2 $0x0  }
0x1d: {  	s5 =	simm.s32 @p1 $0x1;
	p0 =	seq.s32 s7, s2  }
0x1e: {  	s7 =	smul.u32 @!p0 $0xF7A, s2;
	p2 =	seq.s32 @!p0 s5, $0x0  }
0x1f: {  	s9 =	smul.u32 $0xF7A, s1;
	s8 =	simm.s32 @!p0 $0x1BF5;
	p2 =	por !p2, p0  }
0x20: {  	[sflag:s8] =	ssyncset.s32 @!p0 $0xFFFFF086;
	s6 =	sadd.s32 @!p0 s3, s7;
	s7 =	simm.s32 @!p0 $0x108  }
0x21: {  	s3 =	sadd.s32 s3, s9;
	s6 =	sadd.s32 @!p0 $0x88, s6;
	s7 =	simm.s32 @p2 $0x1082  }
0x22: {  	[simem:s7], [sflag:s8] =	dma.local @!p0 [hbm:s6], $0xF7A  }
0x23: {  	s9 =	sor.u32 $0xD0000000, s2;
	s6 =	simm.s32 $0x108;
	_ =	swait.ge @!p0 [sflag:s8], $0x0  }
0x24: {  	s3 =	sadd.s32 $0x88, s3;
	s6 =	simm.s32 @!p1 $0x1082;
	[sflag:s4] =	ssyncset.s32 $0xFFFFF086  }
0x25: {  	[simem:s6], [sflag:s4] =	dma.local [hbm:s3], $0xF7A  }
0x26: {  	[smem:$0x3F9B] =	sst s1;
	(tag) =	ssettag s2;
	_ =	strace s9  }
0x27: {  	s1 =	sld [smem:$0x3FAB]  }
0x28: {  	s2 =	sld [smem:$0x3FAC]  }
0x29: {  	s4 =	sld [smem:$0x3FAE]  }
0x2a: {  	p0 =	seq.s32 s5, $0x0;
	s5 =	sld [smem:$0x3FAF]  }
0x2b: {  	s6 =	sld [smem:$0x3FB0]  }
0x2c: {  	s7 =	sld [smem:$0x3FB1]  }
0x2d: {  	s3 =	simm.s32 $0x108;
	s8 =	sld [smem:$0x3FB2]  }
0x2e: {  	s3 =	simm.s32 @!p0 $0x1082;
	s9 =	sld [smem:$0x3FB3]  }
0x2f: {  	lr =	sadd.s32 s0, s3;
	s0 =	sld [smem:$0x3FAA]  }
0x30: {  	s3 =	sld [smem:$0x3FAD]  }
0x31: {  	[smem:$0x3FB6] =	sst s10  }
0x32: {  	s10 =	sld [smem:$0x3FB4];
	_ =	sdelay $0x3  }
0x33: {  	p0 =	seq.s32 s10, $0x1;
	s10 =	sld [smem:$0x3FB6];
	_ =	sdelay $0x3  }
0x34: {  	[smem:$0x3FB6] =	sst s10  }
0x35: {  	s10 =	sld [smem:$0x3FB5];
	_ =	sdelay $0x3  }
0x36: {  	p1 =	seq.s32 s10, $0x1;
	s10 =	sld [smem:$0x3FB6];
	_ =	sdelay $0x3  }
0x37: {  	[smem:$0x3FB6] =	sst s10  }
0x38: {  	s10 =	sld [smem:$0x3FB7]  }
0x39: {  	_ = 	snop;
	(pc) =	sbr.ind lr, $3  }
0x3a: {  	_ = 	snop  }
0x3b: {  	_ = 	snop  }
0x3c: {  	p2 =	seq.s32 s10, $0x1;
	s10 =	sld [smem:$0x3FB6]  }
0x3d: {  	_ =	shalt  }
0x3e: {  	_ =	shalt  }
0x3f: {  	_ =	shalt  }
0x40: {  	_ =	shalt  }
0x41: {  	_ =	shalt  }
0x42: {  	_ =	shalt  }
0x43: {  	_ =	shalt  }
0x44: {  	_ =	shalt  }
0x45: {  	_ =	shalt  }
0x46: {  	_ =	shalt  }
0x47: {  	_ =	shalt  }
0x48: {  	_ =	shalt  }
0x49: {  	_ =	shalt  }
0x4a: {  	_ =	shalt  }
0x4b: {  	_ =	shalt  }
0x4c: {  	_ =	shalt  }
0x4d: {  	_ =	shalt  }
0x4e: {  	_ =	shalt  }
0x4f: {  	_ =	shalt  }
0x50: {  	_ =	shalt  }
0x51: {  	_ =	shalt  }
0x52: {  	_ =	shalt  }
0x53: {  	_ =	shalt  }
0x54: {  	_ =	shalt  }
0x55: {  	_ =	shalt  }
0x56: {  	_ =	shalt  }
0x57: {  	_ =	shalt  }
0x58: {  	_ =	shalt  }
0x59: {  	_ =	shalt  }
0x5a: {  	_ =	shalt  }
0x5b: {  	_ =	shalt  }
0x5c: {  	_ =	shalt  }
0x5d: {  	_ =	shalt  }
0x5e: {  	_ =	shalt  }
0x5f: {  	_ =	shalt  }
0x60: {  	_ =	shalt  }
0x61: {  	_ =	shalt  }
0x62: {  	_ =	shalt  }
0x63: {  	_ =	shalt  }
0x64: {  	_ =	shalt  }
0x65: {  	_ =	shalt  }
0x66: {  	_ =	shalt  }
0x67: {  	_ =	shalt  }
0x68: {  	_ =	shalt  }
0x69: {  	_ =	shalt  }
0x6a: {  	_ =	shalt  }
0x6b: {  	_ =	shalt  }
0x6c: {  	_ =	shalt  }
0x6d: {  	_ =	shalt  }
0x6e: {  	_ =	shalt  }
0x6f: {  	_ =	shalt  }
0x70: {  	_ =	shalt  }
0x71: {  	_ =	shalt  }
0x72: {  	_ =	shalt  }
0x73: {  	_ =	shalt  }
0x74: {  	_ =	shalt  }
0x75: {  	_ =	shalt  }
0x76: {  	_ =	shalt  }
0x77: {  	_ =	shalt  }
0x78: {  	_ =	shalt  }
0x79: {  	_ =	shalt  }
0x7a: {  	_ =	shalt  }
0x7b: {  	_ =	shalt  }
0x7c: {  	_ =	shalt  }
0x7d: {  	_ =	shalt  }
0x7e: {  	_ =	shalt  }
0x7f: {  	_ =	shalt  }
0x80: {  	_ =	shalt  }
0x81: {  	_ =	shalt  }
0x82: {  	_ =	shalt  }
0x83: {  	_ =	shalt  }
0x84: {  	_ =	shalt  }
0x85: {  	_ =	shalt  }
0x86: {  	_ =	shalt  }
0x87: {  	_ =	shalt  }
.Lfunc_end0:
.L_simem_size_0:
called_computation.1_lowered:
.L_overlay_start_0:
0x88: {  	s2 =	sld [smem:$0x3FD9]  }
0x89: {  	s3 =	sld [smem:$0x3FFE];
	_ =	sdelay $0x1  }
0x8a: {  	s1 =	srdreg.scid  }
0x8b: {  	s0 =	sand.u32 $0x1, s1  }
0x8c: {  	s16 =	sshll.u32 s0, $0xA;
	s2 =	sadd.s32 s3, s2  }
0x8d: {  	s2 =	sadd.s32 s2, s16  }
0x8e: {  	[smem:$0x3FC2] =	sst s2  }
0x8f: {  	_ = 	snop  }
0x90: {  	(tm) =	ssettm $0x1  }
0x91: {  	s17 =	sld [smem:$0x3FFB];
	_ =	sdelay $0x3  }
0x92: {  	_ =	strace s17  }
0x93: {  	s2 =	sld [smem:$0x3FFC];
	_ =	sdelay $0x3  }
0x94: {  	_ =	strace s2  }
0x95: {  	s2 =	sld [smem:$0x3FFD];
	_ =	sdelay $0x3  }
0x96: {  	_ =	strace s2  }
0x97: {  	_ =	strace $0x8FFFFFFF  }
0x98: {  	s18 =	sld [smem:$0x3FDB];
	_ =	sdelay $0x1  }
0x99: {  	s19 =	simm.s32 $_scs_section_size  }
0x9a: {  	s4 =	simm.s32 $_size__tile_overlayer_lowered;
	s5 =	simm.s32 $_tile_overlayer_lowered  }
0x9b: {  	s22 =	simm.s32 $0x1BFF;
	s21 =	sshll.u32 s5, $0x1;
	s2 =	sadd.s32 s19, s18  }
0x9c: {  	s6 =	simm.s32 $0x0;
	s20 =	sshll.u32 s4, $0x1;
	s4 =	sadd.s32 s21, s2  }
0x9d: {  	[timem:s6], [sflag:s22] =	dma.local [hbm:s4], s20  }
0x9e: {  	_ =	swait.ge [sflag:s22], s20  }
0x9f: {  	s3 =	ssub.s32 $0x0, s20;
	[sflag:s22] =	ssyncset.done $0x0  }
0xa0: {  	[sflag:s22] =	ssyncadd.s32 s3;
	_ =	sdelay $0x1  }
0xa1: {  	s23 =	simm.s32 $0x1B8B  }
0xa2: {  	_ =	swait.ge [sflag:s23], $0x1  }
0xa3: {  	[sflag:s23] =	ssyncset.done $0x0  }
0xa4: {  	s25 =	simm.s32 $0x1B8E;
	s24 =	sld [smem:$0x3FFE];
	[sflag:s23] =	ssyncadd.s32 $0xFFFFFFFF  }
0xa5: {  	s26 =	simm.s32 $execute0_lowered;
	[smem:$0x3FD2] =	sst s25  }
0xa6: {  	s4 =	sshll.u32 s26, $0x1;
	_ =	strace $0x80000049;
	[dreg:$0x1] =	wrdreg $0xFFFFFFFF  }
0xa7: {  	s28 =	simm.s32 $_size_execute0_lowered;
	s2 =	sadd.s32 s2, s4;
	[dreg:$0x0] =	wrdreg $0x0  }
0xa8: {  	s4 =	sshll.u32 s28, $0x1;
	[dreg:$0x2] =	wrdreg s2  }
0xa9: {  	[dreg:$0x3] =	wrdreg s4  }
0xaa: {  	[dreg:$0x4] =	wrdreg $0xC0  }
0xab: {  	_ =	task [dreg:s6], $0x5FFFF  }
0xac: {  	[dreg:$0x1] =	wrdreg $0xFFFFFFFF  }
0xad: {  	[dreg:$0x0] =	wrdreg $0x60  }
0xae: {  	[dreg:$0x2] =	wrdreg s24  }
0xaf: {  	[dreg:$0x3] =	wrdreg $0xAA000  }
0xb0: {  	[dreg:$0x4] =	wrdreg $0x14A000  }
0xb1: {  	[dreg:$0x5] =	wrdreg $0x9  }
0xb2: {  	_ =	task.clear_ibuf [dreg:s6], $0x6FFFF;
	_ =	strace $0x90000049  }
0xb3: {  	s29 =	simm.s32 $0x9;
	_ =	strace $0x8000004B  }
0xb4: {  	_ =	swait.ge [sflag:s29], $0x1  }
0xb5: {  	[sflag:s29] =	ssyncadd.s32 $0xFFFFFFFF  }
0xb6: {  	_ =	strace $0x9000004B  }
0xb7: {  	_ =	sfence  }
0xb8: {  	s30 =	sld [smem:$0x0];
	_ =	sdelay $0x2  }
0xb9: {  	s31 =	sshll.u32 s1, $0xD;
	s1 =	sshrl.u32 s1, $0x2  }
0xba: {  	s3 =	sand.u32 $0x4000, s31;
	s1 =	sadd.s32 s1, s30  }
0xbb: {  	s0 =	sor.u32 s3, s0;
	s1 =	sshll.u32 s1, $0x11  }
0xbc: {  	s0 =	sor.u32 s1, s0  }
0xbd: {  	s0 =	sadd.s32 $0x8F2B, s0  }
0xbe: {  	[sflag:s0] =	ssyncadd.remote.s32 $0x1  }
0xbf: {  	_ =	sfence.sel $0xFFFF  }
0xc0: {  	[dreg:$0x0] =	wrdreg $0xFFFFFFFF;
	(pc) =	sbr.abs _section_cstart, $3  }
0xc1: {  	[dreg:$0x1] =	wrdreg $0xFFFFFFFF  }
0xc2: {  	_ =	task.clear_ibuf [dreg:s6], $0x2FFFF;
	_ =	strace $0x9FFFFFFF  }
0xc3: {  	(tm) =	ssettm $0x7FFFFFFF  }
tec
execute0_lowered:
.L_overlay_start_1:
0x0: {  	(tag) =	ssettag $0x1  }
0x1: {  	s0 =	rddreg [dreg:$0x0]  }
0x2: {  	s2 =	rddreg [dreg:$0x1];
	s13 =	stileid.u32  }
0x3: {  	s3 =	rddreg [dreg:$0x2];
	s5 =	smul.u32 $0x2710, s13  }
0x4: {  	s4 =	simm.s32 $0x0;
	s1 =	srdreg.scid;
	s25 =	smul.u32 $0x14000, s13  }
0x5: {  	s28 =	simm.s32 $0xA800;
	s29 =	simm.s32 $0x5;
	s10 =	smul.u32 $0x28000, s13  }
0x6: {  	s30 =	simm.s32 $0xA880;
	s31 =	simm.s32 $0x8800;
	s12 =	smul.u32 $0x27100, s13  }
0x7: {  	[smem:$0x7FF] =	sst s4;
	s1 =	sand.u32 $0x1, s1;
	s17 =	smul.u32 $0x2800, s13  }
0x8: {  	s9 =	sadd.s32 $0x3000, s0;
	_ =	strace $0x8000004A;
	s6 =	smul.u32 $0x140000, s1  }
0x9: {  	s8 =	sshll.u32 s1, $0x4;
	s26 =	ssub.s32 $0x2, s1;
	s1 =	smul.u32 $0x28000, s1  }
0xa: {  	s7 =	sadd.s32 s5, s0;
	s8 =	sor.u32 s13, s8;
	s11 =	sshrl.u32 s26, $0x1  }
0xb: {  	s10 =	sshrl.u32 s10, $0x2;
	s5 =	sadd.s32 s25, s6;
	s8 =	smul.u32 $0x2800, s8  }
0xc: {  	s6 =	ssub.s32 s26, s11;
	s11 =	sshrl.u32 s12, $0x2;
	s7 =	sadd.s32 $0x67000, s7  }
0xd: {  	s22 =	sadd.s32 s17, s1;
	s5 =	sshrl.u32 s5, $0x3;
	s14 =	sadd.s32 s11, s3  }
0xe: {  	[dreg:$0x5] =	wrdreg s7;
	s18 =	smax.u32 s6, $0x1;
	s24 =	sadd.s32 $0x50300, s22  }
0xf: {  	s7 =	simm.s32 $0x2;
	s11 =	simm.s32 $0x4;
	s0 =	sadd.s32 s5, s0  }
0x10: {  	s5 =	sadd.s32 s10, s2;
	s8 =	sshrl.u32 s8, $0x3;
	[dreg:$0x8] =	wrdreg s18  }
0x11: {  	s1 =	sshrl.u32 s24, $0x3;
	s24 =	simm.s32 $0x10;
	s0 =	sadd.s32 $0x8E200, s0  }
0x12: {  	s10 =	simm.s32 $0x3;
	s19 =	sadd.s32 $0x2000, s5;
	[dreg:$0x7] =	wrdreg s0  }
0x13: {  	s12 =	sadd.s32 s9, s8;
	s20 =	sadd.s32 $0x4000, s5;
	[dreg:$0x9] =	wrdreg s19  }
0x14: {  	s21 =	sadd.s32 $0x6000, s5;
	s23 =	sadd.s32 $0x8000, s5;
	[dreg:$0xa] =	wrdreg s20  }
0x15: {  	s1 =	sadd.s32 s1, s9;
	s8 =	simm.s32 $0x6;
	[dreg:$0xb] =	wrdreg s21  }
0x16: {  	s16 =	sadd.s32 $0xA000, s12;
	[dreg:$0xc] =	wrdreg s23;
	s0 =	sadd.s32 $0x50400, s22  }
0x17: {  	s25 =	sadd.s32 $0xA020, s12;
	[dreg:$0x4] =	wrdreg s12;
	s26 =	sadd.s32 $0xA040, s12  }
0x18: {  	[dreg:$0xf] =	wrdreg s1;
	s19 =	simm.s32 $0x2800;
	s20 =	simm.s32 $0x7  }
.Ltmp0:
0x19: {  	s21 =	sshrl.u32 s14, $0x3;
	s22 =	simm.s32 $0x1;
	(pc) =	sbr.rel .LBB2_1-.Ltmp0, $4  }
0x1a: {  	s23 =	simm.s32 $0x8;
	s1 =	simm.s32 $0xA900;
	[dreg:$0x6] =	wrdreg s16  }
0x1b: {  	s12 =	simm.s32 $0x0;
	[dreg:$0xd] =	wrdreg s25;
	s0 =	sshrl.u32 s0, $0x3  }
0x1c: {  	[dreg:$0xe] =	wrdreg s26;
	s25 =	simm.s32 $0x80;
	s26 =	simm.s32 $0x4800  }
0x1d: {  	v0 =	vimm.f32 $0.0e+00;
	s15 =	sadd.s32 s0, s9;
	s0 =	simm.s32 $0x6800;
	s9 =	simm.s32 $0xA980  }
.LBB2_6:
0x1e: {  	_ =	swait.ge [sflag:s11], $0x2000  }
0x1f: {  	[sflag:s11] =	ssyncset.done $0x0  }
0x20: {  	[sflag:s11] =	ssyncadd.s32 $0xFFFFE000  }
0x21: {  	_ =	swait.ge [sflag:s11], $0x2000  }
0x22: {  	[sflag:s11] =	ssyncset.done $0x0  }
0x23: {  	[sflag:s11] =	ssyncadd.s32 $0xFFFFE000  }
0x24: {  	[bflag:$0x0] =	sbarrier.arrive $0xFFFF  }
0x25: {  	s6 =	sshrl.u32 s5, $0x3;
	s14 =	rddreg [dreg:$0x7]  }
0x26: {  	[hbm:s14@s24], [sflag:s13] =	dma.strided [spmem:s6@s23], $0x1400, s22, $0x8   }
0x27: {  	_ =	swait.ge [sflag:s20], $0x1400  }
0x28: {  	s12 =	sadd.s32 $0x1, s12;
	s18 =	rddreg [dreg:$0x8]  }
0x29: {  	p0 =	sne.s32 s12, s18  }
.Ltmp1:
0x2a: {  	_ = 	snop;
	(pc) =	sbr.rel @!p0 .LBB2_7-.Ltmp1, $3  }
0x2b: {  	_ =	sdelay $0x1  }
0x2c: {  	[sflag:s20] =	ssyncset.done $0x0  }
0x2d: {  	[sflag:s20] =	ssyncadd.s32 $0xFFFFEC00  }
.LBB2_1:
0x2e: {  	s13 =	simm.s32 $0x100;
	s6 =	simm.s32 $0x0  }
.LBB2_2:
0x2f: {  	p0 =	sne.s32 s13, $0x7F00;
	[tilespmem:s6+$0x2830] =	vst v0;
	s14 =	smov.u32 s13;
	s13 =	sadd.s32 $0x100, s13  }
.Ltmp2:
0x30: {  	[tilespmem:s6+$0x2820] =	vst v0;
	(pc) =	sbr.rel @p0 .LBB2_2-.Ltmp2, $3  }
0x31: {  	[tilespmem:s6+$0x2800] =	vst v0  }
0x32: {  	[tilespmem:s6+$0x2810] =	vst v0;
	_ =	sdelay $0x1  }
0x33: {  	s6 =	sshra.s32 s14, $0x2  }
0x34: {  	[tilespmem:s6+$0x2830] =	vst v0  }
0x35: {  	[tilespmem:s6+$0x2820] =	vst v0  }
0x36: {  	[tilespmem:s6+$0x2800] =	vst v0  }
0x37: {  	[tilespmem:s6+$0x2810] =	vst v0  }
0x38: {  	[spmem:s5] =	stream.linear.scatter [tilespmem:s19], [sflag:$0x7], $0x2000, $0x38;
	[tilespmem:$0x1E680] =	vst v63  }
0x39: {  	_ =	swait.ge [sflag:s20], $0x2000  }
0x3a: {  	[sflag:s20] =	ssyncset.done $0x0  }
0x3b: {  	s14 =	rddreg [dreg:$0x9];
	[sflag:s20] =	ssyncadd.s32 $0xFFFFE000  }
0x3c: {  	[spmem:s14] =	stream.linear.scatter [tilespmem:s19], [sflag:$0x7], $0x2000, $0x38;
	[tilespmem:$0x1E680] =	vst v63  }
0x3d: {  	_ =	swait.ge [sflag:s20], $0x2000  }
0x3e: {  	[sflag:s20] =	ssyncset.done $0x0  }
0x3f: {  	s16 =	rddreg [dreg:$0xa];
	[sflag:s20] =	ssyncadd.s32 $0xFFFFE000  }
0x40: {  	[spmem:s16] =	stream.linear.scatter [tilespmem:s19], [sflag:$0x7], $0x2000, $0x38;
	[tilespmem:$0x1E680] =	vst v63  }
0x41: {  	_ =	swait.ge [sflag:s20], $0x2000  }
0x42: {  	[sflag:s20] =	ssyncset.done $0x0  }
0x43: {  	s17 =	rddreg [dreg:$0xb];
	[sflag:s20] =	ssyncadd.s32 $0xFFFFE000  }
0x44: {  	[spmem:s17] =	stream.linear.scatter [tilespmem:s19], [sflag:$0x7], $0x2000, $0x38;
	[tilespmem:$0x1E680] =	vst v63  }
0x45: {  	_ =	swait.ge [sflag:s20], $0x2000  }
0x46: {  	[sflag:s20] =	ssyncset.done $0x0  }
0x47: {  	s18 =	rddreg [dreg:$0xc];
	[sflag:s20] =	ssyncadd.s32 $0xFFFFE000  }
0x48: {  	[spmem:s18] =	stream.linear.scatter [tilespmem:s19], [sflag:$0x7], $0x2000, $0x38;
	[tilespmem:$0x1E680] =	vst v63  }
0x49: {  	_ =	swait.ge [sflag:s20], $0x2000  }
0x4a: {  	[sflag:s20] =	ssyncset.done $0x0  }
0x4b: {  	s14 =	simm.s32 $0x0;
	s13 =	rddreg [dreg:$0x4];
	[sflag:s20] =	ssyncadd.s32 $0xFFFFE000  }
0x4c: {  	[tilespmem:s14], [sflag:$0x7] =	stream.linear.gather [hbm4b:s13+s14], $0x2800, $0x38;
	[tilespmem:$0x1E680] =	vst v63  }
0x4d: {  	s16 =	stileid.u32;
	_ =	swait.ge [sflag:s20], $0x2800  }
0x4e: {  	s6 =	sshll.u32 s16, $0x6;
	[sflag:s20] =	ssyncset.done $0x0  }
0x4f: {  	s13 =	sor.u32 $0x1C07, s6;
	s17 =	rddreg [dreg:$0x5];
	[sflag:s20] =	ssyncadd.s32 $0xFFFFD800  }
0x50: {  	[spmem:s21@s23], [sflag:s13] =	dma.strided [hbm:s17@s24], $0x1388, s22, $0x8   }
0x51: {  	_ =	swait.ge [sflag:s20], $0x1388  }
0x52: {  	[sflag:s20] =	ssyncset.done $0x0  }
0x53: {  	[sflag:s20] =	ssyncadd.s32 $0xFFFFEC78  }
0x54: {  	[bflag:$0x0] =	sbarrier.arrive $0xFFFF  }
0x55: {  	[tilespmem:s19], [sflag:$0x1] =	stream.indirect.gather [spmem:s3], $0x40, s14, s25, $0xb8;
	[tilespmem:$0x1E680] =	vst v63  }
0x56: {  	_ = 	snop  }
0x57: {  	[tilespmem:s26], [sflag:$0x1] =	stream.indirect.gather [spmem:s3], $0x40, s25, s25, $0xb8;
	[tilespmem:$0x1E680] =	vst v63  }
0x58: {  	s18 =	rddreg [dreg:$0x6]  }
0x59: {  	[tilespmem:s28], [sflag:$0x5] =	stream.linear.gather [hbm4b:s18+s14], $0x100, $0x38;
	[tilespmem:$0x1E680] =	vst v63  }
0x5a: {  	_ =	swait.ge [sflag:s22], $0x2000  }
0x5b: {  	[sflag:s22] =	ssyncset.done $0x0  }
0x5c: {  	[sflag:s22] =	ssyncadd.s32 $0xFFFFE000  }
0x5d: {  	_ =	swait.ge [sflag:s22], $0x2000  }
0x5e: {  	[sflag:s22] =	ssyncset.done $0x0  }
0x5f: {  	[sflag:s22] =	ssyncadd.s32 $0xFFFFE000  }
0x60: {  	_ =	swait.ge [sflag:s29], $0x100  }
0x61: {  	[sflag:s29] =	ssyncset.done $0x0  }
0x62: {  	[sflag:s29] =	ssyncadd.s32 $0xFFFFFF00  }
0x63: {  	[spmem:s2] =	stream.indirect.scatter.add.f32 [tilespmem:s19], [sflag:$0x3], $0x40, s28, s25, $0xb8;
	[tilespmem:$0x1E680] =	vst v63  }
0x64: {  	_ = 	snop  }
0x65: {  	[spmem:s2] =	stream.indirect.scatter.add.f32 [tilespmem:s26], [sflag:$0x3], $0x40, s30, s25, $0xb8;
	[tilespmem:$0x1E680] =	vst v63  }
0x66: {  	s16 =	simm.s32 $0x100  }
0x67: {  	[tilespmem:s0], [sflag:$0x2] =	stream.indirect.gather [spmem:s3], $0x40, s16, s25, $0xb8;
	[tilespmem:$0x1E680] =	vst v63  }
0x68: {  	s17 =	simm.s32 $0x180  }
0x69: {  	[tilespmem:s31], [sflag:$0x2] =	stream.indirect.gather [spmem:s3], $0x40, s17, s25, $0xb8;
	[tilespmem:$0x1E680] =	vst v63  }
0x6a: {  	s18 =	rddreg [dreg:$0xd]  }
0x6b: {  	[tilespmem:s1], [sflag:$0x6] =	stream.linear.gather [hbm4b:s18+s14], $0x100, $0x38;
	[tilespmem:$0x1E680] =	vst v63  }
0x6c: {  	_ =	swait.ge [sflag:s7], $0x2000  }
0x6d: {  	[sflag:s7] =	ssyncset.done $0x0  }
0x6e: {  	[sflag:s7] =	ssyncadd.s32 $0xFFFFE000  }
0x6f: {  	_ =	swait.ge [sflag:s7], $0x2000  }
0x70: {  	[sflag:s7] =	ssyncset.done $0x0  }
0x71: {  	[sflag:s7] =	ssyncadd.s32 $0xFFFFE000  }
0x72: {  	_ =	swait.ge [sflag:s8], $0x100  }
0x73: {  	[sflag:s8] =	ssyncset.done $0x0  }
0x74: {  	[sflag:s8] =	ssyncadd.s32 $0xFFFFFF00  }
0x75: {  	[spmem:s2] =	stream.indirect.scatter.add.f32 [tilespmem:s0], [sflag:$0x4], $0x40, s1, s25, $0xb8;
	[tilespmem:$0x1E680] =	vst v63  }
0x76: {  	_ = 	snop  }
0x77: {  	[spmem:s2] =	stream.indirect.scatter.add.f32 [tilespmem:s31], [sflag:$0x4], $0x40, s9, s25, $0xb8;
	[tilespmem:$0x1E680] =	vst v63  }
0x78: {  	_ =	swait.ge [sflag:s10], $0x2000  }
0x79: {  	[sflag:s10] =	ssyncset.done $0x0  }
0x7a: {  	[sflag:s10] =	ssyncadd.s32 $0xFFFFE000  }
0x7b: {  	_ =	swait.ge [sflag:s10], $0x2000  }
0x7c: {  	[sflag:s10] =	ssyncset.done $0x0  }
0x7d: {  	s16 =	simm.s32 $0x200;
	[sflag:s10] =	ssyncadd.s32 $0xFFFFE000  }
0x7e: {  	[tilespmem:s19], [sflag:$0x1] =	stream.indirect.gather [spmem:s3], $0x40, s16, s25, $0xb8;
	[tilespmem:$0x1E680] =	vst v63  }
0x7f: {  	s17 =	simm.s32 $0x280  }
0x80: {  	[tilespmem:s26], [sflag:$0x1] =	stream.indirect.gather [spmem:s3], $0x40, s17, s25, $0xb8;
	[tilespmem:$0x1E680] =	vst v63  }
0x81: {  	s18 =	rddreg [dreg:$0xe]  }
0x82: {  	[tilespmem:s28], [sflag:$0x5] =	stream.linear.gather [hbm4b:s18+s14], $0x100, $0x38;
	[tilespmem:$0x1E680] =	vst v63  }
0x83: {  	s17 =	rddreg [dreg:$0xf];
	s18 =	smov.u32 s15  }
.LBB2_4:
0x84: {  	_ =	swait.ge [sflag:s22], $0x2000  }
0x85: {  	[sflag:s22] =	ssyncset.done $0x0  }
0x86: {  	[sflag:s22] =	ssyncadd.s32 $0xFFFFE000  }
0x87: {  	_ =	swait.ge [sflag:s22], $0x2000  }
0x88: {  	[sflag:s22] =	ssyncset.done $0x0  }
0x89: {  	[sflag:s22] =	ssyncadd.s32 $0xFFFFE000  }
0x8a: {  	_ =	swait.ge [sflag:s29], $0x100  }
0x8b: {  	[sflag:s29] =	ssyncset.done $0x0  }
0x8c: {  	[sflag:s29] =	ssyncadd.s32 $0xFFFFFF00  }
0x8d: {  	[spmem:s2] =	stream.indirect.scatter.add.f32 [tilespmem:s19], [sflag:$0x3], $0x40, s28, s25, $0xb8;
	[tilespmem:$0x1E680] =	vst v63  }
0x8e: {  	_ = 	snop  }
0x8f: {  	[spmem:s2] =	stream.indirect.scatter.add.f32 [tilespmem:s26], [sflag:$0x3], $0x40, s30, s25, $0xb8;
	[tilespmem:$0x1E680] =	vst v63  }
0x90: {  	_ =	swait.ge [sflag:s11], $0x2000  }
0x91: {  	[sflag:s11] =	ssyncset.done $0x0  }
0x92: {  	[sflag:s11] =	ssyncadd.s32 $0xFFFFE000  }
0x93: {  	_ =	swait.ge [sflag:s11], $0x2000  }
0x94: {  	s6 =	sshra.s32 s14, $0x2;
	[sflag:s11] =	ssyncset.done $0x0  }
0x95: {  	s16 =	sadd.s32 $0x300, s6;
	[sflag:s11] =	ssyncadd.s32 $0xFFFFE000  }
0x96: {  	[tilespmem:s0], [sflag:$0x2] =	stream.indirect.gather [spmem:s3], $0x40, s16, s25, $0xb8;
	[tilespmem:$0x1E680] =	vst v63  }
0x97: {  	s16 =	sadd.s32 $0x380, s6  }
0x98: {  	[tilespmem:s31], [sflag:$0x2] =	stream.indirect.gather [spmem:s3], $0x40, s16, s25, $0xb8;
	[tilespmem:$0x1E680] =	vst v63  }
0x99: {  	_ = 	snop  }
0x9a: {  	[tilespmem:s1], [sflag:$0x6] =	stream.linear.gather [hbm4b:s17+s4], $0x100, $0x38;
	[tilespmem:$0x1E680] =	vst v63  }
0x9b: {  	_ =	swait.ge [sflag:s7], $0x2000  }
0x9c: {  	[sflag:s7] =	ssyncset.done $0x0  }
0x9d: {  	[sflag:s7] =	ssyncadd.s32 $0xFFFFE000  }
0x9e: {  	_ =	swait.ge [sflag:s7], $0x2000  }
0x9f: {  	[sflag:s7] =	ssyncset.done $0x0  }
0xa0: {  	[sflag:s7] =	ssyncadd.s32 $0xFFFFE000  }
0xa1: {  	_ =	swait.ge [sflag:s8], $0x100  }
0xa2: {  	[sflag:s8] =	ssyncset.done $0x0  }
0xa3: {  	[sflag:s8] =	ssyncadd.s32 $0xFFFFFF00  }
0xa4: {  	[spmem:s2] =	stream.indirect.scatter.add.f32 [tilespmem:s0], [sflag:$0x4], $0x40, s1, s25, $0xb8;
	[tilespmem:$0x1E680] =	vst v63  }
0xa5: {  	_ = 	snop  }
0xa6: {  	[spmem:s2] =	stream.indirect.scatter.add.f32 [tilespmem:s31], [sflag:$0x4], $0x40, s9, s25, $0xb8;
	[tilespmem:$0x1E680] =	vst v63  }
0xa7: {  	p0 =	seq.s32 s14, $0x9000;
	_ =	swait.ge [sflag:s10], $0x2000  }
.Ltmp3:
0xa8: {  	[sflag:s10] =	ssyncset.done $0x0;
	(pc) =	sbr.rel @p0 .LBB2_6-.Ltmp3, $4  }
0xa9: {  	[sflag:s10] =	ssyncadd.s32 $0xFFFFE000  }
0xaa: {  	_ =	swait.ge [sflag:s10], $0x2000  }
0xab: {  	[sflag:s10] =	ssyncset.done $0x0  }
0xac: {  	[sflag:s10] =	ssyncadd.s32 $0xFFFFE000  }
0xad: {  	s16 =	sadd.s32 $0x400, s6  }
0xae: {  	[tilespmem:s19], [sflag:$0x1] =	stream.indirect.gather [spmem:s3], $0x40, s16, s25, $0xb8;
	[tilespmem:$0x1E680] =	vst v63  }
.Ltmp4:
0xaf: {  	s16 =	sadd.s32 $0x480, s6;
	(pc) =	sbr.rel .LBB2_4-.Ltmp4, $4  }
0xb0: {  	[tilespmem:s26], [sflag:$0x1] =	stream.indirect.gather [spmem:s3], $0x40, s16, s25, $0xb8;
	[tilespmem:$0x1E680] =	vst v63  }
0xb1: {  	_ = 	snop  }
0xb2: {  	[tilespmem:s28], [sflag:$0x5] =	stream.linear.gather [hbm4b:s18+s4], $0x100, $0x38;
	[tilespmem:$0x1E680] =	vst v63  }
0xb3: {  	s14 =	sadd.s32 $0x800, s14;
	s17 =	sadd.s32 $0x40, s17;
	s18 =	sadd.s32 $0x40, s18  }
.LBB2_7:
0xb4: {  	_ =	sfence.sel $0x180000  }
0xb5: {  	[bflag:$0x0] =	sbarrier.arrive $0xFFFF  }
0xb6: {  	_ =	strace $0x9000004A  }
0xb7: {  	s0 =	stileid.u32;
	[bflag:$0x2] =	sbarrier.arrive $0xFFFF  }
0xb8: {  	p0 =	sne.s32 s0, $0x0;
	s0 =	rddreg [dreg:$0x3]  }
0xb9: {  	s0 =	sadd.s32 @!p0 $0x100000, s0  }
0xba: {  	[sflag:s0] =	ssyncadd.tile.s32 @!p0 $0x1;
	_ =	shalt  }
.Lfunc_end2:
_tile_overlayer_lowered:
.L_overlay_start_2:
0xbb: {  	(tag) =	ssettag $0x2  }
0xbc: {  	s0 =	rddreg [dreg:$0x0];
	s2 =	stileid.u32  }
0xbd: {  	s1 =	rddreg [dreg:$0x1];
	p0 =	sne.s32 s2, $0x0  }
0xbe: {  	s3 =	rddreg [dreg:$0x2];
	[bflag:$0x3] =	sbarrier.arrive $0xFFFF;
	s2 =	simm.s32 @!p0 $0x1C07  }
0xbf: {  	[timem:s3], [sflag:s2] =	dma.local @!p0 [hbm:s0], s1  }
0xc0: {  	s0 =	simm.s32 @!p0 $0x7  }
0xc1: {  	_ =	swait.ge @!p0 [sflag:s0], s1  }
0xc2: {  	s1 =	ssub.s32 @!p0 $0x0, s1;
	[sflag:s0] =	ssyncset.done @!p0 $0x0  }
0xc3: {  	[sflag:s0] =	ssyncadd.s32 @!p0 s1  }
0xc4: {  	[bflag:$0x3] =	sbarrier.arrive $0xFFFF  }
0xc5: {  	_ =	shalt  }

// kernel: kernel.15.cloned.1.call-start
scs
__scs_entry_jumppad:
0x0: {  	(pc) =	sbr.rel $0x88, $3  }
0x1: {  	(tag) =	ssettag $0x0;
	lr =	simm.s32 $0x1  }
0x2: {  	[smem:$0x3F9B] =	sst lr;
	_ =	strace $0xD0000000  }
0x3: {  	_ = 	snop  }
0x4: {  	_ = 	snop  }
0x5: {  	_ = 	snop  }
0x6: {  	_ = 	snop  }
0x7: {  	_ = 	snop  }
__scs_overlays_trampoline_lowered:
0x8: {  	[smem:$0x3FAA] =	sst s0  }
0x9: {  	[smem:$0x3FAB] =	sst s1  }
0xa: {  	[smem:$0x3FAC] =	sst s2  }
0xb: {  	[smem:$0x3FAD] =	sst s3  }
0xc: {  	[smem:$0x3FAE] =	sst s4  }
0xd: {  	[smem:$0x3FAF] =	sst s5  }
0xe: {  	[smem:$0x3FB0] =	sst s6  }
0xf: {  	[smem:$0x3FB1] =	sst s7  }
0x10: {  	[smem:$0x3FB2] =	sst s8  }
0x11: {  	[smem:$0x3FB3] =	sst s9;
	s0 =	simm.s32 @!p0 $0x0  }
0x12: {  	s1 =	sld [smem:$0x3F99];
	s0 =	simm.s32 @p0 $0x1  }
0x13: {  	[smem:$0x3FB4] =	sst s0;
	s0 =	simm.s32 @!p1 $0x0  }
0x14: {  	s2 =	sld [smem:$0x3F98];
	s0 =	simm.s32 @p1 $0x1  }
0x15: {  	[smem:$0x3FB5] =	sst s0;
	s0 =	simm.s32 @!p2 $0x0  }
0x16: {  	s3 =	sld [smem:$0x3FDB];
	s0 =	simm.s32 @p2 $0x1  }
0x17: {  	s4 =	simm.s32 $0x1BF5;
	[smem:$0x3FB7] =	sst s0  }
0x18: {  	s0 =	sld [smem:$0x3F9A];
	_ =	swait.ge [sflag:s4], $0x0  }
0x19: {  	s7 =	sld [smem:$0x3F9B]  }
0x1a: {  	s8 =	sadd.s32 $0xFFFFE003, lr  }
0x1b: {  	s9 =	sadd.s32 $0xFFFFFEF7, lr;
	s5 =	simm.s32 $0xFFFFFFFF;
	p2 =	slt.u32 s8, $0xFFFFF086  }
0x1c: {  	p1 =	slt.u32 s9, $0xF7A;
	s5 =	simm.s32 @!p2 $0x0  }
0x1d: {  	s5 =	simm.s32 @p1 $0x1;
	p0 =	seq.s32 s7, s2  }
0x1e: {  	s7 =	smul.u32 @!p0 $0xF7A, s2;
	p2 =	seq.s32 @!p0 s5, $0x0  }
0x1f: {  	s9 =	smul.u32 $0xF7A, s1;
	s8 =	simm.s32 @!p0 $0x1BF5;
	p2 =	por !p2, p0  }
0x20: {  	[sflag:s8] =	ssyncset.s32 @!p0 $0xFFFFF086;
	s6 =	sadd.s32 @!p0 s3, s7;
	s7 =	simm.s32 @!p0 $0x108  }
0x21: {  	s3 =	sadd.s32 s3, s9;
	s6 =	sadd.s32 @!p0 $0x88, s6;
	s7 =	simm.s32 @p2 $0x1082  }
0x22: {  	[simem:s7], [sflag:s8] =	dma.local @!p0 [hbm:s6], $0xF7A  }
0x23: {  	s9 =	sor.u32 $0xD0000000, s2;
	s6 =	simm.s32 $0x108;
	_ =	swait.ge @!p0 [sflag:s8], $0x0  }
0x24: {  	s3 =	sadd.s32 $0x88, s3;
	s6 =	simm.s32 @!p1 $0x1082;
	[sflag:s4] =	ssyncset.s32 $0xFFFFF086  }
0x25: {  	[simem:s6], [sflag:s4] =	dma.local [hbm:s3], $0xF7A  }
0x26: {  	[smem:$0x3F9B] =	sst s1;
	(tag) =	ssettag s2;
	_ =	strace s9  }
0x27: {  	s1 =	sld [smem:$0x3FAB]  }
0x28: {  	s2 =	sld [smem:$0x3FAC]  }
0x29: {  	s4 =	sld [smem:$0x3FAE]  }
0x2a: {  	p0 =	seq.s32 s5, $0x0;
	s5 =	sld [smem:$0x3FAF]  }
0x2b: {  	s6 =	sld [smem:$0x3FB0]  }
0x2c: {  	s7 =	sld [smem:$0x3FB1]  }
0x2d: {  	s3 =	simm.s32 $0x108;
	s8 =	sld [smem:$0x3FB2]  }
0x2e: {  	s3 =	simm.s32 @!p0 $0x1082;
	s9 =	sld [smem:$0x3FB3]  }
0x2f: {  	lr =	sadd.s32 s0, s3;
	s0 =	sld [smem:$0x3FAA]  }
0x30: {  	s3 =	sld [smem:$0x3FAD]  }
0x31: {  	[smem:$0x3FB6] =	sst s10  }
0x32: {  	s10 =	sld [smem:$0x3FB4];
	_ =	sdelay $0x3  }
0x33: {  	p0 =	seq.s32 s10, $0x1;
	s10 =	sld [smem:$0x3FB6];
	_ =	sdelay $0x3  }
0x34: {  	[smem:$0x3FB6] =	sst s10  }
0x35: {  	s10 =	sld [smem:$0x3FB5];
	_ =	sdelay $0x3  }
0x36: {  	p1 =	seq.s32 s10, $0x1;
	s10 =	sld [smem:$0x3FB6];
	_ =	sdelay $0x3  }
0x37: {  	[smem:$0x3FB6] =	sst s10  }
0x38: {  	s10 =	sld [smem:$0x3FB7]  }
0x39: {  	_ = 	snop;
	(pc) =	sbr.ind lr, $3  }
0x3a: {  	_ = 	snop  }
0x3b: {  	_ = 	snop  }
0x3c: {  	p2 =	seq.s32 s10, $0x1;
	s10 =	sld [smem:$0x3FB6]  }
0x3d: {  	_ =	shalt  }
0x3e: {  	_ =	shalt  }
0x3f: {  	_ =	shalt  }
0x40: {  	_ =	shalt  }
0x41: {  	_ =	shalt  }
0x42: {  	_ =	shalt  }
0x43: {  	_ =	shalt  }
0x44: {  	_ =	shalt  }
0x45: {  	_ =	shalt  }
0x46: {  	_ =	shalt  }
0x47: {  	_ =	shalt  }
0x48: {  	_ =	shalt  }
0x49: {  	_ =	shalt  }
0x4a: {  	_ =	shalt  }
0x4b: {  	_ =	shalt  }
0x4c: {  	_ =	shalt  }
0x4d: {  	_ =	shalt  }
0x4e: {  	_ =	shalt  }
0x4f: {  	_ =	shalt  }
0x50: {  	_ =	shalt  }
0x51: {  	_ =	shalt  }
0x52: {  	_ =	shalt  }
0x53: {  	_ =	shalt  }
0x54: {  	_ =	shalt  }
0x55: {  	_ =	shalt  }
0x56: {  	_ =	shalt  }
0x57: {  	_ =	shalt  }
0x58: {  	_ =	shalt  }
0x59: {  	_ =	shalt  }
0x5a: {  	_ =	shalt  }
0x5b: {  	_ =	shalt  }
0x5c: {  	_ =	shalt  }
0x5d: {  	_ =	shalt  }
0x5e: {  	_ =	shalt  }
0x5f: {  	_ =	shalt  }
0x60: {  	_ =	shalt  }
0x61: {  	_ =	shalt  }
0x62: {  	_ =	shalt  }
0x63: {  	_ =	shalt  }
0x64: {  	_ =	shalt  }
0x65: {  	_ =	shalt  }
0x66: {  	_ =	shalt  }
0x67: {  	_ =	shalt  }
0x68: {  	_ =	shalt  }
0x69: {  	_ =	shalt  }
0x6a: {  	_ =	shalt  }
0x6b: {  	_ =	shalt  }
0x6c: {  	_ =	shalt  }
0x6d: {  	_ =	shalt  }
0x6e: {  	_ =	shalt  }
0x6f: {  	_ =	shalt  }
0x70: {  	_ =	shalt  }
0x71: {  	_ =	shalt  }
0x72: {  	_ =	shalt  }
0x73: {  	_ =	shalt  }
0x74: {  	_ =	shalt  }
0x75: {  	_ =	shalt  }
0x76: {  	_ =	shalt  }
0x77: {  	_ =	shalt  }
0x78: {  	_ =	shalt  }
0x79: {  	_ =	shalt  }
0x7a: {  	_ =	shalt  }
0x7b: {  	_ =	shalt  }
0x7c: {  	_ =	shalt  }
0x7d: {  	_ =	shalt  }
0x7e: {  	_ =	shalt  }
0x7f: {  	_ =	shalt  }
0x80: {  	_ =	shalt  }
0x81: {  	_ =	shalt  }
0x82: {  	_ =	shalt  }
0x83: {  	_ =	shalt  }
0x84: {  	_ =	shalt  }
0x85: {  	_ =	shalt  }
0x86: {  	_ =	shalt  }
0x87: {  	_ =	shalt  }
.Lfunc_end0:
.L_simem_size_0:
called_computation.2_lowered:
.L_overlay_start_0:
0x88: {  	s2 =	sld [smem:$0x3FD9]  }
0x89: {  	s3 =	sld [smem:$0x3FFE];
	_ =	sdelay $0x1  }
0x8a: {  	s1 =	srdreg.scid  }
0x8b: {  	s0 =	sand.u32 $0x1, s1  }
0x8c: {  	s16 =	sshll.u32 s0, $0xA;
	s2 =	sadd.s32 s3, s2  }
0x8d: {  	s2 =	sadd.s32 s2, s16  }
0x8e: {  	[smem:$0x3FC2] =	sst s2  }
0x8f: {  	_ = 	snop  }
0x90: {  	(tm) =	ssettm $0x1  }
0x91: {  	s17 =	sld [smem:$0x3FFB];
	_ =	sdelay $0x3  }
0x92: {  	_ =	strace s17  }
0x93: {  	s2 =	sld [smem:$0x3FFC];
	_ =	sdelay $0x3  }
0x94: {  	_ =	strace s2  }
0x95: {  	s2 =	sld [smem:$0x3FFD];
	_ =	sdelay $0x3  }
0x96: {  	_ =	strace s2  }
0x97: {  	_ =	strace $0x8FFFFFFF  }
0x98: {  	s18 =	sld [smem:$0x3FDB];
	_ =	sdelay $0x1  }
0x99: {  	s19 =	simm.s32 $_scs_section_size  }
0x9a: {  	s4 =	simm.s32 $_size__tile_overlayer_lowered;
	s5 =	simm.s32 $_tile_overlayer_lowered  }
0x9b: {  	s22 =	simm.s32 $0x1BFF;
	s21 =	sshll.u32 s5, $0x1;
	s2 =	sadd.s32 s19, s18  }
0x9c: {  	s6 =	simm.s32 $0x0;
	s20 =	sshll.u32 s4, $0x1;
	s4 =	sadd.s32 s21, s2  }
0x9d: {  	[timem:s6], [sflag:s22] =	dma.local [hbm:s4], s20  }
0x9e: {  	_ =	swait.ge [sflag:s22], s20  }
0x9f: {  	s3 =	ssub.s32 $0x0, s20;
	[sflag:s22] =	ssyncset.done $0x0  }
0xa0: {  	[sflag:s22] =	ssyncadd.s32 s3;
	_ =	sdelay $0x1  }
0xa1: {  	s23 =	simm.s32 $0x1B8B  }
0xa2: {  	_ =	swait.ge [sflag:s23], $0x1  }
0xa3: {  	[sflag:s23] =	ssyncset.done $0x0  }
0xa4: {  	s25 =	simm.s32 $0x1B8E;
	s24 =	sld [smem:$0x3FFE];
	[sflag:s23] =	ssyncadd.s32 $0xFFFFFFFF  }
0xa5: {  	s26 =	simm.s32 $execute0_lowered;
	[smem:$0x3FD2] =	sst s25  }
0xa6: {  	s4 =	sshll.u32 s26, $0x1;
	_ =	strace $0x8000004C;
	[dreg:$0x1] =	wrdreg $0xFFFFFFFF  }
0xa7: {  	s28 =	simm.s32 $_size_execute0_lowered;
	s2 =	sadd.s32 s2, s4;
	[dreg:$0x0] =	wrdreg $0x0  }
0xa8: {  	s4 =	sshll.u32 s28, $0x1;
	[dreg:$0x2] =	wrdreg s2  }
0xa9: {  	[dreg:$0x3] =	wrdreg s4  }
0xaa: {  	[dreg:$0x4] =	wrdreg $0xC0  }
0xab: {  	_ =	task [dreg:s6], $0x5FFFF  }
0xac: {  	[dreg:$0x1] =	wrdreg $0xFFFFFFFF  }
0xad: {  	[dreg:$0x0] =	wrdreg $0x60  }
0xae: {  	[dreg:$0x2] =	wrdreg s24  }
0xaf: {  	[dreg:$0x3] =	wrdreg $0xB0000  }
0xb0: {  	[dreg:$0x4] =	wrdreg $0xD8000  }
0xb1: {  	[dreg:$0x5] =	wrdreg $0x9  }
0xb2: {  	_ =	task.clear_ibuf [dreg:s6], $0x6FFFF;
	_ =	strace $0x9000004C  }
0xb3: {  	s29 =	simm.s32 $0x9;
	_ =	strace $0x8000004E  }
0xb4: {  	_ =	swait.ge [sflag:s29], $0x1  }
0xb5: {  	[sflag:s29] =	ssyncadd.s32 $0xFFFFFFFF  }
0xb6: {  	_ =	strace $0x9000004E  }
0xb7: {  	_ =	sfence  }
0xb8: {  	s30 =	sld [smem:$0x0];
	_ =	sdelay $0x2  }
0xb9: {  	s31 =	sshll.u32 s1, $0xD;
	s1 =	sshrl.u32 s1, $0x2  }
0xba: {  	s3 =	sand.u32 $0x4000, s31;
	s1 =	sadd.s32 s1, s30  }
0xbb: {  	s0 =	sor.u32 s3, s0;
	s1 =	sshll.u32 s1, $0x11  }
0xbc: {  	s0 =	sor.u32 s1, s0  }
0xbd: {  	s0 =	sadd.s32 $0x8F2B, s0  }
0xbe: {  	[sflag:s0] =	ssyncadd.remote.s32 $0x1  }
0xbf: {  	_ =	sfence.sel $0xFFFF  }
0xc0: {  	[dreg:$0x0] =	wrdreg $0xFFFFFFFF;
	(pc) =	sbr.abs _section_cstart, $3  }
0xc1: {  	[dreg:$0x1] =	wrdreg $0xFFFFFFFF  }
0xc2: {  	_ =	task.clear_ibuf [dreg:s6], $0x2FFFF;
	_ =	strace $0x9FFFFFFF  }
0xc3: {  	(tm) =	ssettm $0x7FFFFFFF  }
tec
execute0_lowered:
.L_overlay_start_1:
0x0: {  	(tag) =	ssettag $0x1  }
0x1: {  	s0 =	rddreg [dreg:$0x0]  }
0x2: {  	s2 =	rddreg [dreg:$0x1]  }
0x3: {  	s3 =	rddreg [dreg:$0x2];
	s4 =	stileid.u32  }
0x4: {  	s1 =	srdreg.scid;
	s5 =	smul.u32 $0x2710, s4  }
0x5: {  	s6 =	simm.s32 $0x0;
	s28 =	simm.s32 $0x3800;
	s7 =	smul.u32 $0x14000, s4  }
0x6: {  	s30 =	simm.s32 $0x4000;
	s31 =	simm.s32 $0x5800;
	s25 =	smul.u32 $0xA000, s4  }
0x7: {  	s29 =	simm.s32 $0x6000;
	s1 =	sand.u32 $0x1, s1;
	s12 =	smul.u32 $0x9C40, s4  }
0x8: {  	[smem:$0x7FF] =	sst s6;
	s8 =	sadd.s32 $0x3000, s0;
	s16 =	smul.u32 $0x2800, s4  }
0x9: {  	s23 =	smul.u32 $0x140000, s1;
	_ =	strace $0x8000004D;
	s9 =	sshll.u32 s1, $0x4  }
0xa: {  	s10 =	ssub.s32 $0x2, s1;
	s1 =	smul.u32 $0x28000, s1;
	s5 =	sadd.s32 s5, s0  }
0xb: {  	s24 =	sor.u32 s4, s9;
	s11 =	sshrl.u32 s10, $0x1;
	s9 =	sshrl.u32 s25, $0x2  }
0xc: {  	s13 =	sshrl.u32 s12, $0x2;
	s25 =	sshll.u32 s4, $0x6;
	s12 =	simm.s32 $0x3  }
0xd: {  	s6 =	sadd.s32 s7, s23;
	s7 =	smul.u32 $0x2800, s24;
	s26 =	ssub.s32 s10, s11  }
0xe: {  	s11 =	sadd.s32 s9, s2;
	s15 =	sadd.s32 s13, s3;
	s5 =	sadd.s32 $0x67000, s5  }
0xf: {  	s20 =	sadd.s32 s16, s1;
	s13 =	simm.s32 $0x7;
	[dreg:$0x6] =	wrdreg s5  }
0x10: {  	s25 =	sor.u32 $0x1C07, s25;
	s9 =	simm.s32 $0x6;
	[dreg:$0x4] =	wrdreg s11  }
0x11: {  	s16 =	simm.s32 $0x7800;
	s18 =	smax.u32 s26, $0x1;
	[dreg:$0x10] =	wrdreg s25  }
0x12: {  	s6 =	sshrl.u32 s6, $0x3;
	s19 =	sadd.s32 $0x800, s11;
	[dreg:$0x9] =	wrdreg s18  }
0x13: {  	s21 =	sadd.s32 $0x1000, s11;
	s22 =	sadd.s32 $0x50400, s20;
	[dreg:$0xa] =	wrdreg s19  }
0x14: {  	s23 =	sadd.s32 $0x1800, s11;
	s24 =	sadd.s32 $0x2000, s11;
	[dreg:$0xb] =	wrdreg s21  }
0x15: {  	s26 =	sshrl.u32 s15, $0x3;
	s15 =	simm.s32 $0x6800;
	[dreg:$0xc] =	wrdreg s23  }
0x16: {  	s5 =	simm.s32 $0x8800;
	s0 =	sadd.s32 s6, s0;
	[dreg:$0xd] =	wrdreg s24  }
0x17: {  	s7 =	sshrl.u32 s7, $0x3;
	s1 =	sshrl.u32 s22, $0x3;
	[dreg:$0x11] =	wrdreg s26  }
0x18: {  	s21 =	simm.s32 $0x1;
	s22 =	simm.s32 $0x2;
	s24 =	simm.s32 $0x80  }
0x19: {  	s26 =	simm.s32 $0x5000;
	s23 =	simm.s32 $0x7000;
	s19 =	simm.s32 $0x9000  }
0x1a: {  	s18 =	simm.s32 $0x9800;
	s14 =	sadd.s32 s8, s7;
	s0 =	sadd.s32 $0x8E200, s0  }
0x1b: {  	s1 =	sadd.s32 s1, s8;
	s7 =	simm.s32 $0x5;
	[dreg:$0x5] =	wrdreg s14  }
.Ltmp0:
0x1c: {  	s17 =	sadd.s32 $0xA000, s14;
	[dreg:$0x8] =	wrdreg s0;
	(pc) =	sbr.rel .LBB2_1-.Ltmp0, $4  }
0x1d: {  	s0 =	sadd.s32 $0x50800, s20;
	[dreg:$0xe] =	wrdreg s1;
	s1 =	simm.s32 $0xA800  }
0x1e: {  	s14 =	simm.s32 $0x2800;
	s20 =	simm.s32 $0x8000;
	s0 =	sshrl.u32 s0, $0x3  }
0x1f: {  	[dreg:$0x7] =	wrdreg s17;
	s17 =	simm.s32 $0x2800;
	s0 =	sadd.s32 s0, s8  }
0x20: {  	v0 =	vimm.f32 $0.0e+00;
	s8 =	simm.s32 $0xA000;
	[dreg:$0xf] =	wrdreg s0;
	s0 =	simm.s32 $0x0  }
.LBB2_6:
0x21: {  	s0 =	simm.s32 $0x4  }
0x22: {  	_ =	swait.ge [sflag:s0], $0x800  }
0x23: {  	[sflag:s0] =	ssyncset.done $0x0  }
0x24: {  	[sflag:s0] =	ssyncadd.s32 $0xFFFFF800  }
0x25: {  	_ =	swait.ge [sflag:s0], $0x800  }
0x26: {  	[sflag:s0] =	ssyncset.done $0x0  }
0x27: {  	[sflag:s0] =	ssyncadd.s32 $0xFFFFF800  }
0x28: {  	_ =	swait.ge [sflag:s0], $0x800  }
0x29: {  	[sflag:s0] =	ssyncset.done $0x0  }
0x2a: {  	[sflag:s0] =	ssyncadd.s32 $0xFFFFF800  }
0x2b: {  	_ =	swait.ge [sflag:s0], $0x800  }
0x2c: {  	[sflag:s0] =	ssyncset.done $0x0  }
0x2d: {  	[sflag:s0] =	ssyncadd.s32 $0xFFFFF800  }
0x2e: {  	_ =	swait.ge [sflag:s0], $0x800  }
0x2f: {  	[sflag:s0] =	ssyncset.done $0x0  }
0x30: {  	[sflag:s0] =	ssyncadd.s32 $0xFFFFF800  }
0x31: {  	_ =	swait.ge [sflag:s0], $0x800  }
0x32: {  	[sflag:s0] =	ssyncset.done $0x0  }
0x33: {  	[sflag:s0] =	ssyncadd.s32 $0xFFFFF800  }
0x34: {  	_ =	swait.ge [sflag:s0], $0x800  }
0x35: {  	[sflag:s0] =	ssyncset.done $0x0  }
0x36: {  	[sflag:s0] =	ssyncadd.s32 $0xFFFFF800  }
0x37: {  	_ =	swait.ge [sflag:s0], $0x800  }
0x38: {  	[sflag:s0] =	ssyncset.done $0x0  }
0x39: {  	[sflag:s0] =	ssyncadd.s32 $0xFFFFF800  }
0x3a: {  	[bflag:$0x0] =	sbarrier.arrive $0xFFFF  }
0x3b: {  	s11 =	rddreg [dreg:$0x4]  }
0x3c: {  	s10 =	simm.s32 $0x10;
	s6 =	rddreg [dreg:$0x8]  }
0x3d: {  	s13 =	simm.s32 $0x7;
	s25 =	rddreg [dreg:$0x10];
	s4 =	sshrl.u32 s11, $0x3  }
0x3e: {  	[hbm:s6@s10], [sflag:s25] =	dma.strided [spmem:s4@s22], $0x500, s21, $0x2   }
0x3f: {  	_ =	swait.ge [sflag:s13], $0x500  }
0x40: {  	s17 =	rddreg [dreg:$0x12]  }
0x41: {  	s26 =	rddreg [dreg:$0x9];
	s0 =	sadd.s32 $0x1, s17  }
0x42: {  	p0 =	sne.s32 s0, s26  }
.Ltmp1:
0x43: {  	_ = 	snop;
	(pc) =	sbr.rel @!p0 .LBB2_7-.Ltmp1, $4  }
0x44: {  	_ = 	snop  }
0x45: {  	s28 =	simm.s32 $0x3800;
	s30 =	simm.s32 $0x4000;
	s31 =	simm.s32 $0x5800  }
0x46: {  	s29 =	simm.s32 $0x6000;
	s1 =	simm.s32 $0xA800;
	[sflag:s13] =	ssyncset.done $0x0  }
0x47: {  	[sflag:s13] =	ssyncadd.s32 $0xFFFFFB00;
	s17 =	simm.s32 $0x2800;
	s26 =	simm.s32 $0x5000  }
.LBB2_1:
0x48: {  	[dreg:$0x12] =	wrdreg s0;
	s6 =	simm.s32 $0x40;
	s10 =	simm.s32 $0x0  }
.LBB2_2:
0x49: {  	p0 =	sne.s32 s6, $0x1FC0;
	[tilespmem:s10+$0x2800] =	vst v0;
	s10 =	smov.u32 s6;
	s6 =	sadd.s32 $0x40, s6  }
.Ltmp2:
0x4a: {  	(pc) =	sbr.rel @p0 .LBB2_2-.Ltmp2, $2  }
0x4b: {  	_ =	sdelay $0x2  }
0x4c: {  	s10 =	sshra.s32 s10, $0x2  }
0x4d: {  	[tilespmem:s10+$0x2800] =	vst v0  }
0x4e: {  	[spmem:s11] =	stream.linear.scatter [tilespmem:s17], [sflag:$0x7], $0x800, $0x38;
	[tilespmem:$0xFF20] =	vst v63  }
0x4f: {  	_ =	swait.ge [sflag:s13], $0x800  }
0x50: {  	[sflag:s13] =	ssyncset.done $0x0  }
0x51: {  	s4 =	rddreg [dreg:$0xa];
	[sflag:s13] =	ssyncadd.s32 $0xFFFFF800  }
0x52: {  	[spmem:s4] =	stream.linear.scatter [tilespmem:s17], [sflag:$0x7], $0x800, $0x38;
	[tilespmem:$0xFF20] =	vst v63  }
0x53: {  	_ =	swait.ge [sflag:s13], $0x800  }
0x54: {  	[sflag:s13] =	ssyncset.done $0x0  }
0x55: {  	s6 =	rddreg [dreg:$0xb];
	[sflag:s13] =	ssyncadd.s32 $0xFFFFF800  }
0x56: {  	[spmem:s6] =	stream.linear.scatter [tilespmem:s17], [sflag:$0x7], $0x800, $0x38;
	[tilespmem:$0xFF20] =	vst v63  }
0x57: {  	_ =	swait.ge [sflag:s13], $0x800  }
0x58: {  	[sflag:s13] =	ssyncset.done $0x0  }
0x59: {  	s10 =	rddreg [dreg:$0xc];
	[sflag:s13] =	ssyncadd.s32 $0xFFFFF800  }
0x5a: {  	[spmem:s10] =	stream.linear.scatter [tilespmem:s17], [sflag:$0x7], $0x800, $0x38;
	[tilespmem:$0xFF20] =	vst v63  }
0x5b: {  	_ =	swait.ge [sflag:s13], $0x800  }
0x5c: {  	[sflag:s13] =	ssyncset.done $0x0  }
0x5d: {  	s11 =	rddreg [dreg:$0xd];
	[sflag:s13] =	ssyncadd.s32 $0xFFFFF800  }
0x5e: {  	[spmem:s11] =	stream.linear.scatter [tilespmem:s17], [sflag:$0x7], $0x800, $0x38;
	[tilespmem:$0xFF20] =	vst v63  }
0x5f: {  	_ =	swait.ge [sflag:s13], $0x800  }
0x60: {  	[sflag:s13] =	ssyncset.done $0x0  }
0x61: {  	s6 =	simm.s32 $0x0;
	s0 =	rddreg [dreg:$0x5];
	[sflag:s13] =	ssyncadd.s32 $0xFFFFF800  }
0x62: {  	[tilespmem:s6], [sflag:$0x7] =	stream.linear.gather [hbm4b:s0+s6], $0x2800, $0x38;
	[tilespmem:$0xFF20] =	vst v63  }
0x63: {  	_ =	swait.ge [sflag:s13], $0x2800  }
0x64: {  	[sflag:s13] =	ssyncset.done $0x0;
	s10 =	rddreg [dreg:$0x6]  }
0x65: {  	s0 =	simm.s32 $0x10;
	s11 =	rddreg [dreg:$0x11];
	[sflag:s13] =	ssyncadd.s32 $0xFFFFD800  }
0x66: {  	[spmem:s11@s22], [sflag:s25] =	dma.strided [hbm:s10@s0], $0x4E2, s21, $0x2   }
0x67: {  	_ =	swait.ge [sflag:s13], $0x4E2  }
0x68: {  	[sflag:s13] =	ssyncset.done $0x0  }
0x69: {  	[sflag:s13] =	ssyncadd.s32 $0xFFFFFB1E  }
0x6a: {  	[bflag:$0x0] =	sbarrier.arrive $0xFFFF  }
0x6b: {  	[tilespmem:s17], [sflag:$0x1] =	stream.indirect.gather [spmem:s3], $0x10, s6, s24, $0xb8;
	[tilespmem:$0xFF20] =	vst v63  }
0x6c: {  	s11 =	simm.s32 $0x3000  }
0x6d: {  	[tilespmem:s11], [sflag:$0x1] =	stream.indirect.gather [spmem:s3], $0x10, s24, s24, $0xb8;
	[tilespmem:$0xFF20] =	vst v63  }
0x6e: {  	s0 =	simm.s32 $0x100  }
0x6f: {  	[tilespmem:s28], [sflag:$0x1] =	stream.indirect.gather [spmem:s3], $0x10, s0, s24, $0xb8;
	[tilespmem:$0xFF20] =	vst v63  }
0x70: {  	s10 =	simm.s32 $0x180  }
0x71: {  	[tilespmem:s30], [sflag:$0x1] =	stream.indirect.gather [spmem:s3], $0x10, s10, s24, $0xb8;
	[tilespmem:$0xFF20] =	vst v63  }
0x72: {  	s13 =	simm.s32 $0x4800;
	s0 =	simm.s32 $0x200  }
0x73: {  	[tilespmem:s13], [sflag:$0x1] =	stream.indirect.gather [spmem:s3], $0x10, s0, s24, $0xb8;
	[tilespmem:$0xFF20] =	vst v63  }
0x74: {  	s25 =	simm.s32 $0x280  }
0x75: {  	[tilespmem:s26], [sflag:$0x1] =	stream.indirect.gather [spmem:s3], $0x10, s25, s24, $0xb8;
	[tilespmem:$0xFF20] =	vst v63  }
0x76: {  	s10 =	simm.s32 $0x300  }
0x77: {  	[tilespmem:s31], [sflag:$0x1] =	stream.indirect.gather [spmem:s3], $0x10, s10, s24, $0xb8;
	[tilespmem:$0xFF20] =	vst v63  }
0x78: {  	s13 =	simm.s32 $0x380;
	s25 =	rddreg [dreg:$0x7]  }
0x79: {  	[tilespmem:s29], [sflag:$0x1] =	stream.indirect.gather [spmem:s3], $0x10, s13, s24, $0xb8;
	[tilespmem:$0xFF20] =	vst v63  }
0x7a: {  	s10 =	rddreg [dreg:$0xe]  }
0x7b: {  	[tilespmem:s1], [sflag:$0x5] =	stream.linear.gather [hbm4b:s25+s6], $0x400, $0x38;
	[tilespmem:$0xFF20] =	vst v63  }
0x7c: {  	s0 =	simm.s32 $0x4800;
	s13 =	rddreg [dreg:$0xf];
	s25 =	simm.s32 $0x0  }
.LBB2_4:
0x7d: {  	_ =	swait.ge [sflag:s21], $0x800  }
0x7e: {  	[sflag:s21] =	ssyncset.done $0x0  }
0x7f: {  	[sflag:s21] =	ssyncadd.s32 $0xFFFFF800  }
0x80: {  	_ =	swait.ge [sflag:s21], $0x800  }
0x81: {  	[sflag:s21] =	ssyncset.done $0x0  }
0x82: {  	[sflag:s21] =	ssyncadd.s32 $0xFFFFF800  }
0x83: {  	_ =	swait.ge [sflag:s21], $0x800  }
0x84: {  	[sflag:s21] =	ssyncset.done $0x0  }
0x85: {  	[sflag:s21] =	ssyncadd.s32 $0xFFFFF800  }
0x86: {  	_ =	swait.ge [sflag:s21], $0x800  }
0x87: {  	[sflag:s21] =	ssyncset.done $0x0  }
0x88: {  	[sflag:s21] =	ssyncadd.s32 $0xFFFFF800  }
0x89: {  	_ =	swait.ge [sflag:s21], $0x800  }
0x8a: {  	[sflag:s21] =	ssyncset.done $0x0  }
0x8b: {  	[sflag:s21] =	ssyncadd.s32 $0xFFFFF800  }
0x8c: {  	_ =	swait.ge [sflag:s21], $0x800  }
0x8d: {  	[sflag:s21] =	ssyncset.done $0x0  }
0x8e: {  	[sflag:s21] =	ssyncadd.s32 $0xFFFFF800  }
0x8f: {  	_ =	swait.ge [sflag:s21], $0x800  }
0x90: {  	[sflag:s21] =	ssyncset.done $0x0  }
0x91: {  	[sflag:s21] =	ssyncadd.s32 $0xFFFFF800  }
0x92: {  	_ =	swait.ge [sflag:s21], $0x800  }
0x93: {  	[sflag:s21] =	ssyncset.done $0x0  }
0x94: {  	[sflag:s21] =	ssyncadd.s32 $0xFFFFF800  }
0x95: {  	_ =	swait.ge [sflag:s7], $0x400  }
0x96: {  	[sflag:s7] =	ssyncset.done $0x0  }
0x97: {  	[sflag:s7] =	ssyncadd.s32 $0xFFFFFC00  }
0x98: {  	[spmem:s2] =	stream.indirect.scatter.add.f32 [tilespmem:s17], [sflag:$0x3], $0x10, s1, s24, $0xb8;
	[tilespmem:$0xFF20] =	vst v63  }
0x99: {  	s4 =	simm.s32 $0xA880  }
0x9a: {  	[spmem:s2] =	stream.indirect.scatter.add.f32 [tilespmem:s11], [sflag:$0x3], $0x10, s4, s24, $0xb8;
	[tilespmem:$0xFF20] =	vst v63  }
0x9b: {  	s11 =	simm.s32 $0xA900  }
0x9c: {  	[spmem:s2] =	stream.indirect.scatter.add.f32 [tilespmem:s28], [sflag:$0x3], $0x10, s11, s24, $0xb8;
	[tilespmem:$0xFF20] =	vst v63  }
0x9d: {  	s17 =	simm.s32 $0xA980  }
0x9e: {  	[spmem:s2] =	stream.indirect.scatter.add.f32 [tilespmem:s30], [sflag:$0x3], $0x10, s17, s24, $0xb8;
	[tilespmem:$0xFF20] =	vst v63  }
0x9f: {  	s4 =	simm.s32 $0xAA00  }
0xa0: {  	[spmem:s2] =	stream.indirect.scatter.add.f32 [tilespmem:s0], [sflag:$0x3], $0x10, s4, s24, $0xb8;
	[tilespmem:$0xFF20] =	vst v63  }
0xa1: {  	s11 =	simm.s32 $0xAA80  }
0xa2: {  	[spmem:s2] =	stream.indirect.scatter.add.f32 [tilespmem:s26], [sflag:$0x3], $0x10, s11, s24, $0xb8;
	[tilespmem:$0xFF20] =	vst v63  }
0xa3: {  	p0 =	seq.s32 s6, $0x0;
	s17 =	simm.s32 $0xAB00  }
0xa4: {  	[spmem:s2] =	stream.indirect.scatter.add.f32 [tilespmem:s31], [sflag:$0x3], $0x10, s17, s24, $0xb8;
	[tilespmem:$0xFF20] =	vst v63  }
0xa5: {  	s4 =	simm.s32 @!p0 $0x4;
	s26 =	simm.s32 $0xAB80  }
0xa6: {  	[spmem:s2] =	stream.indirect.scatter.add.f32 [tilespmem:s29], [sflag:$0x3], $0x10, s26, s24, $0xb8;
	[tilespmem:$0xFF20] =	vst v63  }
0xa7: {  	_ =	swait.ge @!p0 [sflag:s4], $0x800  }
0xa8: {  	[sflag:s4] =	ssyncset.done @!p0 $0x0  }
0xa9: {  	[sflag:s4] =	ssyncadd.s32 @!p0 $0xFFFFF800  }
0xaa: {  	_ =	swait.ge @!p0 [sflag:s4], $0x800  }
0xab: {  	[sflag:s4] =	ssyncset.done @!p0 $0x0  }
0xac: {  	[sflag:s4] =	ssyncadd.s32 @!p0 $0xFFFFF800  }
0xad: {  	_ =	swait.ge @!p0 [sflag:s4], $0x800  }
0xae: {  	[sflag:s4] =	ssyncset.done @!p0 $0x0  }
0xaf: {  	[sflag:s4] =	ssyncadd.s32 @!p0 $0xFFFFF800  }
0xb0: {  	_ =	swait.ge @!p0 [sflag:s4], $0x800  }
0xb1: {  	[sflag:s4] =	ssyncset.done @!p0 $0x0  }
0xb2: {  	[sflag:s4] =	ssyncadd.s32 @!p0 $0xFFFFF800  }
0xb3: {  	_ =	swait.ge @!p0 [sflag:s4], $0x800  }
0xb4: {  	[sflag:s4] =	ssyncset.done @!p0 $0x0  }
0xb5: {  	[sflag:s4] =	ssyncadd.s32 @!p0 $0xFFFFF800  }
0xb6: {  	_ =	swait.ge @!p0 [sflag:s4], $0x800  }
0xb7: {  	[sflag:s4] =	ssyncset.done @!p0 $0x0  }
0xb8: {  	[sflag:s4] =	ssyncadd.s32 @!p0 $0xFFFFF800  }
0xb9: {  	_ =	swait.ge @!p0 [sflag:s4], $0x800  }
0xba: {  	[sflag:s4] =	ssyncset.done @!p0 $0x0  }
0xbb: {  	[sflag:s4] =	ssyncadd.s32 @!p0 $0xFFFFF800  }
0xbc: {  	_ =	swait.ge @!p0 [sflag:s4], $0x800  }
0xbd: {  	s11 =	sshra.s32 s6, $0x2;
	[sflag:s4] =	ssyncset.done @!p0 $0x0  }
0xbe: {  	[sflag:s4] =	ssyncadd.s32 @!p0 $0xFFFFF800;
	s4 =	sadd.s32 $0x400, s11  }
0xbf: {  	[tilespmem:s15], [sflag:$0x2] =	stream.indirect.gather [spmem:s3], $0x10, s4, s24, $0xb8;
	[tilespmem:$0xFF20] =	vst v63  }
0xc0: {  	s4 =	sadd.s32 $0x480, s11  }
0xc1: {  	[tilespmem:s23], [sflag:$0x2] =	stream.indirect.gather [spmem:s3], $0x10, s4, s24, $0xb8;
	[tilespmem:$0xFF20] =	vst v63  }
0xc2: {  	s4 =	sadd.s32 $0x500, s11  }
0xc3: {  	[tilespmem:s16], [sflag:$0x2] =	stream.indirect.gather [spmem:s3], $0x10, s4, s24, $0xb8;
	[tilespmem:$0xFF20] =	vst v63  }
0xc4: {  	s4 =	sadd.s32 $0x580, s11  }
0xc5: {  	[tilespmem:s20], [sflag:$0x2] =	stream.indirect.gather [spmem:s3], $0x10, s4, s24, $0xb8;
	[tilespmem:$0xFF20] =	vst v63  }
0xc6: {  	s4 =	sadd.s32 $0x600, s11  }
0xc7: {  	[tilespmem:s5], [sflag:$0x2] =	stream.indirect.gather [spmem:s3], $0x10, s4, s24, $0xb8;
	[tilespmem:$0xFF20] =	vst v63  }
0xc8: {  	s4 =	sadd.s32 $0x680, s11  }
0xc9: {  	[tilespmem:s19], [sflag:$0x2] =	stream.indirect.gather [spmem:s3], $0x10, s4, s24, $0xb8;
	[tilespmem:$0xFF20] =	vst v63  }
0xca: {  	s4 =	sadd.s32 $0x700, s11  }
0xcb: {  	[tilespmem:s18], [sflag:$0x2] =	stream.indirect.gather [spmem:s3], $0x10, s4, s24, $0xb8;
	[tilespmem:$0xFF20] =	vst v63  }
0xcc: {  	s4 =	sadd.s32 $0x780, s11  }
0xcd: {  	[tilespmem:s8], [sflag:$0x2] =	stream.indirect.gather [spmem:s3], $0x10, s4, s24, $0xb8;
	[tilespmem:$0xFF20] =	vst v63  }
0xce: {  	s4 =	simm.s32 $0xAC00  }
0xcf: {  	[tilespmem:s4], [sflag:$0x6] =	stream.linear.gather [hbm4b:s10+s25], $0x400, $0x38;
	[tilespmem:$0xFF20] =	vst v63  }
0xd0: {  	_ =	swait.ge [sflag:s22], $0x800  }
0xd1: {  	[sflag:s22] =	ssyncset.done $0x0  }
0xd2: {  	[sflag:s22] =	ssyncadd.s32 $0xFFFFF800  }
0xd3: {  	_ =	swait.ge [sflag:s22], $0x800  }
0xd4: {  	[sflag:s22] =	ssyncset.done $0x0  }
0xd5: {  	[sflag:s22] =	ssyncadd.s32 $0xFFFFF800  }
0xd6: {  	_ =	swait.ge [sflag:s22], $0x800  }
0xd7: {  	[sflag:s22] =	ssyncset.done $0x0  }
0xd8: {  	[sflag:s22] =	ssyncadd.s32 $0xFFFFF800  }
0xd9: {  	_ =	swait.ge [sflag:s22], $0x800  }
0xda: {  	[sflag:s22] =	ssyncset.done $0x0  }
0xdb: {  	[sflag:s22] =	ssyncadd.s32 $0xFFFFF800  }
0xdc: {  	_ =	swait.ge [sflag:s22], $0x800  }
0xdd: {  	[sflag:s22] =	ssyncset.done $0x0  }
0xde: {  	[sflag:s22] =	ssyncadd.s32 $0xFFFFF800  }
0xdf: {  	_ =	swait.ge [sflag:s22], $0x800  }
0xe0: {  	[sflag:s22] =	ssyncset.done $0x0  }
0xe1: {  	[sflag:s22] =	ssyncadd.s32 $0xFFFFF800  }
0xe2: {  	_ =	swait.ge [sflag:s22], $0x800  }
0xe3: {  	[sflag:s22] =	ssyncset.done $0x0  }
0xe4: {  	[sflag:s22] =	ssyncadd.s32 $0xFFFFF800  }
0xe5: {  	_ =	swait.ge [sflag:s22], $0x800  }
0xe6: {  	[sflag:s22] =	ssyncset.done $0x0  }
0xe7: {  	[sflag:s22] =	ssyncadd.s32 $0xFFFFF800  }
0xe8: {  	_ =	swait.ge [sflag:s9], $0x400  }
0xe9: {  	[sflag:s9] =	ssyncset.done $0x0  }
0xea: {  	[sflag:s9] =	ssyncadd.s32 $0xFFFFFC00  }
0xeb: {  	[spmem:s2] =	stream.indirect.scatter.add.f32 [tilespmem:s15], [sflag:$0x4], $0x10, s4, s24, $0xb8;
	[tilespmem:$0xFF20] =	vst v63  }
0xec: {  	s4 =	simm.s32 $0xAC80  }
0xed: {  	[spmem:s2] =	stream.indirect.scatter.add.f32 [tilespmem:s23], [sflag:$0x4], $0x10, s4, s24, $0xb8;
	[tilespmem:$0xFF20] =	vst v63  }
0xee: {  	s4 =	simm.s32 $0xAD00  }
0xef: {  	[spmem:s2] =	stream.indirect.scatter.add.f32 [tilespmem:s16], [sflag:$0x4], $0x10, s4, s24, $0xb8;
	[tilespmem:$0xFF20] =	vst v63  }
0xf0: {  	s4 =	simm.s32 $0xAD80  }
0xf1: {  	[spmem:s2] =	stream.indirect.scatter.add.f32 [tilespmem:s20], [sflag:$0x4], $0x10, s4, s24, $0xb8;
	[tilespmem:$0xFF20] =	vst v63  }
0xf2: {  	s4 =	simm.s32 $0xAE00  }
0xf3: {  	[spmem:s2] =	stream.indirect.scatter.add.f32 [tilespmem:s5], [sflag:$0x4], $0x10, s4, s24, $0xb8;
	[tilespmem:$0xFF20] =	vst v63  }
0xf4: {  	s4 =	simm.s32 $0xAE80  }
0xf5: {  	[spmem:s2] =	stream.indirect.scatter.add.f32 [tilespmem:s19], [sflag:$0x4], $0x10, s4, s24, $0xb8;
	[tilespmem:$0xFF20] =	vst v63  }
0xf6: {  	s4 =	simm.s32 $0xAF00  }
0xf7: {  	[spmem:s2] =	stream.indirect.scatter.add.f32 [tilespmem:s18], [sflag:$0x4], $0x10, s4, s24, $0xb8;
	[tilespmem:$0xFF20] =	vst v63  }
0xf8: {  	s4 =	simm.s32 $0xAF80  }
0xf9: {  	[spmem:s2] =	stream.indirect.scatter.add.f32 [tilespmem:s8], [sflag:$0x4], $0x10, s4, s24, $0xb8;
	[tilespmem:$0xFF20] =	vst v63  }
0xfa: {  	_ =	swait.ge [sflag:s12], $0x800  }
0xfb: {  	[sflag:s12] =	ssyncset.done $0x0  }
0xfc: {  	[sflag:s12] =	ssyncadd.s32 $0xFFFFF800  }
0xfd: {  	_ =	swait.ge [sflag:s12], $0x800  }
0xfe: {  	[sflag:s12] =	ssyncset.done $0x0  }
0xff: {  	[sflag:s12] =	ssyncadd.s32 $0xFFFFF800  }
0x100: {  	_ =	swait.ge [sflag:s12], $0x800  }
0x101: {  	[sflag:s12] =	ssyncset.done $0x0  }
0x102: {  	[sflag:s12] =	ssyncadd.s32 $0xFFFFF800  }
0x103: {  	_ =	swait.ge [sflag:s12], $0x800  }
0x104: {  	[sflag:s12] =	ssyncset.done $0x0  }
0x105: {  	[sflag:s12] =	ssyncadd.s32 $0xFFFFF800  }
0x106: {  	_ =	swait.ge [sflag:s12], $0x800  }
0x107: {  	[sflag:s12] =	ssyncset.done $0x0  }
0x108: {  	[sflag:s12] =	ssyncadd.s32 $0xFFFFF800  }
0x109: {  	_ =	swait.ge [sflag:s12], $0x800  }
0x10a: {  	[sflag:s12] =	ssyncset.done $0x0  }
0x10b: {  	[sflag:s12] =	ssyncadd.s32 $0xFFFFF800  }
0x10c: {  	p0 =	seq.s32 s6, $0x8000;
	_ =	swait.ge [sflag:s12], $0x800  }
.Ltmp3:
0x10d: {  	[sflag:s12] =	ssyncset.done $0x0;
	(pc) =	sbr.rel @p0 .LBB2_6-.Ltmp3, $4  }
0x10e: {  	s1 =	simm.s32 $0x6000;
	s28 =	simm.s32 $0x3000;
	[sflag:s12] =	ssyncadd.s32 $0xFFFFF800  }
0x10f: {  	s30 =	simm.s32 $0x3800;
	s0 =	simm.s32 $0x4000;
	_ =	swait.ge [sflag:s12], $0x800  }
0x110: {  	s17 =	simm.s32 $0xA800;
	s31 =	simm.s32 $0x5000;
	[sflag:s12] =	ssyncset.done $0x0  }
0x111: {  	s29 =	simm.s32 $0x5800;
	s26 =	simm.s32 $0x4800;
	[sflag:s12] =	ssyncadd.s32 $0xFFFFF800  }
0x112: {  	s4 =	sadd.s32 $0x800, s11  }
0x113: {  	[tilespmem:s14], [sflag:$0x1] =	stream.indirect.gather [spmem:s3], $0x10, s4, s24, $0xb8;
	[tilespmem:$0xFF20] =	vst v63  }
0x114: {  	s4 =	sadd.s32 $0x880, s11  }
0x115: {  	[tilespmem:s28], [sflag:$0x1] =	stream.indirect.gather [spmem:s3], $0x10, s4, s24, $0xb8;
	[tilespmem:$0xFF20] =	vst v63  }
0x116: {  	s4 =	sadd.s32 $0x900, s11  }
0x117: {  	[tilespmem:s30], [sflag:$0x1] =	stream.indirect.gather [spmem:s3], $0x10, s4, s24, $0xb8;
	[tilespmem:$0xFF20] =	vst v63  }
0x118: {  	s4 =	sadd.s32 $0x980, s11  }
0x119: {  	[tilespmem:s0], [sflag:$0x1] =	stream.indirect.gather [spmem:s3], $0x10, s4, s24, $0xb8;
	[tilespmem:$0xFF20] =	vst v63  }
0x11a: {  	s6 =	sadd.s32 $0x2000, s6;
	s0 =	sadd.s32 $0xA00, s11  }
0x11b: {  	[tilespmem:s26], [sflag:$0x1] =	stream.indirect.gather [spmem:s3], $0x10, s0, s24, $0xb8;
	[tilespmem:$0xFF20] =	vst v63  }
0x11c: {  	s10 =	sadd.s32 $0x100, s10;
	s28 =	simm.s32 $0x3800;
	s26 =	sadd.s32 $0xA80, s11  }
0x11d: {  	[tilespmem:s31], [sflag:$0x1] =	stream.indirect.gather [spmem:s3], $0x10, s26, s24, $0xb8;
	[tilespmem:$0xFF20] =	vst v63  }
0x11e: {  	s30 =	simm.s32 $0x4000;
	s0 =	sadd.s32 $0xB00, s11;
	s26 =	sadd.s32 $0xB80, s11  }
0x11f: {  	[tilespmem:s29], [sflag:$0x1] =	stream.indirect.gather [spmem:s3], $0x10, s0, s24, $0xb8;
	[tilespmem:$0xFF20] =	vst v63  }
.Ltmp4:
0x120: {  	s11 =	simm.s32 $0x3000;
	s31 =	simm.s32 $0x5800;
	(pc) =	sbr.rel .LBB2_4-.Ltmp4, $4  }
0x121: {  	[tilespmem:s1], [sflag:$0x1] =	stream.indirect.gather [spmem:s3], $0x10, s26, s24, $0xb8;
	[tilespmem:$0xFF20] =	vst v63  }
0x122: {  	s0 =	simm.s32 $0x4800;
	s29 =	simm.s32 $0x6000;
	s26 =	simm.s32 $0x5000  }
0x123: {  	[tilespmem:s17], [sflag:$0x5] =	stream.linear.gather [hbm4b:s13+s25], $0x400, $0x38;
	[tilespmem:$0xFF20] =	vst v63  }
0x124: {  	s1 =	simm.s32 $0xA800;
	s13 =	sadd.s32 $0x100, s13;
	s17 =	simm.s32 $0x2800  }
.LBB2_7:
0x125: {  	_ =	sfence.sel $0x180000  }
0x126: {  	[bflag:$0x0] =	sbarrier.arrive $0xFFFF  }
0x127: {  	_ =	strace $0x9000004D  }
0x128: {  	s0 =	stileid.u32;
	[bflag:$0x2] =	sbarrier.arrive $0xFFFF  }
0x129: {  	p0 =	sne.s32 s0, $0x0;
	s0 =	rddreg [dreg:$0x3]  }
0x12a: {  	s0 =	sadd.s32 @!p0 $0x100000, s0  }
0x12b: {  	[sflag:s0] =	ssyncadd.tile.s32 @!p0 $0x1;
	_ =	shalt  }
.Lfunc_end2:
_tile_overlayer_lowered:
.L_overlay_start_2:
0x12c: {  	(tag) =	ssettag $0x2  }
0x12d: {  	s0 =	rddreg [dreg:$0x0];
	s2 =	stileid.u32  }
0x12e: {  	s1 =	rddreg [dreg:$0x1];
	p0 =	sne.s32 s2, $0x0  }
0x12f: {  	s3 =	rddreg [dreg:$0x2];
	[bflag:$0x3] =	sbarrier.arrive $0xFFFF;
	s2 =	simm.s32 @!p0 $0x1C07  }
0x130: {  	[timem:s3], [sflag:s2] =	dma.local @!p0 [hbm:s0], s1  }
0x131: {  	s0 =	simm.s32 @!p0 $0x7  }
0x132: {  	_ =	swait.ge @!p0 [sflag:s0], s1  }
0x133: {  	s1 =	ssub.s32 @!p0 $0x0, s1;
	[sflag:s0] =	ssyncset.done @!p0 $0x0  }
0x134: {  	[sflag:s0] =	ssyncadd.s32 @!p0 s1  }
0x135: {  	[bflag:$0x3] =	sbarrier.arrive $0xFFFF  }
0x136: {  	_ =	shalt  }

// kernel: kernel.9.cloned.1.call-start
scs
__scs_entry_jumppad:
0x0: {  	(pc) =	sbr.rel $0x88, $3  }
0x1: {  	(tag) =	ssettag $0x0;
	lr =	simm.s32 $0x1  }
0x2: {  	[smem:$0x3F9B] =	sst lr;
	_ =	strace $0xD0000000  }
0x3: {  	_ = 	snop  }
0x4: {  	_ = 	snop  }
0x5: {  	_ = 	snop  }
0x6: {  	_ = 	snop  }
0x7: {  	_ = 	snop  }
__scs_overlays_trampoline_lowered:
0x8: {  	[smem:$0x3FAA] =	sst s0  }
0x9: {  	[smem:$0x3FAB] =	sst s1  }
0xa: {  	[smem:$0x3FAC] =	sst s2  }
0xb: {  	[smem:$0x3FAD] =	sst s3  }
0xc: {  	[smem:$0x3FAE] =	sst s4  }
0xd: {  	[smem:$0x3FAF] =	sst s5  }
0xe: {  	[smem:$0x3FB0] =	sst s6  }
0xf: {  	[smem:$0x3FB1] =	sst s7  }
0x10: {  	[smem:$0x3FB2] =	sst s8  }
0x11: {  	[smem:$0x3FB3] =	sst s9;
	s0 =	simm.s32 @!p0 $0x0  }
0x12: {  	s1 =	sld [smem:$0x3F99];
	s0 =	simm.s32 @p0 $0x1  }
0x13: {  	[smem:$0x3FB4] =	sst s0;
	s0 =	simm.s32 @!p1 $0x0  }
0x14: {  	s2 =	sld [smem:$0x3F98];
	s0 =	simm.s32 @p1 $0x1  }
0x15: {  	[smem:$0x3FB5] =	sst s0;
	s0 =	simm.s32 @!p2 $0x0  }
0x16: {  	s3 =	sld [smem:$0x3FDB];
	s0 =	simm.s32 @p2 $0x1  }
0x17: {  	s4 =	simm.s32 $0x1BF5;
	[smem:$0x3FB7] =	sst s0  }
0x18: {  	s0 =	sld [smem:$0x3F9A];
	_ =	swait.ge [sflag:s4], $0x0  }
0x19: {  	s7 =	sld [smem:$0x3F9B]  }
0x1a: {  	s8 =	sadd.s32 $0xFFFFE003, lr  }
0x1b: {  	s9 =	sadd.s32 $0xFFFFFEF7, lr;
	s5 =	simm.s32 $0xFFFFFFFF;
	p2 =	slt.u32 s8, $0xFFFFF086  }
0x1c: {  	p1 =	slt.u32 s9, $0xF7A;
	s5 =	simm.s32 @!p2 $0x0  }
0x1d: {  	s5 =	simm.s32 @p1 $0x1;
	p0 =	seq.s32 s7, s2  }
0x1e: {  	s7 =	smul.u32 @!p0 $0xF7A, s2;
	p2 =	seq.s32 @!p0 s5, $0x0  }
0x1f: {  	s9 =	smul.u32 $0xF7A, s1;
	s8 =	simm.s32 @!p0 $0x1BF5;
	p2 =	por !p2, p0  }
0x20: {  	[sflag:s8] =	ssyncset.s32 @!p0 $0xFFFFF086;
	s6 =	sadd.s32 @!p0 s3, s7;
	s7 =	simm.s32 @!p0 $0x108  }
0x21: {  	s3 =	sadd.s32 s3, s9;
	s6 =	sadd.s32 @!p0 $0x88, s6;
	s7 =	simm.s32 @p2 $0x1082  }
0x22: {  	[simem:s7], [sflag:s8] =	dma.local @!p0 [hbm:s6], $0xF7A  }
0x23: {  	s9 =	sor.u32 $0xD0000000, s2;
	s6 =	simm.s32 $0x108;
	_ =	swait.ge @!p0 [sflag:s8], $0x0  }
0x24: {  	s3 =	sadd.s32 $0x88, s3;
	s6 =	simm.s32 @!p1 $0x1082;
	[sflag:s4] =	ssyncset.s32 $0xFFFFF086  }
0x25: {  	[simem:s6], [sflag:s4] =	dma.local [hbm:s3], $0xF7A  }
0x26: {  	[smem:$0x3F9B] =	sst s1;
	(tag) =	ssettag s2;
	_ =	strace s9  }
0x27: {  	s1 =	sld [smem:$0x3FAB]  }
0x28: {  	s2 =	sld [smem:$0x3FAC]  }
0x29: {  	s4 =	sld [smem:$0x3FAE]  }
0x2a: {  	p0 =	seq.s32 s5, $0x0;
	s5 =	sld [smem:$0x3FAF]  }
0x2b: {  	s6 =	sld [smem:$0x3FB0]  }
0x2c: {  	s7 =	sld [smem:$0x3FB1]  }
0x2d: {  	s3 =	simm.s32 $0x108;
	s8 =	sld [smem:$0x3FB2]  }
0x2e: {  	s3 =	simm.s32 @!p0 $0x1082;
	s9 =	sld [smem:$0x3FB3]  }
0x2f: {  	lr =	sadd.s32 s0, s3;
	s0 =	sld [smem:$0x3FAA]  }
0x30: {  	s3 =	sld [smem:$0x3FAD]  }
0x31: {  	[smem:$0x3FB6] =	sst s10  }
0x32: {  	s10 =	sld [smem:$0x3FB4];
	_ =	sdelay $0x3  }
0x33: {  	p0 =	seq.s32 s10, $0x1;
	s10 =	sld [smem:$0x3FB6];
	_ =	sdelay $0x3  }
0x34: {  	[smem:$0x3FB6] =	sst s10  }
0x35: {  	s10 =	sld [smem:$0x3FB5];
	_ =	sdelay $0x3  }
0x36: {  	p1 =	seq.s32 s10, $0x1;
	s10 =	sld [smem:$0x3FB6];
	_ =	sdelay $0x3  }
0x37: {  	[smem:$0x3FB6] =	sst s10  }
0x38: {  	s10 =	sld [smem:$0x3FB7]  }
0x39: {  	_ = 	snop;
	(pc) =	sbr.ind lr, $3  }
0x3a: {  	_ = 	snop  }
0x3b: {  	_ = 	snop  }
0x3c: {  	p2 =	seq.s32 s10, $0x1;
	s10 =	sld [smem:$0x3FB6]  }
0x3d: {  	_ =	shalt  }
0x3e: {  	_ =	shalt  }
0x3f: {  	_ =	shalt  }
0x40: {  	_ =	shalt  }
0x41: {  	_ =	shalt  }
0x42: {  	_ =	shalt  }
0x43: {  	_ =	shalt  }
0x44: {  	_ =	shalt  }
0x45: {  	_ =	shalt  }
0x46: {  	_ =	shalt  }
0x47: {  	_ =	shalt  }
0x48: {  	_ =	shalt  }
0x49: {  	_ =	shalt  }
0x4a: {  	_ =	shalt  }
0x4b: {  	_ =	shalt  }
0x4c: {  	_ =	shalt  }
0x4d: {  	_ =	shalt  }
0x4e: {  	_ =	shalt  }
0x4f: {  	_ =	shalt  }
0x50: {  	_ =	shalt  }
0x51: {  	_ =	shalt  }
0x52: {  	_ =	shalt  }
0x53: {  	_ =	shalt  }
0x54: {  	_ =	shalt  }
0x55: {  	_ =	shalt  }
0x56: {  	_ =	shalt  }
0x57: {  	_ =	shalt  }
0x58: {  	_ =	shalt  }
0x59: {  	_ =	shalt  }
0x5a: {  	_ =	shalt  }
0x5b: {  	_ =	shalt  }
0x5c: {  	_ =	shalt  }
0x5d: {  	_ =	shalt  }
0x5e: {  	_ =	shalt  }
0x5f: {  	_ =	shalt  }
0x60: {  	_ =	shalt  }
0x61: {  	_ =	shalt  }
0x62: {  	_ =	shalt  }
0x63: {  	_ =	shalt  }
0x64: {  	_ =	shalt  }
0x65: {  	_ =	shalt  }
0x66: {  	_ =	shalt  }
0x67: {  	_ =	shalt  }
0x68: {  	_ =	shalt  }
0x69: {  	_ =	shalt  }
0x6a: {  	_ =	shalt  }
0x6b: {  	_ =	shalt  }
0x6c: {  	_ =	shalt  }
0x6d: {  	_ =	shalt  }
0x6e: {  	_ =	shalt  }
0x6f: {  	_ =	shalt  }
0x70: {  	_ =	shalt  }
0x71: {  	_ =	shalt  }
0x72: {  	_ =	shalt  }
0x73: {  	_ =	shalt  }
0x74: {  	_ =	shalt  }
0x75: {  	_ =	shalt  }
0x76: {  	_ =	shalt  }
0x77: {  	_ =	shalt  }
0x78: {  	_ =	shalt  }
0x79: {  	_ =	shalt  }
0x7a: {  	_ =	shalt  }
0x7b: {  	_ =	shalt  }
0x7c: {  	_ =	shalt  }
0x7d: {  	_ =	shalt  }
0x7e: {  	_ =	shalt  }
0x7f: {  	_ =	shalt  }
0x80: {  	_ =	shalt  }
0x81: {  	_ =	shalt  }
0x82: {  	_ =	shalt  }
0x83: {  	_ =	shalt  }
0x84: {  	_ =	shalt  }
0x85: {  	_ =	shalt  }
0x86: {  	_ =	shalt  }
0x87: {  	_ =	shalt  }
.Lfunc_end0:
.L_simem_size_0:
called_computation_lowered:
.L_overlay_start_0:
0x88: {  	s2 =	sld [smem:$0x3FD9]  }
0x89: {  	s3 =	sld [smem:$0x3FFE];
	_ =	sdelay $0x1  }
0x8a: {  	s1 =	srdreg.scid  }
0x8b: {  	s0 =	sand.u32 $0x1, s1  }
0x8c: {  	s16 =	sshll.u32 s0, $0xA;
	s2 =	sadd.s32 s3, s2  }
0x8d: {  	s2 =	sadd.s32 s2, s16  }
0x8e: {  	[smem:$0x3FC2] =	sst s2  }
0x8f: {  	_ = 	snop  }
0x90: {  	(tm) =	ssettm $0x1  }
0x91: {  	s17 =	sld [smem:$0x3FFB];
	_ =	sdelay $0x3  }
0x92: {  	_ =	strace s17  }
0x93: {  	s2 =	sld [smem:$0x3FFC];
	_ =	sdelay $0x3  }
0x94: {  	_ =	strace s2  }
0x95: {  	s2 =	sld [smem:$0x3FFD];
	_ =	sdelay $0x3  }
0x96: {  	_ =	strace s2  }
0x97: {  	_ =	strace $0x8FFFFFFF  }
0x98: {  	s18 =	sld [smem:$0x3FDB];
	_ =	sdelay $0x1  }
0x99: {  	s19 =	simm.s32 $_scs_section_size  }
0x9a: {  	s4 =	simm.s32 $_size__tile_overlayer_lowered;
	s5 =	simm.s32 $_tile_overlayer_lowered  }
0x9b: {  	s22 =	simm.s32 $0x1BFF;
	s21 =	sshll.u32 s5, $0x1;
	s2 =	sadd.s32 s19, s18  }
0x9c: {  	s6 =	simm.s32 $0x0;
	s20 =	sshll.u32 s4, $0x1;
	s4 =	sadd.s32 s21, s2  }
0x9d: {  	[timem:s6], [sflag:s22] =	dma.local [hbm:s4], s20  }
0x9e: {  	_ =	swait.ge [sflag:s22], s20  }
0x9f: {  	s3 =	ssub.s32 $0x0, s20;
	[sflag:s22] =	ssyncset.done $0x0  }
0xa0: {  	[sflag:s22] =	ssyncadd.s32 s3;
	_ =	sdelay $0x1  }
0xa1: {  	s23 =	simm.s32 $0x1B8B  }
0xa2: {  	_ =	swait.ge [sflag:s23], $0x1  }
0xa3: {  	[sflag:s23] =	ssyncset.done $0x0  }
0xa4: {  	s25 =	simm.s32 $0x1B8E;
	s24 =	sld [smem:$0x3FFE];
	[sflag:s23] =	ssyncadd.s32 $0xFFFFFFFF  }
0xa5: {  	s26 =	simm.s32 $execute0_lowered;
	[smem:$0x3FD2] =	sst s25  }
0xa6: {  	s4 =	sshll.u32 s26, $0x1;
	_ =	strace $0x80000046;
	[dreg:$0x1] =	wrdreg $0xFFFFFFFF  }
0xa7: {  	s28 =	simm.s32 $_size_execute0_lowered;
	s2 =	sadd.s32 s2, s4;
	[dreg:$0x0] =	wrdreg $0x0  }
0xa8: {  	s4 =	sshll.u32 s28, $0x1;
	[dreg:$0x2] =	wrdreg s2  }
0xa9: {  	[dreg:$0x3] =	wrdreg s4  }
0xaa: {  	[dreg:$0x4] =	wrdreg $0xC0  }
0xab: {  	_ =	task [dreg:s6], $0x5FFFF  }
0xac: {  	[dreg:$0x1] =	wrdreg $0xFFFFFFFF  }
0xad: {  	[dreg:$0x0] =	wrdreg $0x60  }
0xae: {  	[dreg:$0x2] =	wrdreg s24  }
0xaf: {  	[dreg:$0x3] =	wrdreg $0x38000  }
0xb0: {  	[dreg:$0x4] =	wrdreg $0x9  }
0xb1: {  	_ =	task.clear_ibuf [dreg:s6], $0x5FFFF;
	_ =	strace $0x90000046  }
0xb2: {  	s29 =	simm.s32 $0x9;
	_ =	strace $0x80000048  }
0xb3: {  	_ =	swait.ge [sflag:s29], $0x1  }
0xb4: {  	[sflag:s29] =	ssyncadd.s32 $0xFFFFFFFF  }
0xb5: {  	_ =	strace $0x90000048  }
0xb6: {  	_ =	sfence  }
0xb7: {  	s30 =	sld [smem:$0x0];
	_ =	sdelay $0x2  }
0xb8: {  	s31 =	sshll.u32 s1, $0xD;
	s1 =	sshrl.u32 s1, $0x2  }
0xb9: {  	s3 =	sand.u32 $0x4000, s31;
	s1 =	sadd.s32 s1, s30  }
0xba: {  	s0 =	sor.u32 s3, s0;
	s1 =	sshll.u32 s1, $0x11  }
0xbb: {  	s0 =	sor.u32 s1, s0  }
0xbc: {  	s0 =	sadd.s32 $0x8F2B, s0  }
0xbd: {  	[sflag:s0] =	ssyncadd.remote.s32 $0x1  }
0xbe: {  	_ =	sfence.sel $0xFFFF  }
0xbf: {  	[dreg:$0x0] =	wrdreg $0xFFFFFFFF;
	(pc) =	sbr.abs _section_cstart, $3  }
0xc0: {  	[dreg:$0x1] =	wrdreg $0xFFFFFFFF  }
0xc1: {  	_ =	task.clear_ibuf [dreg:s6], $0x2FFFF;
	_ =	strace $0x9FFFFFFF  }
0xc2: {  	(tm) =	ssettm $0x7FFFFFFF  }
0xc3: {  	_ =	shalt  }
tec
execute0_lowered:
.L_overlay_start_1:
0x0: {  	(tag) =	ssettag $0x1  }
0x1: {  	s0 =	srdreg.scid;
	s1 =	rddreg [dreg:$0x0]  }
0x2: {  	s2 =	rddreg [dreg:$0x1];
	s3 =	simm.s32 $0x0;
	s12 =	simm.s32 $0x3000  }
0x3: {  	s13 =	simm.s32 $0x2;
	s14 =	simm.s32 $0x80;
	s15 =	simm.s32 $0x2800  }
0x4: {  	s21 =	simm.s32 $0x380;
	s22 =	simm.s32 $0x400;
	s23 =	simm.s32 $0x480  }
0x5: {  	s28 =	simm.s32 $0x600;
	s29 =	simm.s32 $0x680;
	s4 =	sand.u32 $0x1, s0  }
0x6: {  	s30 =	simm.s32 $0x700;
	s0 =	stileid.u32;
	s5 =	smul.u32 $0x28000, s4  }
0x7: {  	s31 =	simm.s32 $0x780;
	[smem:$0x7FF] =	sst s3;
	s7 =	smul.u32 $0x2800, s0  }
0x8: {  	s6 =	sshll.u32 s4, $0x4;
	s8 =	smul.u32 $0xA000, s0;
	s4 =	ssub.s32 $0x2, s4  }
0x9: {  	_ =	strace $0x80000047;
	s6 =	sor.u32 s0, s6;
	s25 =	sshrl.u32 s4, $0x1  }
0xa: {  	s5 =	sadd.s32 s7, s5;
	s6 =	smul.u32 $0x2800, s6;
	s8 =	sshrl.u32 s8, $0x2  }
0xb: {  	s10 =	ssub.s32 s4, s25;
	s26 =	sadd.s32 s7, s2;
	s5 =	sshrl.u32 s5, $0x3  }
0xc: {  	s4 =	sadd.s32 s8, s2;
	s7 =	smax.u32 s10, $0x1;
	s25 =	sshrl.u32 s26, $0x3  }
0xd: {  	s26 =	simm.s32 $0x580;
	s9 =	sadd.s32 s5, s1;
	s24 =	sshrl.u32 s6, $0x3  }
0xe: {  	s8 =	sadd.s32 $0x800, s4;
	s10 =	sadd.s32 $0x1800, s4;
	s11 =	sadd.s32 $0x2000, s4  }
0xf: {  	s1 =	sadd.s32 s1, s24;
	s6 =	sadd.s32 $0x17000, s9;
	s9 =	sadd.s32 $0x1000, s4  }
0x10: {  	v0 =	vimm.f32 $1.000000000e+00;
	v1 =	vimm.f32 $0.0e+00;
	s24 =	simm.s32 $0x500;
	s5 =	sadd.s32 $0xD000, s1;
	s1 =	simm.s32 $0x1  }
.LBB2_1:
0x11: {  	s16 =	simm.s32 $0x40;
	s17 =	simm.s32 $0x0  }
.LBB2_2:
0x12: {  	p0 =	sne.s32 s16, $0x1FC0;
	[tilespmem:s17+$0x2800] =	vst v0;
	s18 =	smov.u32 s16;
	s16 =	sadd.s32 $0x40, s16  }
.Ltmp0:
0x13: {  	[tilespmem:s17+$0x3000] =	vst v1;
	(pc) =	sbr.rel @p0 .LBB2_2-.Ltmp0, $2  }
0x14: {  	_ =	sdelay $0x2  }
0x15: {  	s17 =	sshra.s32 s18, $0x2  }
0x16: {  	[tilespmem:s17+$0x2800] =	vst v0  }
0x17: {  	[tilespmem:s17+$0x3000] =	vst v1  }
0x18: {  	[spmem:s4] =	stream.linear.scatter [tilespmem:s12], [sflag:$0x2], $0x800, $0x38;
	[tilespmem:$0x6000] =	vst v63  }
0x19: {  	_ =	swait.ge [sflag:s13], $0x800  }
0x1a: {  	[sflag:s13] =	ssyncset.done $0x0  }
0x1b: {  	[sflag:s13] =	ssyncadd.s32 $0xFFFFF800  }
0x1c: {  	[spmem:s8] =	stream.linear.scatter [tilespmem:s12], [sflag:$0x2], $0x800, $0x38;
	[tilespmem:$0x6000] =	vst v63  }
0x1d: {  	_ =	swait.ge [sflag:s13], $0x800  }
0x1e: {  	[sflag:s13] =	ssyncset.done $0x0  }
0x1f: {  	[sflag:s13] =	ssyncadd.s32 $0xFFFFF800  }
0x20: {  	[spmem:s9] =	stream.linear.scatter [tilespmem:s12], [sflag:$0x2], $0x800, $0x38;
	[tilespmem:$0x6000] =	vst v63  }
0x21: {  	_ =	swait.ge [sflag:s13], $0x800  }
0x22: {  	[sflag:s13] =	ssyncset.done $0x0  }
0x23: {  	[sflag:s13] =	ssyncadd.s32 $0xFFFFF800  }
0x24: {  	[spmem:s10] =	stream.linear.scatter [tilespmem:s12], [sflag:$0x2], $0x800, $0x38;
	[tilespmem:$0x6000] =	vst v63  }
0x25: {  	_ =	swait.ge [sflag:s13], $0x800  }
0x26: {  	[sflag:s13] =	ssyncset.done $0x0  }
0x27: {  	[sflag:s13] =	ssyncadd.s32 $0xFFFFF800  }
0x28: {  	[spmem:s11] =	stream.linear.scatter [tilespmem:s12], [sflag:$0x2], $0x800, $0x38;
	[tilespmem:$0x6000] =	vst v63  }
0x29: {  	_ =	swait.ge [sflag:s13], $0x800  }
0x2a: {  	[sflag:s13] =	ssyncset.done $0x0  }
0x2b: {  	s16 =	simm.s32 $0x0;
	[sflag:s13] =	ssyncadd.s32 $0xFFFFF800  }
0x2c: {  	[tilespmem:s16], [sflag:$0x2] =	stream.linear.gather [hbm4b:s5+s16], $0x2800, $0x38;
	[tilespmem:$0x6000] =	vst v63  }
0x2d: {  	_ =	swait.ge [sflag:s13], $0x2800  }
0x2e: {  	[sflag:s13] =	ssyncset.done $0x0  }
0x2f: {  	[sflag:s13] =	ssyncadd.s32 $0xFFFFD800  }
0x30: {  	[bflag:$0x0] =	sbarrier.arrive $0xFFFF  }
0x31: {  	[spmem:s2] =	stream.indirect.scatter.add.f32 [tilespmem:s15], [sflag:$0x1], $0x10, s16, s14, $0xb8;
	[tilespmem:$0x6000] =	vst v63  }
0x32: {  	_ = 	snop  }
0x33: {  	[spmem:s2] =	stream.indirect.scatter.add.f32 [tilespmem:s15], [sflag:$0x1], $0x10, s14, s14, $0xb8;
	[tilespmem:$0x6000] =	vst v63  }
0x34: {  	s20 =	simm.s32 $0x100  }
0x35: {  	[spmem:s2] =	stream.indirect.scatter.add.f32 [tilespmem:s15], [sflag:$0x1], $0x10, s20, s14, $0xb8;
	[tilespmem:$0x6000] =	vst v63  }
0x36: {  	s17 =	simm.s32 $0x180  }
0x37: {  	[spmem:s2] =	stream.indirect.scatter.add.f32 [tilespmem:s15], [sflag:$0x1], $0x10, s17, s14, $0xb8;
	[tilespmem:$0x6000] =	vst v63  }
0x38: {  	s18 =	simm.s32 $0x200  }
0x39: {  	[spmem:s2] =	stream.indirect.scatter.add.f32 [tilespmem:s15], [sflag:$0x1], $0x10, s18, s14, $0xb8;
	[tilespmem:$0x6000] =	vst v63  }
0x3a: {  	s19 =	simm.s32 $0x280  }
0x3b: {  	[spmem:s2] =	stream.indirect.scatter.add.f32 [tilespmem:s15], [sflag:$0x1], $0x10, s19, s14, $0xb8;
	[tilespmem:$0x6000] =	vst v63  }
0x3c: {  	s20 =	simm.s32 $0x300  }
0x3d: {  	[spmem:s2] =	stream.indirect.scatter.add.f32 [tilespmem:s15], [sflag:$0x1], $0x10, s20, s14, $0xb8;
	[tilespmem:$0x6000] =	vst v63  }
0x3e: {  	_ = 	snop  }
0x3f: {  	[spmem:s2] =	stream.indirect.scatter.add.f32 [tilespmem:s15], [sflag:$0x1], $0x10, s21, s14, $0xb8;
	[tilespmem:$0x6000] =	vst v63  }
0x40: {  	_ = 	snop  }
0x41: {  	[spmem:s2] =	stream.indirect.scatter.add.f32 [tilespmem:s15], [sflag:$0x1], $0x10, s22, s14, $0xb8;
	[tilespmem:$0x6000] =	vst v63  }
0x42: {  	_ = 	snop  }
0x43: {  	[spmem:s2] =	stream.indirect.scatter.add.f32 [tilespmem:s15], [sflag:$0x1], $0x10, s23, s14, $0xb8;
	[tilespmem:$0x6000] =	vst v63  }
0x44: {  	_ = 	snop  }
0x45: {  	[spmem:s2] =	stream.indirect.scatter.add.f32 [tilespmem:s15], [sflag:$0x1], $0x10, s24, s14, $0xb8;
	[tilespmem:$0x6000] =	vst v63  }
0x46: {  	_ = 	snop  }
0x47: {  	[spmem:s2] =	stream.indirect.scatter.add.f32 [tilespmem:s15], [sflag:$0x1], $0x10, s26, s14, $0xb8;
	[tilespmem:$0x6000] =	vst v63  }
0x48: {  	_ = 	snop  }
0x49: {  	[spmem:s2] =	stream.indirect.scatter.add.f32 [tilespmem:s15], [sflag:$0x1], $0x10, s28, s14, $0xb8;
	[tilespmem:$0x6000] =	vst v63  }
0x4a: {  	_ = 	snop  }
0x4b: {  	[spmem:s2] =	stream.indirect.scatter.add.f32 [tilespmem:s15], [sflag:$0x1], $0x10, s29, s14, $0xb8;
	[tilespmem:$0x6000] =	vst v63  }
0x4c: {  	_ = 	snop  }
0x4d: {  	[spmem:s2] =	stream.indirect.scatter.add.f32 [tilespmem:s15], [sflag:$0x1], $0x10, s30, s14, $0xb8;
	[tilespmem:$0x6000] =	vst v63  }
0x4e: {  	_ = 	snop  }
0x4f: {  	[spmem:s2] =	stream.indirect.scatter.add.f32 [tilespmem:s15], [sflag:$0x1], $0x10, s31, s14, $0xb8;
	[tilespmem:$0x6000] =	vst v63  }
0x50: {  	s17 =	simm.s32 $0x800  }
0x51: {  	[spmem:s2] =	stream.indirect.scatter.add.f32 [tilespmem:s15], [sflag:$0x1], $0x10, s17, s14, $0xb8;
	[tilespmem:$0x6000] =	vst v63  }
0x52: {  	s18 =	simm.s32 $0x880  }
0x53: {  	[spmem:s2] =	stream.indirect.scatter.add.f32 [tilespmem:s15], [sflag:$0x1], $0x10, s18, s14, $0xb8;
	[tilespmem:$0x6000] =	vst v63  }
0x54: {  	s19 =	simm.s32 $0x900  }
0x55: {  	[spmem:s2] =	stream.indirect.scatter.add.f32 [tilespmem:s15], [sflag:$0x1], $0x10, s19, s14, $0xb8;
	[tilespmem:$0x6000] =	vst v63  }
0x56: {  	s20 =	simm.s32 $0x980  }
0x57: {  	[spmem:s2] =	stream.indirect.scatter.add.f32 [tilespmem:s15], [sflag:$0x1], $0x10, s20, s14, $0xb8;
	[tilespmem:$0x6000] =	vst v63  }
0x58: {  	s17 =	simm.s32 $0xA00  }
0x59: {  	[spmem:s2] =	stream.indirect.scatter.add.f32 [tilespmem:s15], [sflag:$0x1], $0x10, s17, s14, $0xb8;
	[tilespmem:$0x6000] =	vst v63  }
0x5a: {  	s18 =	simm.s32 $0xA80  }
0x5b: {  	[spmem:s2] =	stream.indirect.scatter.add.f32 [tilespmem:s15], [sflag:$0x1], $0x10, s18, s14, $0xb8;
	[tilespmem:$0x6000] =	vst v63  }
0x5c: {  	s19 =	simm.s32 $0xB00  }
0x5d: {  	[spmem:s2] =	stream.indirect.scatter.add.f32 [tilespmem:s15], [sflag:$0x1], $0x10, s19, s14, $0xb8;
	[tilespmem:$0x6000] =	vst v63  }
0x5e: {  	s20 =	simm.s32 $0xB80  }
0x5f: {  	[spmem:s2] =	stream.indirect.scatter.add.f32 [tilespmem:s15], [sflag:$0x1], $0x10, s20, s14, $0xb8;
	[tilespmem:$0x6000] =	vst v63  }
0x60: {  	s17 =	simm.s32 $0xC00  }
0x61: {  	[spmem:s2] =	stream.indirect.scatter.add.f32 [tilespmem:s15], [sflag:$0x1], $0x10, s17, s14, $0xb8;
	[tilespmem:$0x6000] =	vst v63  }
0x62: {  	s18 =	simm.s32 $0xC80  }
0x63: {  	[spmem:s2] =	stream.indirect.scatter.add.f32 [tilespmem:s15], [sflag:$0x1], $0x10, s18, s14, $0xb8;
	[tilespmem:$0x6000] =	vst v63  }
0x64: {  	s19 =	simm.s32 $0xD00  }
0x65: {  	[spmem:s2] =	stream.indirect.scatter.add.f32 [tilespmem:s15], [sflag:$0x1], $0x10, s19, s14, $0xb8;
	[tilespmem:$0x6000] =	vst v63  }
0x66: {  	s20 =	simm.s32 $0xD80  }
0x67: {  	[spmem:s2] =	stream.indirect.scatter.add.f32 [tilespmem:s15], [sflag:$0x1], $0x10, s20, s14, $0xb8;
	[tilespmem:$0x6000] =	vst v63  }
0x68: {  	s17 =	simm.s32 $0xE00  }
0x69: {  	[spmem:s2] =	stream.indirect.scatter.add.f32 [tilespmem:s15], [sflag:$0x1], $0x10, s17, s14, $0xb8;
	[tilespmem:$0x6000] =	vst v63  }
0x6a: {  	s18 =	simm.s32 $0xE80  }
0x6b: {  	[spmem:s2] =	stream.indirect.scatter.add.f32 [tilespmem:s15], [sflag:$0x1], $0x10, s18, s14, $0xb8;
	[tilespmem:$0x6000] =	vst v63  }
0x6c: {  	s19 =	simm.s32 $0xF00  }
0x6d: {  	[spmem:s2] =	stream.indirect.scatter.add.f32 [tilespmem:s15], [sflag:$0x1], $0x10, s19, s14, $0xb8;
	[tilespmem:$0x6000] =	vst v63  }
0x6e: {  	s20 =	simm.s32 $0xF80  }
0x6f: {  	[spmem:s2] =	stream.indirect.scatter.add.f32 [tilespmem:s15], [sflag:$0x1], $0x10, s20, s14, $0xb8;
	[tilespmem:$0x6000] =	vst v63  }
0x70: {  	_ =	swait.ge [sflag:s1], $0x800  }
0x71: {  	[sflag:s1] =	ssyncset.done $0x0  }
0x72: {  	[sflag:s1] =	ssyncadd.s32 $0xFFFFF800  }
0x73: {  	_ =	swait.ge [sflag:s1], $0x800  }
0x74: {  	[sflag:s1] =	ssyncset.done $0x0  }
0x75: {  	[sflag:s1] =	ssyncadd.s32 $0xFFFFF800  }
0x76: {  	_ =	swait.ge [sflag:s1], $0x800  }
0x77: {  	[sflag:s1] =	ssyncset.done $0x0  }
0x78: {  	[sflag:s1] =	ssyncadd.s32 $0xFFFFF800  }
0x79: {  	_ =	swait.ge [sflag:s1], $0x800  }
0x7a: {  	[sflag:s1] =	ssyncset.done $0x0  }
0x7b: {  	[sflag:s1] =	ssyncadd.s32 $0xFFFFF800  }
0x7c: {  	_ =	swait.ge [sflag:s1], $0x800  }
0x7d: {  	[sflag:s1] =	ssyncset.done $0x0  }
0x7e: {  	[sflag:s1] =	ssyncadd.s32 $0xFFFFF800  }
0x7f: {  	_ =	swait.ge [sflag:s1], $0x800  }
0x80: {  	[sflag:s1] =	ssyncset.done $0x0  }
0x81: {  	[sflag:s1] =	ssyncadd.s32 $0xFFFFF800  }
0x82: {  	_ =	swait.ge [sflag:s1], $0x800  }
0x83: {  	[sflag:s1] =	ssyncset.done $0x0  }
0x84: {  	[sflag:s1] =	ssyncadd.s32 $0xFFFFF800  }
0x85: {  	_ =	swait.ge [sflag:s1], $0x800  }
0x86: {  	[sflag:s1] =	ssyncset.done $0x0  }
0x87: {  	[sflag:s1] =	ssyncadd.s32 $0xFFFFF800  }
0x88: {  	_ =	swait.ge [sflag:s1], $0x800  }
0x89: {  	[sflag:s1] =	ssyncset.done $0x0  }
0x8a: {  	[sflag:s1] =	ssyncadd.s32 $0xFFFFF800  }
0x8b: {  	_ =	swait.ge [sflag:s1], $0x800  }
0x8c: {  	[sflag:s1] =	ssyncset.done $0x0  }
0x8d: {  	[sflag:s1] =	ssyncadd.s32 $0xFFFFF800  }
0x8e: {  	_ =	swait.ge [sflag:s1], $0x800  }
0x8f: {  	[sflag:s1] =	ssyncset.done $0x0  }
0x90: {  	[sflag:s1] =	ssyncadd.s32 $0xFFFFF800  }
0x91: {  	_ =	swait.ge [sflag:s1], $0x800  }
0x92: {  	[sflag:s1] =	ssyncset.done $0x0  }
0x93: {  	[sflag:s1] =	ssyncadd.s32 $0xFFFFF800  }
0x94: {  	_ =	swait.ge [sflag:s1], $0x800  }
0x95: {  	[sflag:s1] =	ssyncset.done $0x0  }
0x96: {  	[sflag:s1] =	ssyncadd.s32 $0xFFFFF800  }
0x97: {  	_ =	swait.ge [sflag:s1], $0x800  }
0x98: {  	[sflag:s1] =	ssyncset.done $0x0  }
0x99: {  	[sflag:s1] =	ssyncadd.s32 $0xFFFFF800  }
0x9a: {  	_ =	swait.ge [sflag:s1], $0x800  }
0x9b: {  	[sflag:s1] =	ssyncset.done $0x0  }
0x9c: {  	[sflag:s1] =	ssyncadd.s32 $0xFFFFF800  }
0x9d: {  	_ =	swait.ge [sflag:s1], $0x800  }
0x9e: {  	s16 =	simm.s32 $0x4000;
	s18 =	simm.s32 $0x800;
	[sflag:s1] =	ssyncset.done $0x0  }
.LBB2_4:
0x9f: {  	s20 =	sadd.s32 $0x800, s18  }
0xa0: {  	[sflag:s1] =	ssyncadd.s32 $0xFFFFF800;
	s17 =	smov.u32 s16;
	s19 =	sadd.s32 $0x2000, s16  }
0xa1: {  	[spmem:s2] =	stream.indirect.scatter.add.f32 [tilespmem:s15], [sflag:$0x1], $0x10, s20, s14, $0xb8;
	[tilespmem:$0x6000] =	vst v63  }
0xa2: {  	p0 =	sne.s32 s16, $0x6000;
	s16 =	sadd.s32 $0x880, s18  }
0xa3: {  	[spmem:s2] =	stream.indirect.scatter.add.f32 [tilespmem:s15], [sflag:$0x1], $0x10, s16, s14, $0xb8;
	[tilespmem:$0x6000] =	vst v63  }
0xa4: {  	s16 =	sadd.s32 $0x900, s18  }
0xa5: {  	[spmem:s2] =	stream.indirect.scatter.add.f32 [tilespmem:s15], [sflag:$0x1], $0x10, s16, s14, $0xb8;
	[tilespmem:$0x6000] =	vst v63  }
0xa6: {  	s16 =	sadd.s32 $0x980, s18  }
0xa7: {  	[spmem:s2] =	stream.indirect.scatter.add.f32 [tilespmem:s15], [sflag:$0x1], $0x10, s16, s14, $0xb8;
	[tilespmem:$0x6000] =	vst v63  }
0xa8: {  	s16 =	sadd.s32 $0xA00, s18  }
0xa9: {  	[spmem:s2] =	stream.indirect.scatter.add.f32 [tilespmem:s15], [sflag:$0x1], $0x10, s16, s14, $0xb8;
	[tilespmem:$0x6000] =	vst v63  }
0xaa: {  	s16 =	sadd.s32 $0xA80, s18  }
0xab: {  	[spmem:s2] =	stream.indirect.scatter.add.f32 [tilespmem:s15], [sflag:$0x1], $0x10, s16, s14, $0xb8;
	[tilespmem:$0x6000] =	vst v63  }
0xac: {  	s16 =	sadd.s32 $0xB00, s18  }
0xad: {  	[spmem:s2] =	stream.indirect.scatter.add.f32 [tilespmem:s15], [sflag:$0x1], $0x10, s16, s14, $0xb8;
	[tilespmem:$0x6000] =	vst v63  }
0xae: {  	s16 =	sadd.s32 $0xB80, s18  }
0xaf: {  	[spmem:s2] =	stream.indirect.scatter.add.f32 [tilespmem:s15], [sflag:$0x1], $0x10, s16, s14, $0xb8;
	[tilespmem:$0x6000] =	vst v63  }
0xb0: {  	s16 =	sadd.s32 $0xC00, s18  }
0xb1: {  	[spmem:s2] =	stream.indirect.scatter.add.f32 [tilespmem:s15], [sflag:$0x1], $0x10, s16, s14, $0xb8;
	[tilespmem:$0x6000] =	vst v63  }
0xb2: {  	s16 =	sadd.s32 $0xC80, s18  }
0xb3: {  	[spmem:s2] =	stream.indirect.scatter.add.f32 [tilespmem:s15], [sflag:$0x1], $0x10, s16, s14, $0xb8;
	[tilespmem:$0x6000] =	vst v63  }
0xb4: {  	s16 =	sadd.s32 $0xD00, s18  }
0xb5: {  	[spmem:s2] =	stream.indirect.scatter.add.f32 [tilespmem:s15], [sflag:$0x1], $0x10, s16, s14, $0xb8;
	[tilespmem:$0x6000] =	vst v63  }
0xb6: {  	s16 =	sadd.s32 $0xD80, s18  }
0xb7: {  	[spmem:s2] =	stream.indirect.scatter.add.f32 [tilespmem:s15], [sflag:$0x1], $0x10, s16, s14, $0xb8;
	[tilespmem:$0x6000] =	vst v63  }
0xb8: {  	s16 =	sadd.s32 $0xE00, s18  }
0xb9: {  	[spmem:s2] =	stream.indirect.scatter.add.f32 [tilespmem:s15], [sflag:$0x1], $0x10, s16, s14, $0xb8;
	[tilespmem:$0x6000] =	vst v63  }
0xba: {  	s16 =	sadd.s32 $0xE80, s18  }
0xbb: {  	[spmem:s2] =	stream.indirect.scatter.add.f32 [tilespmem:s15], [sflag:$0x1], $0x10, s16, s14, $0xb8;
	[tilespmem:$0x6000] =	vst v63  }
0xbc: {  	s16 =	sadd.s32 $0xF00, s18  }
0xbd: {  	[spmem:s2] =	stream.indirect.scatter.add.f32 [tilespmem:s15], [sflag:$0x1], $0x10, s16, s14, $0xb8;
	[tilespmem:$0x6000] =	vst v63  }
0xbe: {  	s16 =	sadd.s32 $0xF80, s18  }
0xbf: {  	[spmem:s2] =	stream.indirect.scatter.add.f32 [tilespmem:s15], [sflag:$0x1], $0x10, s16, s14, $0xb8;
	[tilespmem:$0x6000] =	vst v63  }
0xc0: {  	_ =	swait.ge [sflag:s1], $0x800  }
0xc1: {  	[sflag:s1] =	ssyncset.done $0x0  }
0xc2: {  	[sflag:s1] =	ssyncadd.s32 $0xFFFFF800  }
0xc3: {  	_ =	swait.ge [sflag:s1], $0x800  }
0xc4: {  	[sflag:s1] =	ssyncset.done $0x0  }
0xc5: {  	[sflag:s1] =	ssyncadd.s32 $0xFFFFF800  }
0xc6: {  	_ =	swait.ge [sflag:s1], $0x800  }
0xc7: {  	[sflag:s1] =	ssyncset.done $0x0  }
0xc8: {  	[sflag:s1] =	ssyncadd.s32 $0xFFFFF800  }
0xc9: {  	_ =	swait.ge [sflag:s1], $0x800  }
0xca: {  	[sflag:s1] =	ssyncset.done $0x0  }
0xcb: {  	[sflag:s1] =	ssyncadd.s32 $0xFFFFF800  }
0xcc: {  	_ =	swait.ge [sflag:s1], $0x800  }
0xcd: {  	[sflag:s1] =	ssyncset.done $0x0  }
0xce: {  	[sflag:s1] =	ssyncadd.s32 $0xFFFFF800  }
0xcf: {  	_ =	swait.ge [sflag:s1], $0x800  }
0xd0: {  	[sflag:s1] =	ssyncset.done $0x0  }
0xd1: {  	[sflag:s1] =	ssyncadd.s32 $0xFFFFF800  }
0xd2: {  	_ =	swait.ge [sflag:s1], $0x800  }
0xd3: {  	[sflag:s1] =	ssyncset.done $0x0  }
0xd4: {  	[sflag:s1] =	ssyncadd.s32 $0xFFFFF800  }
0xd5: {  	_ =	swait.ge [sflag:s1], $0x800  }
0xd6: {  	[sflag:s1] =	ssyncset.done $0x0  }
0xd7: {  	[sflag:s1] =	ssyncadd.s32 $0xFFFFF800  }
0xd8: {  	_ =	swait.ge [sflag:s1], $0x800  }
0xd9: {  	[sflag:s1] =	ssyncset.done $0x0  }
0xda: {  	[sflag:s1] =	ssyncadd.s32 $0xFFFFF800  }
0xdb: {  	_ =	swait.ge [sflag:s1], $0x800  }
0xdc: {  	[sflag:s1] =	ssyncset.done $0x0  }
0xdd: {  	[sflag:s1] =	ssyncadd.s32 $0xFFFFF800  }
0xde: {  	_ =	swait.ge [sflag:s1], $0x800  }
0xdf: {  	[sflag:s1] =	ssyncset.done $0x0  }
0xe0: {  	[sflag:s1] =	ssyncadd.s32 $0xFFFFF800  }
0xe1: {  	_ =	swait.ge [sflag:s1], $0x800  }
0xe2: {  	[sflag:s1] =	ssyncset.done $0x0  }
0xe3: {  	[sflag:s1] =	ssyncadd.s32 $0xFFFFF800  }
0xe4: {  	_ =	swait.ge [sflag:s1], $0x800  }
0xe5: {  	[sflag:s1] =	ssyncset.done $0x0  }
0xe6: {  	[sflag:s1] =	ssyncadd.s32 $0xFFFFF800  }
0xe7: {  	_ =	swait.ge [sflag:s1], $0x800  }
0xe8: {  	[sflag:s1] =	ssyncset.done $0x0  }
0xe9: {  	[sflag:s1] =	ssyncadd.s32 $0xFFFFF800  }
.Ltmp1:
0xea: {  	_ =	swait.ge [sflag:s1], $0x800;
	(pc) =	sbr.rel @p0 .LBB2_4-.Ltmp1, $4  }
0xeb: {  	[sflag:s1] =	ssyncset.done $0x0  }
0xec: {  	[sflag:s1] =	ssyncadd.s32 $0xFFFFF800  }
0xed: {  	_ =	swait.ge [sflag:s1], $0x800  }
0xee: {  	s18 =	sshra.s32 s17, $0x2;
	s16 =	smov.u32 s19;
	[sflag:s1] =	ssyncset.done $0x0  }
0xef: {  	s16 =	sadd.s32 $0x800, s18;
	[sflag:s1] =	ssyncadd.s32 $0xFFFFF800  }
0xf0: {  	[spmem:s2] =	stream.indirect.scatter.add.f32 [tilespmem:s15], [sflag:$0x1], $0x10, s16, s14, $0xb8;
	[tilespmem:$0x6000] =	vst v63  }
0xf1: {  	s20 =	sadd.s32 $0x880, s18  }
0xf2: {  	[spmem:s2] =	stream.indirect.scatter.add.f32 [tilespmem:s15], [sflag:$0x1], $0x10, s20, s14, $0xb8;
	[tilespmem:$0x6000] =	vst v63  }
0xf3: {  	s17 =	sadd.s32 $0x900, s18  }
0xf4: {  	[spmem:s2] =	stream.indirect.scatter.add.f32 [tilespmem:s15], [sflag:$0x1], $0x10, s17, s14, $0xb8;
	[tilespmem:$0x6000] =	vst v63  }
0xf5: {  	s19 =	sadd.s32 $0x980, s18  }
0xf6: {  	[spmem:s2] =	stream.indirect.scatter.add.f32 [tilespmem:s15], [sflag:$0x1], $0x10, s19, s14, $0xb8;
	[tilespmem:$0x6000] =	vst v63  }
0xf7: {  	s20 =	sadd.s32 $0xA00, s18  }
0xf8: {  	[spmem:s2] =	stream.indirect.scatter.add.f32 [tilespmem:s15], [sflag:$0x1], $0x10, s20, s14, $0xb8;
	[tilespmem:$0x6000] =	vst v63  }
0xf9: {  	s17 =	sadd.s32 $0xA80, s18  }
0xfa: {  	[spmem:s2] =	stream.indirect.scatter.add.f32 [tilespmem:s15], [sflag:$0x1], $0x10, s17, s14, $0xb8;
	[tilespmem:$0x6000] =	vst v63  }
0xfb: {  	s19 =	sadd.s32 $0xB00, s18  }
0xfc: {  	[spmem:s2] =	stream.indirect.scatter.add.f32 [tilespmem:s15], [sflag:$0x1], $0x10, s19, s14, $0xb8;
	[tilespmem:$0x6000] =	vst v63  }
0xfd: {  	s20 =	sadd.s32 $0xB80, s18  }
0xfe: {  	[spmem:s2] =	stream.indirect.scatter.add.f32 [tilespmem:s15], [sflag:$0x1], $0x10, s20, s14, $0xb8;
	[tilespmem:$0x6000] =	vst v63  }
0xff: {  	s17 =	sadd.s32 $0xC00, s18  }
0x100: {  	[spmem:s2] =	stream.indirect.scatter.add.f32 [tilespmem:s15], [sflag:$0x1], $0x10, s17, s14, $0xb8;
	[tilespmem:$0x6000] =	vst v63  }
0x101: {  	s19 =	sadd.s32 $0xC80, s18  }
0x102: {  	[spmem:s2] =	stream.indirect.scatter.add.f32 [tilespmem:s15], [sflag:$0x1], $0x10, s19, s14, $0xb8;
	[tilespmem:$0x6000] =	vst v63  }
0x103: {  	s20 =	sadd.s32 $0xD00, s18  }
0x104: {  	[spmem:s2] =	stream.indirect.scatter.add.f32 [tilespmem:s15], [sflag:$0x1], $0x10, s20, s14, $0xb8;
	[tilespmem:$0x6000] =	vst v63  }
0x105: {  	s17 =	sadd.s32 $0xD80, s18  }
0x106: {  	[spmem:s2] =	stream.indirect.scatter.add.f32 [tilespmem:s15], [sflag:$0x1], $0x10, s17, s14, $0xb8;
	[tilespmem:$0x6000] =	vst v63  }
0x107: {  	s19 =	sadd.s32 $0xE00, s18  }
0x108: {  	[spmem:s2] =	stream.indirect.scatter.add.f32 [tilespmem:s15], [sflag:$0x1], $0x10, s19, s14, $0xb8;
	[tilespmem:$0x6000] =	vst v63  }
0x109: {  	s20 =	sadd.s32 $0xE80, s18  }
0x10a: {  	[spmem:s2] =	stream.indirect.scatter.add.f32 [tilespmem:s15], [sflag:$0x1], $0x10, s20, s14, $0xb8;
	[tilespmem:$0x6000] =	vst v63  }
0x10b: {  	s17 =	sadd.s32 $0xF00, s18  }
0x10c: {  	[spmem:s2] =	stream.indirect.scatter.add.f32 [tilespmem:s15], [sflag:$0x1], $0x10, s17, s14, $0xb8;
	[tilespmem:$0x6000] =	vst v63  }
0x10d: {  	s19 =	sadd.s32 $0xF80, s18  }
0x10e: {  	[spmem:s2] =	stream.indirect.scatter.add.f32 [tilespmem:s15], [sflag:$0x1], $0x10, s19, s14, $0xb8;
	[tilespmem:$0x6000] =	vst v63  }
0x10f: {  	_ =	swait.ge [sflag:s1], $0x800  }
0x110: {  	[sflag:s1] =	ssyncset.done $0x0  }
0x111: {  	[sflag:s1] =	ssyncadd.s32 $0xFFFFF800  }
0x112: {  	_ =	swait.ge [sflag:s1], $0x800  }
0x113: {  	[sflag:s1] =	ssyncset.done $0x0  }
0x114: {  	[sflag:s1] =	ssyncadd.s32 $0xFFFFF800  }
0x115: {  	_ =	swait.ge [sflag:s1], $0x800  }
0x116: {  	[sflag:s1] =	ssyncset.done $0x0  }
0x117: {  	[sflag:s1] =	ssyncadd.s32 $0xFFFFF800  }
0x118: {  	_ =	swait.ge [sflag:s1], $0x800  }
0x119: {  	[sflag:s1] =	ssyncset.done $0x0  }
0x11a: {  	[sflag:s1] =	ssyncadd.s32 $0xFFFFF800  }
0x11b: {  	_ =	swait.ge [sflag:s1], $0x800  }
0x11c: {  	[sflag:s1] =	ssyncset.done $0x0  }
0x11d: {  	[sflag:s1] =	ssyncadd.s32 $0xFFFFF800  }
0x11e: {  	_ =	swait.ge [sflag:s1], $0x800  }
0x11f: {  	[sflag:s1] =	ssyncset.done $0x0  }
0x120: {  	[sflag:s1] =	ssyncadd.s32 $0xFFFFF800  }
0x121: {  	_ =	swait.ge [sflag:s1], $0x800  }
0x122: {  	[sflag:s1] =	ssyncset.done $0x0  }
0x123: {  	[sflag:s1] =	ssyncadd.s32 $0xFFFFF800  }
0x124: {  	_ =	swait.ge [sflag:s1], $0x800  }
0x125: {  	[sflag:s1] =	ssyncset.done $0x0  }
0x126: {  	[sflag:s1] =	ssyncadd.s32 $0xFFFFF800  }
0x127: {  	_ =	swait.ge [sflag:s1], $0x800  }
0x128: {  	[sflag:s1] =	ssyncset.done $0x0  }
0x129: {  	[sflag:s1] =	ssyncadd.s32 $0xFFFFF800  }
0x12a: {  	_ =	swait.ge [sflag:s1], $0x800  }
0x12b: {  	[sflag:s1] =	ssyncset.done $0x0  }
0x12c: {  	[sflag:s1] =	ssyncadd.s32 $0xFFFFF800  }
0x12d: {  	_ =	swait.ge [sflag:s1], $0x800  }
0x12e: {  	[sflag:s1] =	ssyncset.done $0x0  }
0x12f: {  	[sflag:s1] =	ssyncadd.s32 $0xFFFFF800  }
0x130: {  	_ =	swait.ge [sflag:s1], $0x800  }
0x131: {  	[sflag:s1] =	ssyncset.done $0x0  }
0x132: {  	[sflag:s1] =	ssyncadd.s32 $0xFFFFF800  }
0x133: {  	_ =	swait.ge [sflag:s1], $0x800  }
0x134: {  	[sflag:s1] =	ssyncset.done $0x0  }
0x135: {  	[sflag:s1] =	ssyncadd.s32 $0xFFFFF800  }
0x136: {  	_ =	swait.ge [sflag:s1], $0x800  }
0x137: {  	[sflag:s1] =	ssyncset.done $0x0  }
0x138: {  	[sflag:s1] =	ssyncadd.s32 $0xFFFFF800  }
0x139: {  	_ =	swait.ge [sflag:s1], $0x800  }
0x13a: {  	[sflag:s1] =	ssyncset.done $0x0  }
0x13b: {  	[sflag:s1] =	ssyncadd.s32 $0xFFFFF800  }
0x13c: {  	_ =	swait.ge [sflag:s1], $0x800  }
0x13d: {  	[sflag:s1] =	ssyncset.done $0x0  }
0x13e: {  	[sflag:s1] =	ssyncadd.s32 $0xFFFFF800  }
0x13f: {  	_ =	swait.ge [sflag:s1], $0x800  }
0x140: {  	[sflag:s1] =	ssyncset.done $0x0  }
0x141: {  	[sflag:s1] =	ssyncadd.s32 $0xFFFFF800  }
0x142: {  	_ =	swait.ge [sflag:s1], $0x800  }
0x143: {  	[sflag:s1] =	ssyncset.done $0x0  }
0x144: {  	[sflag:s1] =	ssyncadd.s32 $0xFFFFF800  }
0x145: {  	_ =	swait.ge [sflag:s1], $0x800  }
0x146: {  	[sflag:s1] =	ssyncset.done $0x0  }
0x147: {  	[sflag:s1] =	ssyncadd.s32 $0xFFFFF800  }
0x148: {  	_ =	swait.ge [sflag:s1], $0x800  }
0x149: {  	[sflag:s1] =	ssyncset.done $0x0  }
0x14a: {  	[sflag:s1] =	ssyncadd.s32 $0xFFFFF800  }
0x14b: {  	_ =	swait.ge [sflag:s1], $0x800  }
0x14c: {  	[sflag:s1] =	ssyncset.done $0x0  }
0x14d: {  	[sflag:s1] =	ssyncadd.s32 $0xFFFFF800  }
0x14e: {  	_ =	swait.ge [sflag:s1], $0x800  }
0x14f: {  	[sflag:s1] =	ssyncset.done $0x0  }
0x150: {  	[sflag:s1] =	ssyncadd.s32 $0xFFFFF800  }
0x151: {  	_ =	swait.ge [sflag:s1], $0x800  }
0x152: {  	[sflag:s1] =	ssyncset.done $0x0  }
0x153: {  	[sflag:s1] =	ssyncadd.s32 $0xFFFFF800  }
0x154: {  	_ =	swait.ge [sflag:s1], $0x800  }
0x155: {  	[sflag:s1] =	ssyncset.done $0x0  }
0x156: {  	[sflag:s1] =	ssyncadd.s32 $0xFFFFF800  }
0x157: {  	_ =	swait.ge [sflag:s1], $0x800  }
0x158: {  	[sflag:s1] =	ssyncset.done $0x0  }
0x159: {  	[sflag:s1] =	ssyncadd.s32 $0xFFFFF800  }
0x15a: {  	_ =	swait.ge [sflag:s1], $0x800  }
0x15b: {  	[sflag:s1] =	ssyncset.done $0x0  }
0x15c: {  	[sflag:s1] =	ssyncadd.s32 $0xFFFFF800  }
0x15d: {  	_ =	swait.ge [sflag:s1], $0x800  }
0x15e: {  	[sflag:s1] =	ssyncset.done $0x0  }
0x15f: {  	[sflag:s1] =	ssyncadd.s32 $0xFFFFF800  }
0x160: {  	_ =	swait.ge [sflag:s1], $0x800  }
0x161: {  	[sflag:s1] =	ssyncset.done $0x0  }
0x162: {  	[sflag:s1] =	ssyncadd.s32 $0xFFFFF800  }
0x163: {  	_ =	swait.ge [sflag:s1], $0x800  }
0x164: {  	[sflag:s1] =	ssyncset.done $0x0  }
0x165: {  	[sflag:s1] =	ssyncadd.s32 $0xFFFFF800  }
0x166: {  	_ =	swait.ge [sflag:s1], $0x800  }
0x167: {  	[sflag:s1] =	ssyncset.done $0x0  }
0x168: {  	[sflag:s1] =	ssyncadd.s32 $0xFFFFF800  }
0x169: {  	_ =	swait.ge [sflag:s1], $0x800  }
0x16a: {  	[sflag:s1] =	ssyncset.done $0x0  }
0x16b: {  	[sflag:s1] =	ssyncadd.s32 $0xFFFFF800  }
0x16c: {  	_ =	swait.ge [sflag:s1], $0x800  }
0x16d: {  	s3 =	sadd.s32 $0x1, s3;
	[sflag:s1] =	ssyncset.done $0x0  }
0x16e: {  	p0 =	sne.s32 s3, s7;
	s20 =	sshll.u32 s0, $0x6;
	[sflag:s1] =	ssyncadd.s32 $0xFFFFF800  }
.Ltmp2:
0x16f: {  	s16 =	sor.u32 $0x1C02, s20;
	[bflag:$0x0] =	sbarrier.arrive $0xFFFF;
	(pc) =	sbr.rel @p0 .LBB2_1-.Ltmp2, $4  }
0x170: {  	[hbm:s6], [sflag:s16] =	dma.local [spmem:s25], $0x500  }
0x171: {  	_ =	swait.ge [sflag:s13], $0x500  }
0x172: {  	[sflag:s13] =	ssyncset.done $0x0  }
0x173: {  	[sflag:s13] =	ssyncadd.s32 $0xFFFFFB00  }
0x174: {  	_ =	sfence.sel $0x180000  }
0x175: {  	[bflag:$0x0] =	sbarrier.arrive $0xFFFF  }
0x176: {  	_ =	strace $0x90000047  }
0x177: {  	[bflag:$0x2] =	sbarrier.arrive $0xFFFF  }
0x178: {  	p0 =	sne.s32 s0, $0x0;
	s0 =	rddreg [dreg:$0x2]  }
0x179: {  	s0 =	sadd.s32 @!p0 $0x100000, s0  }
0x17a: {  	[sflag:s0] =	ssyncadd.tile.s32 @!p0 $0x1;
	_ =	shalt  }
.Lfunc_end2:
_tile_overlayer_lowered:
.L_overlay_start_2:
0x17b: {  	(tag) =	ssettag $0x2  }
0x17c: {  	s0 =	rddreg [dreg:$0x0];
	s2 =	stileid.u32  }
0x17d: {  	s1 =	rddreg [dreg:$0x1];
	p0 =	sne.s32 s2, $0x0  }
0x17e: {  	s3 =	rddreg [dreg:$0x2];
	[bflag:$0x3] =	sbarrier.arrive $0xFFFF;
	s2 =	simm.s32 @!p0 $0x1C02  }
0x17f: {  	[timem:s3], [sflag:s2] =	dma.local @!p0 [hbm:s0], s1  }
0x180: {  	s0 =	simm.s32 @!p0 $0x2  }
0x181: {  	_ =	swait.ge @!p0 [sflag:s0], s1  }
0x182: {  	s1 =	ssub.s32 @!p0 $0x0, s1;
	[sflag:s0] =	ssyncset.done @!p0 $0x0  }
0x183: {  	[sflag:s0] =	ssyncadd.s32 @!p0 s1  }
0x184: {  	[bflag:$0x3] =	sbarrier.arrive $0xFFFF  }
0x185: {  	_ =	shalt  }

</sc_bundles>
